<compile_context>
chip_gen: v7x
topology: tpu7x:2x2x1
jax: 0.10.2.dev20260603
libtpu: 0.0.44.dev20260713+nightly
codegen_flags: <defaults>
</compile_context>

<pallas_src>
import functools

import jax
import jax.numpy as jnp
from jax import lax
from jax.experimental import pallas as pl
from jax.experimental.pallas import tpu as pltpu
from jax.experimental.pallas import tpu_sc as plsc

H = 768
NW = 32
CG = 64
NR = 2
CHUNKS = (16, 16, 16, 16)
EPS = 1e-12


def _sc_gather(ids_flat, word_emb):
    TOK = ids_flat.shape[0]
    TPW = TOK // NW
    NIT = TPW // CG

    mesh = plsc.VectorSubcoreMesh(core_axis_name="c", subcore_axis_name="s")

    @functools.partial(
        pl.kernel,
        out_type=jax.ShapeDtypeStruct((TOK, H), jnp.float32),
        mesh=mesh,
        scratch_types=[
            pltpu.VMEM((TPW,), jnp.int32),
            pltpu.VMEM((NR * CG, H), jnp.float32),
            pltpu.SemaphoreType.DMA((NR,)),
            pltpu.SemaphoreType.DMA((NR,)),
        ],
    )
    def gather_k(ids_h, wemb_h, st_h, idx_v, rows, gsem, osem):
        w = lax.axis_index("s") * 2 + lax.axis_index("c")
        t0 = w * TPW
        pltpu.sync_copy(ids_h.at[pl.ds(t0, TPW)], idx_v)

        def gdesc(j):
            p = lax.rem(j, NR)
            return pltpu.make_async_copy(
                wemb_h.at[idx_v.at[pl.ds(j * CG, CG)]],
                rows.at[pl.ds(p * CG, CG)], gsem.at[p])

        def odesc(j):
            p = lax.rem(j, NR)
            return pltpu.make_async_copy(
                rows.at[pl.ds(p * CG, CG)],
                st_h.at[pl.ds(t0 + j * CG, CG)], osem.at[p])

        gdesc(jnp.int32(0)).start()

        def body(j, c):
            @pl.when(j + 1 < NIT)
            def _():
                @pl.when(j >= NR - 1)
                def _():
                    odesc(j + 1 - NR).wait()
                gdesc(j + 1).start()

            gdesc(j).wait()
            odesc(j).start()
            return c

        lax.fori_loop(0, NIT, body, 0)
        for jj in range(max(0, NIT - NR), NIT):
            odesc(jnp.int32(jj)).wait()

    return gather_k(ids_flat, word_emb)


def _tc_add_ln(prev, staged, ttf3, pos_emb, type_emb, gamma2, beta2,
               BC, S, b0, BTOT):

    def body(*refs):
        if b0 > 0:
            refs = refs[1:]
        st_ref, tt_ref, pos_ref, ty_ref, gam_ref, bet_ref, o_ref = refs
        x = st_ref[...] + pos_ref[...]
        t0 = ty_ref[0, :]
        d = ty_ref[1, :] - t0
        tt = tt_ref[0, 0, :]
        x = x + t0[None, :] + tt[:, None] * d[None, :]
        m = jnp.mean(x, axis=-1, keepdims=True)
        xc = x - m
        var = jnp.mean(xc * xc, axis=-1, keepdims=True)
        inv = lax.rsqrt(var + EPS)
        o_ref[...] = xc * inv * gam_ref[...] + bet_ref[...]

    in_specs = [
        pl.BlockSpec((S, H), lambda i: (i, 0)),
        pl.BlockSpec((1, 1, S), lambda i: (i, 0, 0)),
        pl.BlockSpec((S, H), lambda i: (0, 0)),
        pl.BlockSpec((2, H), lambda i: (0, 0)),
        pl.BlockSpec((1, H), lambda i: (0, 0)),
        pl.BlockSpec((1, H), lambda i: (0, 0)),
    ]
    args = [staged, ttf3, pos_emb, type_emb, gamma2, beta2]
    aliases = {}
    if b0 > 0:
        in_specs = [pl.BlockSpec(memory_space=pl.ANY)] + in_specs
        args = [prev] + args
        aliases = {0: 0}

    return pl.pallas_call(
        body,
        grid=(BC,),
        in_specs=in_specs,
        out_specs=pl.BlockSpec((S, H), lambda i: (i + b0, 0)),
        out_shape=jax.ShapeDtypeStruct((BTOT * S, H), jnp.float32),
        input_output_aliases=aliases,
        compiler_params=pltpu.CompilerParams(
            dimension_semantics=("arbitrary",)),
    )(*args)


def kernel(input_ids, token_type_ids, word_emb, pos_emb, type_emb, gamma, beta):
    B, S = input_ids.shape
    ids_flat = input_ids.reshape(-1)
    ttf3 = token_type_ids.astype(jnp.float32).reshape(B, 1, S)
    gamma2 = gamma.reshape(1, H)
    beta2 = beta.reshape(1, H)
    out = None
    b0 = 0
    for BC in CHUNKS:
        staged = _sc_gather(
            lax.slice_in_dim(ids_flat, b0 * S, (b0 + BC) * S), word_emb)
        out = _tc_add_ln(out, staged,
                         lax.slice_in_dim(ttf3, b0, b0 + BC),
                         pos_emb, type_emb, gamma2, beta2, BC, S, b0, B)
        b0 += BC
    return out.reshape(B, S, H)

# --- scband reference (transcript-rebuilt; emitter-appended) ---
"""Pipeline reference for scband-bert-embeddings-63702954934686 (READ-ONLY COPY).

The authoritative reference and input builder live on the scoring server;
editing this copy changes nothing except your own understanding.
"""

import jax, jax.numpy as jnp
import numpy as np

VOCAB = 30522
HIDDEN = 768
MAX_POS = 512
TYPE_VOCAB = 2
B = 64
S = 512
EPS = 1e-12

def setup_inputs(seed: int = 0) -> dict:
    key = jax.random.key(seed)
    k1 = jax.random.fold_in(key, 1)
    k2 = jax.random.fold_in(key, 2)
    k3 = jax.random.fold_in(key, 3)
    k4 = jax.random.fold_in(key, 4)
    k5 = jax.random.fold_in(key, 5)
    input_ids = jax.random.randint(k1, (B, S), 0, VOCAB, dtype=jnp.int64 if jax.config.jax_enable_x64 else jnp.int32)
    token_type_ids = jax.random.randint(k2, (B, S), 0, TYPE_VOCAB, dtype=jnp.int64 if jax.config.jax_enable_x64 else jnp.int32)
    word_emb = jax.random.normal(k3, (VOCAB, HIDDEN), dtype=jnp.float32) * 0.02
    pos_emb = jax.random.normal(k4, (MAX_POS, HIDDEN), dtype=jnp.float32) * 0.02
    type_emb = jax.random.normal(k5, (TYPE_VOCAB, HIDDEN), dtype=jnp.float32) * 0.02
    gamma = jnp.ones((HIDDEN,), dtype=jnp.float32)
    beta = jnp.zeros((HIDDEN,), dtype=jnp.float32)
    return {
        "input_ids": input_ids,
        "token_type_ids": token_type_ids,
        "word_emb": word_emb,
        "pos_emb": pos_emb,
        "type_emb": type_emb,
        "gamma": gamma,
        "beta": beta,
    }

def _layer_norm(x, gamma, beta):
    mean = jnp.mean(x, axis=-1, keepdims=True)
    var = jnp.mean(jnp.square(x - mean), axis=-1, keepdims=True)
    xn = (x - mean) / jnp.sqrt(var + EPS)
    return xn * gamma + beta

def reference(input_ids, token_type_ids, word_emb, pos_emb, type_emb, gamma, beta):
    seq_length = input_ids.shape[1]
    position_ids = jnp.arange(seq_length)[None, :]
    position_ids = jnp.broadcast_to(position_ids, input_ids.shape)
    words = jnp.take(word_emb, input_ids, axis=0)
    positions = jnp.take(pos_emb, position_ids, axis=0)
    token_types = jnp.take(type_emb, token_type_ids, axis=0)
    x = words + positions + token_types
    x = _layer_norm(x, gamma, beta)
    # dropout is identity in eval mode
    return x

if __name__ == "__main__":
    import jax
    _d = setup_inputs()
    print(jax.jit(kernel)(*tuple(_d.values())))

</pallas_src>

<mosaic_0001>
#map = affine_map<(d0, d1) -> (0)>
#map1 = affine_map<(d0, d1) -> (0, 0)>
module attributes {stable_mosaic.version = 14 : i64} {
  func.func @gather_k(%arg0: i32, %arg1: i32, %arg2: memref<8192xi32, #tpu.memory_space<hbm>>, %arg3: memref<30522x768xf32, #tpu.memory_space<hbm>>, %arg4: memref<8192x768xf32, #tpu.memory_space<hbm>>, %arg5: memref<256xi32, #tpu.memory_space<vmem>>, %arg6: memref<128x768xf32, #tpu.memory_space<vmem>>, %arg7: memref<2x!tpu.dma_semaphore, #tpu.memory_space<semaphore_mem>>, %arg8: memref<2x!tpu.dma_semaphore, #tpu.memory_space<semaphore_mem>>) attributes {dimension_semantics = [#tpu.dimension_semantics<core_parallel>, #tpu.dimension_semantics<subcore_parallel>], iteration_bounds = array<i64: 2, 16>, scalar_prefetch = 0 : i64, scratch_operands = 4 : i64, tpu.core_type = #tpu.core_type<sc_vector_subcore>, window_params = [{transform_indices = #map}, {transform_indices = #map1}, {transform_indices = #map1}]} {
    %mul3A = arith.constant 2 : i32
    %mul3A_0 = arith.muli %arg1, %mul3A : i32
    %add3A = arith.addi %mul3A_0, %arg0 : i32
    %mul3A_1 = arith.constant 256 : i32
    %mul3A_2 = arith.muli %add3A, %mul3A_1 : i32
    "tpu.region"() ({
      %run_scoped3A = tpu.sem_alloc : memref<!tpu.dma_semaphore, #tpu.memory_space<semaphore_mem>>
      %dma_start3A_59 = tpu.memref_slice %arg2[%mul3A_2] : memref<8192xi32, #tpu.memory_space<hbm>> -> memref<256xi32, #tpu.memory_space<hbm>>
      %dma_start3A_60 = tpu.memref_slice %arg2[%mul3A_2] : memref<8192xi32, #tpu.memory_space<hbm>> -> memref<256xi32, #tpu.memory_space<hbm>>
      tpu.enqueue_dma source(%dma_start3A_60 : memref<256xi32, #tpu.memory_space<hbm>>) target(%arg5 : memref<256xi32, #tpu.memory_space<vmem>>) target_semaphore(%run_scoped3A : memref<!tpu.dma_semaphore, #tpu.memory_space<semaphore_mem>>)
      %dma_wait3A_61 = tpu.memref_slice %arg2[%mul3A_2] : memref<8192xi32, #tpu.memory_space<hbm>> -> memref<256xi32, #tpu.memory_space<hbm>>
      %dma_wait3A_62 = tpu.memref_slice %arg2[%mul3A_2] : memref<8192xi32, #tpu.memory_space<hbm>> -> memref<256xi32, #tpu.memory_space<hbm>>
      tpu.wait_dma2 semaphore(%run_scoped3A : memref<!tpu.dma_semaphore, #tpu.memory_space<semaphore_mem>>) src(%dma_wait3A_62 : memref<256xi32, #tpu.memory_space<hbm>>) dst(%arg5 : memref<256xi32, #tpu.memory_space<vmem>>)
      tpu.yield
    }) : () -> ()
    %rem3A = arith.constant 0 : i32
    %rem3A_3 = arith.constant 2 : i32
    %rem3A_4 = arith.remsi %rem3A, %rem3A_3 : i32
    %mul3A_5 = arith.constant 0 : i32
    %mul3A_6 = arith.constant 64 : i32
    %mul3A_7 = arith.muli %mul3A_5, %mul3A_6 : i32
    %mul3A_8 = arith.constant 64 : i32
    %mul3A_9 = arith.muli %rem3A_4, %mul3A_8 : i32
    %dma_start3A = arith.constant 0 : i32
    %dma_start3A_10 = tpu.memref_slice %arg6[%mul3A_9, %dma_start3A] : memref<128x768xf32, #tpu.memory_space<vmem>> -> memref<64x768xf32, #tpu.memory_space<vmem>>
    %dma_start3A_11 = tpu.memref_slice %arg5[%mul3A_7] : memref<256xi32, #tpu.memory_space<vmem>> -> memref<64xi32, #tpu.memory_space<vmem>>
    %dma_start3A_12 = arith.constant 0 : i32
    %dma_start3A_13 = arith.constant 0 : i32
    %dma_start3A_14 = tpu.memref_slice %arg3[%dma_start3A_12, %dma_start3A_13] : memref<30522x768xf32, #tpu.memory_space<hbm>> -> memref<30522x768xf32, #tpu.memory_space<hbm>>
    %dma_start3A_15 = tpu.memref_slice %arg7[%rem3A_4] : memref<2x!tpu.dma_semaphore, #tpu.memory_space<semaphore_mem>> -> memref<1x!tpu.dma_semaphore, #tpu.memory_space<semaphore_mem>>
    %dma_start3A_16 = tpu.memref_squeeze %dma_start3A_15 : memref<1x!tpu.dma_semaphore, #tpu.memory_space<semaphore_mem>> -> memref<!tpu.dma_semaphore, #tpu.memory_space<semaphore_mem>>
    tpu.enqueue_indirect_dma source(%dma_start3A_14 : memref<30522x768xf32, #tpu.memory_space<hbm>>) target(%dma_start3A_10 : memref<64x768xf32, #tpu.memory_space<vmem>>) offsets(%dma_start3A_11 : memref<64xi32, #tpu.memory_space<vmem>>) semaphore(%dma_start3A_16 : memref<!tpu.dma_semaphore, #tpu.memory_space<semaphore_mem>>)
    %scan3A = arith.constant 0 : i32
    %scan3A_17 = arith.constant 0 : i32
    %scan3A_18 = arith.constant 4 : i32
    %scan3A_19 = arith.addi %scan3A_17, %scan3A_18 : i32
    %scan3A_20 = arith.constant 1 : i32
    scf.for %scan3A_59 = %scan3A_17 to %scan3A_19 step %scan3A_20  : i32 {
      %add3A_60 = arith.constant 1 : i32
      %add3A_61 = arith.addi %scan3A_59, %add3A_60 : i32
      %lt3A = arith.constant 4 : i32
      %lt3A_62 = arith.cmpi slt, %add3A_61, %lt3A : i32
      %convert_element_type3A = arith.extui %lt3A_62 : i1 to i32
      %cond3A = arith.constant 0 : i32
      %cond3A_63 = arith.cmpi ne, %convert_element_type3A, %cond3A : i32
      scf.if %cond3A_63 {
        %ge3A = arith.constant 1 : i32
        %ge3A_95 = arith.cmpi sge, %scan3A_59, %ge3A : i32
        %convert_element_type3A_96 = arith.extui %ge3A_95 : i1 to i32
        %cond3A_97 = arith.constant 0 : i32
        %cond3A_98 = arith.cmpi ne, %convert_element_type3A_96, %cond3A_97 : i32
        scf.if %cond3A_98 {
          %add3A_115 = arith.constant 1 : i32
          %add3A_116 = arith.addi %scan3A_59, %add3A_115 : i32
          %sub3A = arith.constant 2 : i32
          %sub3A_117 = arith.subi %add3A_116, %sub3A : i32
          %rem3A_118 = arith.constant 2 : i32
          %rem3A_119 = arith.remsi %sub3A_117, %rem3A_118 : i32
          %mul3A_120 = arith.constant 64 : i32
          %mul3A_121 = arith.muli %rem3A_119, %mul3A_120 : i32
          %mul3A_122 = arith.constant 64 : i32
          %mul3A_123 = arith.muli %sub3A_117, %mul3A_122 : i32
          %add3A_124 = arith.addi %mul3A_2, %mul3A_123 : i32
          %dma_wait3A_125 = arith.constant 0 : i32
          %dma_wait3A_126 = tpu.memref_slice %arg6[%mul3A_121, %dma_wait3A_125] : memref<128x768xf32, #tpu.memory_space<vmem>> -> memref<64x768xf32, #tpu.memory_space<vmem>>
          %dma_wait3A_127 = arith.constant 0 : i32
          %dma_wait3A_128 = tpu.memref_slice %arg4[%add3A_124, %dma_wait3A_127] : memref<8192x768xf32, #tpu.memory_space<hbm>> -> memref<64x768xf32, #tpu.memory_space<hbm>>
          %dma_wait3A_129 = tpu.memref_slice %arg8[%rem3A_119] : memref<2x!tpu.dma_semaphore, #tpu.memory_space<semaphore_mem>> -> memref<1x!tpu.dma_semaphore, #tpu.memory_space<semaphore_mem>>
          %dma_wait3A_130 = tpu.memref_squeeze %dma_wait3A_129 : memref<1x!tpu.dma_semaphore, #tpu.memory_space<semaphore_mem>> -> memref<!tpu.dma_semaphore, #tpu.memory_space<semaphore_mem>>
          %dma_wait3A_131 = arith.constant 0 : i32
          %dma_wait3A_132 = tpu.memref_slice %arg4[%add3A_124, %dma_wait3A_131] : memref<8192x768xf32, #tpu.memory_space<hbm>> -> memref<64x768xf32, #tpu.memory_space<hbm>>
          %dma_wait3A_133 = arith.constant 0 : i32
          %dma_wait3A_134 = tpu.memref_slice %arg6[%mul3A_121, %dma_wait3A_133] : memref<128x768xf32, #tpu.memory_space<vmem>> -> memref<64x768xf32, #tpu.memory_space<vmem>>
          tpu.wait_dma2 semaphore(%dma_wait3A_130 : memref<!tpu.dma_semaphore, #tpu.memory_space<semaphore_mem>>) src(%dma_wait3A_134 : memref<64x768xf32, #tpu.memory_space<vmem>>) dst(%dma_wait3A_132 : memref<64x768xf32, #tpu.memory_space<hbm>>)
        } else {
        }
        %add3A_99 = arith.constant 1 : i32
        %add3A_100 = arith.addi %scan3A_59, %add3A_99 : i32
        %rem3A_101 = arith.constant 2 : i32
        %rem3A_102 = arith.remsi %add3A_100, %rem3A_101 : i32
        %mul3A_103 = arith.constant 64 : i32
        %mul3A_104 = arith.muli %add3A_100, %mul3A_103 : i32
        %mul3A_105 = arith.constant 64 : i32
        %mul3A_106 = arith.muli %rem3A_102, %mul3A_105 : i32
        %dma_start3A_107 = arith.constant 0 : i32
        %dma_start3A_108 = tpu.memref_slice %arg6[%mul3A_106, %dma_start3A_107] : memref<128x768xf32, #tpu.memory_space<vmem>> -> memref<64x768xf32, #tpu.memory_space<vmem>>
        %dma_start3A_109 = tpu.memref_slice %arg5[%mul3A_104] : memref<256xi32, #tpu.memory_space<vmem>> -> memref<64xi32, #tpu.memory_space<vmem>>
        %dma_start3A_110 = arith.constant 0 : i32
        %dma_start3A_111 = arith.constant 0 : i32
        %dma_start3A_112 = tpu.memref_slice %arg3[%dma_start3A_110, %dma_start3A_111] : memref<30522x768xf32, #tpu.memory_space<hbm>> -> memref<30522x768xf32, #tpu.memory_space<hbm>>
        %dma_start3A_113 = tpu.memref_slice %arg7[%rem3A_102] : memref<2x!tpu.dma_semaphore, #tpu.memory_space<semaphore_mem>> -> memref<1x!tpu.dma_semaphore, #tpu.memory_space<semaphore_mem>>
        %dma_start3A_114 = tpu.memref_squeeze %dma_start3A_113 : memref<1x!tpu.dma_semaphore, #tpu.memory_space<semaphore_mem>> -> memref<!tpu.dma_semaphore, #tpu.memory_space<semaphore_mem>>
        tpu.enqueue_indirect_dma source(%dma_start3A_112 : memref<30522x768xf32, #tpu.memory_space<hbm>>) target(%dma_start3A_108 : memref<64x768xf32, #tpu.memory_space<vmem>>) offsets(%dma_start3A_109 : memref<64xi32, #tpu.memory_space<vmem>>) semaphore(%dma_start3A_114 : memref<!tpu.dma_semaphore, #tpu.memory_space<semaphore_mem>>)
      } else {
      }
      %rem3A_64 = arith.constant 2 : i32
      %rem3A_65 = arith.remsi %scan3A_59, %rem3A_64 : i32
      %mul3A_66 = arith.constant 64 : i32
      %mul3A_67 = arith.muli %scan3A_59, %mul3A_66 : i32
      %mul3A_68 = arith.constant 64 : i32
      %mul3A_69 = arith.muli %rem3A_65, %mul3A_68 : i32
      %dma_wait3A_70 = arith.constant 0 : i32
      %dma_wait3A_71 = tpu.memref_slice %arg6[%mul3A_69, %dma_wait3A_70] : memref<128x768xf32, #tpu.memory_space<vmem>> -> memref<64x768xf32, #tpu.memory_space<vmem>>
      %dma_wait3A_72 = tpu.memref_slice %arg5[%mul3A_67] : memref<256xi32, #tpu.memory_space<vmem>> -> memref<64xi32, #tpu.memory_space<vmem>>
      %dma_wait3A_73 = arith.constant 0 : i32
      %dma_wait3A_74 = arith.constant 0 : i32
      %dma_wait3A_75 = tpu.memref_slice %arg3[%dma_wait3A_73, %dma_wait3A_74] : memref<30522x768xf32, #tpu.memory_space<hbm>> -> memref<30522x768xf32, #tpu.memory_space<hbm>>
      %dma_wait3A_76 = tpu.memref_slice %arg7[%rem3A_65] : memref<2x!tpu.dma_semaphore, #tpu.memory_space<semaphore_mem>> -> memref<1x!tpu.dma_semaphore, #tpu.memory_space<semaphore_mem>>
      %dma_wait3A_77 = tpu.memref_squeeze %dma_wait3A_76 : memref<1x!tpu.dma_semaphore, #tpu.memory_space<semaphore_mem>> -> memref<!tpu.dma_semaphore, #tpu.memory_space<semaphore_mem>>
      tpu.wait_indirect_dma semaphore(%dma_wait3A_77 : memref<!tpu.dma_semaphore, #tpu.memory_space<semaphore_mem>>) src(%dma_wait3A_75 : memref<30522x768xf32, #tpu.memory_space<hbm>>) dst(%dma_wait3A_71 : memref<64x768xf32, #tpu.memory_space<vmem>>)
      %rem3A_78 = arith.constant 2 : i32
      %rem3A_79 = arith.remsi %scan3A_59, %rem3A_78 : i32
      %mul3A_80 = arith.constant 64 : i32
      %mul3A_81 = arith.muli %rem3A_79, %mul3A_80 : i32
      %mul3A_82 = arith.constant 64 : i32
      %mul3A_83 = arith.muli %scan3A_59, %mul3A_82 : i32
      %add3A_84 = arith.addi %mul3A_2, %mul3A_83 : i32
      %dma_start3A_85 = arith.constant 0 : i32
      %dma_start3A_86 = tpu.memref_slice %arg6[%mul3A_81, %dma_start3A_85] : memref<128x768xf32, #tpu.memory_space<vmem>> -> memref<64x768xf32, #tpu.memory_space<vmem>>
      %dma_start3A_87 = arith.constant 0 : i32
      %dma_start3A_88 = tpu.memref_slice %arg4[%add3A_84, %dma_start3A_87] : memref<8192x768xf32, #tpu.memory_space<hbm>> -> memref<64x768xf32, #tpu.memory_space<hbm>>
      %dma_start3A_89 = tpu.memref_slice %arg8[%rem3A_79] : memref<2x!tpu.dma_semaphore, #tpu.memory_space<semaphore_mem>> -> memref<1x!tpu.dma_semaphore, #tpu.memory_space<semaphore_mem>>
      %dma_start3A_90 = tpu.memref_squeeze %dma_start3A_89 : memref<1x!tpu.dma_semaphore, #tpu.memory_space<semaphore_mem>> -> memref<!tpu.dma_semaphore, #tpu.memory_space<semaphore_mem>>
      %dma_start3A_91 = arith.constant 0 : i32
      %dma_start3A_92 = tpu.memref_slice %arg4[%add3A_84, %dma_start3A_91] : memref<8192x768xf32, #tpu.memory_space<hbm>> -> memref<64x768xf32, #tpu.memory_space<hbm>>
      %dma_start3A_93 = arith.constant 0 : i32
      %dma_start3A_94 = tpu.memref_slice %arg6[%mul3A_81, %dma_start3A_93] : memref<128x768xf32, #tpu.memory_space<vmem>> -> memref<64x768xf32, #tpu.memory_space<vmem>>
      tpu.enqueue_dma source(%dma_start3A_94 : memref<64x768xf32, #tpu.memory_space<vmem>>) target(%dma_start3A_92 : memref<64x768xf32, #tpu.memory_space<hbm>>) target_semaphore(%dma_start3A_90 : memref<!tpu.dma_semaphore, #tpu.memory_space<semaphore_mem>>)
    }
    %scan3A_21 = arith.constant 4 : i32
    %rem3A_22 = arith.constant 2 : i32
    %rem3A_23 = arith.constant 2 : i32
    %rem3A_24 = arith.remsi %rem3A_22, %rem3A_23 : i32
    %mul3A_25 = arith.constant 64 : i32
    %mul3A_26 = arith.muli %rem3A_24, %mul3A_25 : i32
    %mul3A_27 = arith.constant 2 : i32
    %mul3A_28 = arith.constant 64 : i32
    %mul3A_29 = arith.muli %mul3A_27, %mul3A_28 : i32
    %add3A_30 = arith.addi %mul3A_2, %mul3A_29 : i32
    %dma_wait3A = arith.constant 0 : i32
    %dma_wait3A_31 = tpu.memref_slice %arg6[%mul3A_26, %dma_wait3A] : memref<128x768xf32, #tpu.memory_space<vmem>> -> memref<64x768xf32, #tpu.memory_space<vmem>>
    %dma_wait3A_32 = arith.constant 0 : i32
    %dma_wait3A_33 = tpu.memref_slice %arg4[%add3A_30, %dma_wait3A_32] : memref<8192x768xf32, #tpu.memory_space<hbm>> -> memref<64x768xf32, #tpu.memory_space<hbm>>
    %dma_wait3A_34 = tpu.memref_slice %arg8[%rem3A_24] : memref<2x!tpu.dma_semaphore, #tpu.memory_space<semaphore_mem>> -> memref<1x!tpu.dma_semaphore, #tpu.memory_space<semaphore_mem>>
    %dma_wait3A_35 = tpu.memref_squeeze %dma_wait3A_34 : memref<1x!tpu.dma_semaphore, #tpu.memory_space<semaphore_mem>> -> memref<!tpu.dma_semaphore, #tpu.memory_space<semaphore_mem>>
    %dma_wait3A_36 = arith.constant 0 : i32
    %dma_wait3A_37 = tpu.memref_slice %arg4[%add3A_30, %dma_wait3A_36] : memref<8192x768xf32, #tpu.memory_space<hbm>> -> memref<64x768xf32, #tpu.memory_space<hbm>>
    %dma_wait3A_38 = arith.constant 0 : i32
    %dma_wait3A_39 = tpu.memref_slice %arg6[%mul3A_26, %dma_wait3A_38] : memref<128x768xf32, #tpu.memory_space<vmem>> -> memref<64x768xf32, #tpu.memory_space<vmem>>
    tpu.wait_dma2 semaphore(%dma_wait3A_35 : memref<!tpu.dma_semaphore, #tpu.memory_space<semaphore_mem>>) src(%dma_wait3A_39 : memref<64x768xf32, #tpu.memory_space<vmem>>) dst(%dma_wait3A_37 : memref<64x768xf32, #tpu.memory_space<hbm>>)
    %rem3A_40 = arith.constant 3 : i32
    %rem3A_41 = arith.constant 2 : i32
    %rem3A_42 = arith.remsi %rem3A_40, %rem3A_41 : i32
    %mul3A_43 = arith.constant 64 : i32
    %mul3A_44 = arith.muli %rem3A_42, %mul3A_43 : i32
    %mul3A_45 = arith.constant 3 : i32
    %mul3A_46 = arith.constant 64 : i32
    %mul3A_47 = arith.muli %mul3A_45, %mul3A_46 : i32
    %add3A_48 = arith.addi %mul3A_2, %mul3A_47 : i32
    %dma_wait3A_49 = arith.constant 0 : i32
    %dma_wait3A_50 = tpu.memref_slice %arg6[%mul3A_44, %dma_wait3A_49] : memref<128x768xf32, #tpu.memory_space<vmem>> -> memref<64x768xf32, #tpu.memory_space<vmem>>
    %dma_wait3A_51 = arith.constant 0 : i32
    %dma_wait3A_52 = tpu.memref_slice %arg4[%add3A_48, %dma_wait3A_51] : memref<8192x768xf32, #tpu.memory_space<hbm>> -> memref<64x768xf32, #tpu.memory_space<hbm>>
    %dma_wait3A_53 = tpu.memref_slice %arg8[%rem3A_42] : memref<2x!tpu.dma_semaphore, #tpu.memory_space<semaphore_mem>> -> memref<1x!tpu.dma_semaphore, #tpu.memory_space<semaphore_mem>>
    %dma_wait3A_54 = tpu.memref_squeeze %dma_wait3A_53 : memref<1x!tpu.dma_semaphore, #tpu.memory_space<semaphore_mem>> -> memref<!tpu.dma_semaphore, #tpu.memory_space<semaphore_mem>>
    %dma_wait3A_55 = arith.constant 0 : i32
    %dma_wait3A_56 = tpu.memref_slice %arg4[%add3A_48, %dma_wait3A_55] : memref<8192x768xf32, #tpu.memory_space<hbm>> -> memref<64x768xf32, #tpu.memory_space<hbm>>
    %dma_wait3A_57 = arith.constant 0 : i32
    %dma_wait3A_58 = tpu.memref_slice %arg6[%mul3A_44, %dma_wait3A_57] : memref<128x768xf32, #tpu.memory_space<vmem>> -> memref<64x768xf32, #tpu.memory_space<vmem>>
    tpu.wait_dma2 semaphore(%dma_wait3A_54 : memref<!tpu.dma_semaphore, #tpu.memory_space<semaphore_mem>>) src(%dma_wait3A_58 : memref<64x768xf32, #tpu.memory_space<vmem>>) dst(%dma_wait3A_56 : memref<64x768xf32, #tpu.memory_space<hbm>>)
    return
  }
}

#map = affine_map<(d0, d1) -> (0)>
#map1 = affine_map<(d0, d1) -> (0, 0)>
module attributes {stable_mosaic.version = 14 : i64} {
  func.func @gather_k(%arg0: i32, %arg1: i32, %arg2: memref<8192xi32, #tpu.memory_space<hbm>>, %arg3: memref<30522x768xf32, #tpu.memory_space<hbm>>, %arg4: memref<8192x768xf32, #tpu.memory_space<hbm>>, %arg5: memref<256xi32, #tpu.memory_space<vmem>>, %arg6: memref<128x768xf32, #tpu.memory_space<vmem>>, %arg7: memref<2x!tpu.dma_semaphore, #tpu.memory_space<semaphore_mem>>, %arg8: memref<2x!tpu.dma_semaphore, #tpu.memory_space<semaphore_mem>>) attributes {dimension_semantics = [#tpu.dimension_semantics<core_parallel>, #tpu.dimension_semantics<subcore_parallel>], iteration_bounds = array<i64: 2, 16>, scalar_prefetch = 0 : i64, scratch_operands = 4 : i64, tpu.core_type = #tpu.core_type<sc_vector_subcore>, window_params = [{transform_indices = #map}, {transform_indices = #map1}, {transform_indices = #map1}]} {
    %mul3A = arith.constant 2 : i32
    %mul3A_0 = arith.muli %arg1, %mul3A : i32
    %add3A = arith.addi %mul3A_0, %arg0 : i32
    %mul3A_1 = arith.constant 256 : i32
    %mul3A_2 = arith.muli %add3A, %mul3A_1 : i32
    "tpu.region"() ({
      %run_scoped3A = tpu.sem_alloc : memref<!tpu.dma_semaphore, #tpu.memory_space<semaphore_mem>>
      %dma_start3A_59 = tpu.memref_slice %arg2[%mul3A_2] : memref<8192xi32, #tpu.memory_space<hbm>> -> memref<256xi32, #tpu.memory_space<hbm>>
      %dma_start3A_60 = tpu.memref_slice %arg2[%mul3A_2] : memref<8192xi32, #tpu.memory_space<hbm>> -> memref<256xi32, #tpu.memory_space<hbm>>
      tpu.enqueue_dma source(%dma_start3A_60 : memref<256xi32, #tpu.memory_space<hbm>>) target(%arg5 : memref<256xi32, #tpu.memory_space<vmem>>) target_semaphore(%run_scoped3A : memref<!tpu.dma_semaphore, #tpu.memory_space<semaphore_mem>>)
      %dma_wait3A_61 = tpu.memref_slice %arg2[%mul3A_2] : memref<8192xi32, #tpu.memory_space<hbm>> -> memref<256xi32, #tpu.memory_space<hbm>>
      %dma_wait3A_62 = tpu.memref_slice %arg2[%mul3A_2] : memref<8192xi32, #tpu.memory_space<hbm>> -> memref<256xi32, #tpu.memory_space<hbm>>
      tpu.wait_dma2 semaphore(%run_scoped3A : memref<!tpu.dma_semaphore, #tpu.memory_space<semaphore_mem>>) src(%dma_wait3A_62 : memref<256xi32, #tpu.memory_space<hbm>>) dst(%arg5 : memref<256xi32, #tpu.memory_space<vmem>>)
      tpu.yield
    }) : () -> ()
    %rem3A = arith.constant 0 : i32
    %rem3A_3 = arith.constant 2 : i32
    %rem3A_4 = arith.remsi %rem3A, %rem3A_3 : i32
    %mul3A_5 = arith.constant 0 : i32
    %mul3A_6 = arith.constant 64 : i32
    %mul3A_7 = arith.muli %mul3A_5, %mul3A_6 : i32
    %mul3A_8 = arith.constant 64 : i32
    %mul3A_9 = arith.muli %rem3A_4, %mul3A_8 : i32
    %dma_start3A = arith.constant 0 : i32
    %dma_start3A_10 = tpu.memref_slice %arg6[%mul3A_9, %dma_start3A] : memref<128x768xf32, #tpu.memory_space<vmem>> -> memref<64x768xf32, #tpu.memory_space<vmem>>
    %dma_start3A_11 = tpu.memref_slice %arg5[%mul3A_7] : memref<256xi32, #tpu.memory_space<vmem>> -> memref<64xi32, #tpu.memory_space<vmem>>
    %dma_start3A_12 = arith.constant 0 : i32
    %dma_start3A_13 = arith.constant 0 : i32
    %dma_start3A_14 = tpu.memref_slice %arg3[%dma_start3A_12, %dma_start3A_13] : memref<30522x768xf32, #tpu.memory_space<hbm>> -> memref<30522x768xf32, #tpu.memory_space<hbm>>
    %dma_start3A_15 = tpu.memref_slice %arg7[%rem3A_4] : memref<2x!tpu.dma_semaphore, #tpu.memory_space<semaphore_mem>> -> memref<1x!tpu.dma_semaphore, #tpu.memory_space<semaphore_mem>>
    %dma_start3A_16 = tpu.memref_squeeze %dma_start3A_15 : memref<1x!tpu.dma_semaphore, #tpu.memory_space<semaphore_mem>> -> memref<!tpu.dma_semaphore, #tpu.memory_space<semaphore_mem>>
    tpu.enqueue_indirect_dma source(%dma_start3A_14 : memref<30522x768xf32, #tpu.memory_space<hbm>>) target(%dma_start3A_10 : memref<64x768xf32, #tpu.memory_space<vmem>>) offsets(%dma_start3A_11 : memref<64xi32, #tpu.memory_space<vmem>>) semaphore(%dma_start3A_16 : memref<!tpu.dma_semaphore, #tpu.memory_space<semaphore_mem>>)
    %scan3A = arith.constant 0 : i32
    %scan3A_17 = arith.constant 0 : i32
    %scan3A_18 = arith.constant 4 : i32
    %scan3A_19 = arith.addi %scan3A_17, %scan3A_18 : i32
    %scan3A_20 = arith.constant 1 : i32
    scf.for %scan3A_59 = %scan3A_17 to %scan3A_19 step %scan3A_20  : i32 {
      %add3A_60 = arith.constant 1 : i32
      %add3A_61 = arith.addi %scan3A_59, %add3A_60 : i32
      %lt3A = arith.constant 4 : i32
      %lt3A_62 = arith.cmpi slt, %add3A_61, %lt3A : i32
      %convert_element_type3A = arith.extui %lt3A_62 : i1 to i32
      %cond3A = arith.constant 0 : i32
      %cond3A_63 = arith.cmpi ne, %convert_element_type3A, %cond3A : i32
      scf.if %cond3A_63 {
        %ge3A = arith.constant 1 : i32
        %ge3A_95 = arith.cmpi sge, %scan3A_59, %ge3A : i32
        %convert_element_type3A_96 = arith.extui %ge3A_95 : i1 to i32
        %cond3A_97 = arith.constant 0 : i32
        %cond3A_98 = arith.cmpi ne, %convert_element_type3A_96, %cond3A_97 : i32
        scf.if %cond3A_98 {
          %add3A_115 = arith.constant 1 : i32
          %add3A_116 = arith.addi %scan3A_59, %add3A_115 : i32
          %sub3A = arith.constant 2 : i32
          %sub3A_117 = arith.subi %add3A_116, %sub3A : i32
          %rem3A_118 = arith.constant 2 : i32
          %rem3A_119 = arith.remsi %sub3A_117, %rem3A_118 : i32
          %mul3A_120 = arith.constant 64 : i32
          %mul3A_121 = arith.muli %rem3A_119, %mul3A_120 : i32
          %mul3A_122 = arith.constant 64 : i32
          %mul3A_123 = arith.muli %sub3A_117, %mul3A_122 : i32
          %add3A_124 = arith.addi %mul3A_2, %mul3A_123 : i32
          %dma_wait3A_125 = arith.constant 0 : i32
          %dma_wait3A_126 = tpu.memref_slice %arg6[%mul3A_121, %dma_wait3A_125] : memref<128x768xf32, #tpu.memory_space<vmem>> -> memref<64x768xf32, #tpu.memory_space<vmem>>
          %dma_wait3A_127 = arith.constant 0 : i32
          %dma_wait3A_128 = tpu.memref_slice %arg4[%add3A_124, %dma_wait3A_127] : memref<8192x768xf32, #tpu.memory_space<hbm>> -> memref<64x768xf32, #tpu.memory_space<hbm>>
          %dma_wait3A_129 = tpu.memref_slice %arg8[%rem3A_119] : memref<2x!tpu.dma_semaphore, #tpu.memory_space<semaphore_mem>> -> memref<1x!tpu.dma_semaphore, #tpu.memory_space<semaphore_mem>>
          %dma_wait3A_130 = tpu.memref_squeeze %dma_wait3A_129 : memref<1x!tpu.dma_semaphore, #tpu.memory_space<semaphore_mem>> -> memref<!tpu.dma_semaphore, #tpu.memory_space<semaphore_mem>>
          %dma_wait3A_131 = arith.constant 0 : i32
          %dma_wait3A_132 = tpu.memref_slice %arg4[%add3A_124, %dma_wait3A_131] : memref<8192x768xf32, #tpu.memory_space<hbm>> -> memref<64x768xf32, #tpu.memory_space<hbm>>
          %dma_wait3A_133 = arith.constant 0 : i32
          %dma_wait3A_134 = tpu.memref_slice %arg6[%mul3A_121, %dma_wait3A_133] : memref<128x768xf32, #tpu.memory_space<vmem>> -> memref<64x768xf32, #tpu.memory_space<vmem>>
          tpu.wait_dma2 semaphore(%dma_wait3A_130 : memref<!tpu.dma_semaphore, #tpu.memory_space<semaphore_mem>>) src(%dma_wait3A_134 : memref<64x768xf32, #tpu.memory_space<vmem>>) dst(%dma_wait3A_132 : memref<64x768xf32, #tpu.memory_space<hbm>>)
        } else {
        }
        %add3A_99 = arith.constant 1 : i32
        %add3A_100 = arith.addi %scan3A_59, %add3A_99 : i32
        %rem3A_101 = arith.constant 2 : i32
        %rem3A_102 = arith.remsi %add3A_100, %rem3A_101 : i32
        %mul3A_103 = arith.constant 64 : i32
        %mul3A_104 = arith.muli %add3A_100, %mul3A_103 : i32
        %mul3A_105 = arith.constant 64 : i32
        %mul3A_106 = arith.muli %rem3A_102, %mul3A_105 : i32
        %dma_start3A_107 = arith.constant 0 : i32
        %dma_start3A_108 = tpu.memref_slice %arg6[%mul3A_106, %dma_start3A_107] : memref<128x768xf32, #tpu.memory_space<vmem>> -> memref<64x768xf32, #tpu.memory_space<vmem>>
        %dma_start3A_109 = tpu.memref_slice %arg5[%mul3A_104] : memref<256xi32, #tpu.memory_space<vmem>> -> memref<64xi32, #tpu.memory_space<vmem>>
        %dma_start3A_110 = arith.constant 0 : i32
        %dma_start3A_111 = arith.constant 0 : i32
        %dma_start3A_112 = tpu.memref_slice %arg3[%dma_start3A_110, %dma_start3A_111] : memref<30522x768xf32, #tpu.memory_space<hbm>> -> memref<30522x768xf32, #tpu.memory_space<hbm>>
        %dma_start3A_113 = tpu.memref_slice %arg7[%rem3A_102] : memref<2x!tpu.dma_semaphore, #tpu.memory_space<semaphore_mem>> -> memref<1x!tpu.dma_semaphore, #tpu.memory_space<semaphore_mem>>
        %dma_start3A_114 = tpu.memref_squeeze %dma_start3A_113 : memref<1x!tpu.dma_semaphore, #tpu.memory_space<semaphore_mem>> -> memref<!tpu.dma_semaphore, #tpu.memory_space<semaphore_mem>>
        tpu.enqueue_indirect_dma source(%dma_start3A_112 : memref<30522x768xf32, #tpu.memory_space<hbm>>) target(%dma_start3A_108 : memref<64x768xf32, #tpu.memory_space<vmem>>) offsets(%dma_start3A_109 : memref<64xi32, #tpu.memory_space<vmem>>) semaphore(%dma_start3A_114 : memref<!tpu.dma_semaphore, #tpu.memory_space<semaphore_mem>>)
      } else {
      }
      %rem3A_64 = arith.constant 2 : i32
      %rem3A_65 = arith.remsi %scan3A_59, %rem3A_64 : i32
      %mul3A_66 = arith.constant 64 : i32
      %mul3A_67 = arith.muli %scan3A_59, %mul3A_66 : i32
      %mul3A_68 = arith.constant 64 : i32
      %mul3A_69 = arith.muli %rem3A_65, %mul3A_68 : i32
      %dma_wait3A_70 = arith.constant 0 : i32
      %dma_wait3A_71 = tpu.memref_slice %arg6[%mul3A_69, %dma_wait3A_70] : memref<128x768xf32, #tpu.memory_space<vmem>> -> memref<64x768xf32, #tpu.memory_space<vmem>>
      %dma_wait3A_72 = tpu.memref_slice %arg5[%mul3A_67] : memref<256xi32, #tpu.memory_space<vmem>> -> memref<64xi32, #tpu.memory_space<vmem>>
      %dma_wait3A_73 = arith.constant 0 : i32
      %dma_wait3A_74 = arith.constant 0 : i32
      %dma_wait3A_75 = tpu.memref_slice %arg3[%dma_wait3A_73, %dma_wait3A_74] : memref<30522x768xf32, #tpu.memory_space<hbm>> -> memref<30522x768xf32, #tpu.memory_space<hbm>>
      %dma_wait3A_76 = tpu.memref_slice %arg7[%rem3A_65] : memref<2x!tpu.dma_semaphore, #tpu.memory_space<semaphore_mem>> -> memref<1x!tpu.dma_semaphore, #tpu.memory_space<semaphore_mem>>
      %dma_wait3A_77 = tpu.memref_squeeze %dma_wait3A_76 : memref<1x!tpu.dma_semaphore, #tpu.memory_space<semaphore_mem>> -> memref<!tpu.dma_semaphore, #tpu.memory_space<semaphore_mem>>
      tpu.wait_indirect_dma semaphore(%dma_wait3A_77 : memref<!tpu.dma_semaphore, #tpu.memory_space<semaphore_mem>>) src(%dma_wait3A_75 : memref<30522x768xf32, #tpu.memory_space<hbm>>) dst(%dma_wait3A_71 : memref<64x768xf32, #tpu.memory_space<vmem>>)
      %rem3A_78 = arith.constant 2 : i32
      %rem3A_79 = arith.remsi %scan3A_59, %rem3A_78 : i32
      %mul3A_80 = arith.constant 64 : i32
      %mul3A_81 = arith.muli %rem3A_79, %mul3A_80 : i32
      %mul3A_82 = arith.constant 64 : i32
      %mul3A_83 = arith.muli %scan3A_59, %mul3A_82 : i32
      %add3A_84 = arith.addi %mul3A_2, %mul3A_83 : i32
      %dma_start3A_85 = arith.constant 0 : i32
      %dma_start3A_86 = tpu.memref_slice %arg6[%mul3A_81, %dma_start3A_85] : memref<128x768xf32, #tpu.memory_space<vmem>> -> memref<64x768xf32, #tpu.memory_space<vmem>>
      %dma_start3A_87 = arith.constant 0 : i32
      %dma_start3A_88 = tpu.memref_slice %arg4[%add3A_84, %dma_start3A_87] : memref<8192x768xf32, #tpu.memory_space<hbm>> -> memref<64x768xf32, #tpu.memory_space<hbm>>
      %dma_start3A_89 = tpu.memref_slice %arg8[%rem3A_79] : memref<2x!tpu.dma_semaphore, #tpu.memory_space<semaphore_mem>> -> memref<1x!tpu.dma_semaphore, #tpu.memory_space<semaphore_mem>>
      %dma_start3A_90 = tpu.memref_squeeze %dma_start3A_89 : memref<1x!tpu.dma_semaphore, #tpu.memory_space<semaphore_mem>> -> memref<!tpu.dma_semaphore, #tpu.memory_space<semaphore_mem>>
      %dma_start3A_91 = arith.constant 0 : i32
      %dma_start3A_92 = tpu.memref_slice %arg4[%add3A_84, %dma_start3A_91] : memref<8192x768xf32, #tpu.memory_space<hbm>> -> memref<64x768xf32, #tpu.memory_space<hbm>>
      %dma_start3A_93 = arith.constant 0 : i32
      %dma_start3A_94 = tpu.memref_slice %arg6[%mul3A_81, %dma_start3A_93] : memref<128x768xf32, #tpu.memory_space<vmem>> -> memref<64x768xf32, #tpu.memory_space<vmem>>
      tpu.enqueue_dma source(%dma_start3A_94 : memref<64x768xf32, #tpu.memory_space<vmem>>) target(%dma_start3A_92 : memref<64x768xf32, #tpu.memory_space<hbm>>) target_semaphore(%dma_start3A_90 : memref<!tpu.dma_semaphore, #tpu.memory_space<semaphore_mem>>)
    }
    %scan3A_21 = arith.constant 4 : i32
    %rem3A_22 = arith.constant 2 : i32
    %rem3A_23 = arith.constant 2 : i32
    %rem3A_24 = arith.remsi %rem3A_22, %rem3A_23 : i32
    %mul3A_25 = arith.constant 64 : i32
    %mul3A_26 = arith.muli %rem3A_24, %mul3A_25 : i32
    %mul3A_27 = arith.constant 2 : i32
    %mul3A_28 = arith.constant 64 : i32
    %mul3A_29 = arith.muli %mul3A_27, %mul3A_28 : i32
    %add3A_30 = arith.addi %mul3A_2, %mul3A_29 : i32
    %dma_wait3A = arith.constant 0 : i32
    %dma_wait3A_31 = tpu.memref_slice %arg6[%mul3A_26, %dma_wait3A] : memref<128x768xf32, #tpu.memory_space<vmem>> -> memref<64x768xf32, #tpu.memory_space<vmem>>
    %dma_wait3A_32 = arith.constant 0 : i32
    %dma_wait3A_33 = tpu.memref_slice %arg4[%add3A_30, %dma_wait3A_32] : memref<8192x768xf32, #tpu.memory_space<hbm>> -> memref<64x768xf32, #tpu.memory_space<hbm>>
    %dma_wait3A_34 = tpu.memref_slice %arg8[%rem3A_24] : memref<2x!tpu.dma_semaphore, #tpu.memory_space<semaphore_mem>> -> memref<1x!tpu.dma_semaphore, #tpu.memory_space<semaphore_mem>>
    %dma_wait3A_35 = tpu.memref_squeeze %dma_wait3A_34 : memref<1x!tpu.dma_semaphore, #tpu.memory_space<semaphore_mem>> -> memref<!tpu.dma_semaphore, #tpu.memory_space<semaphore_mem>>
    %dma_wait3A_36 = arith.constant 0 : i32
    %dma_wait3A_37 = tpu.memref_slice %arg4[%add3A_30, %dma_wait3A_36] : memref<8192x768xf32, #tpu.memory_space<hbm>> -> memref<64x768xf32, #tpu.memory_space<hbm>>
    %dma_wait3A_38 = arith.constant 0 : i32
    %dma_wait3A_39 = tpu.memref_slice %arg6[%mul3A_26, %dma_wait3A_38] : memref<128x768xf32, #tpu.memory_space<vmem>> -> memref<64x768xf32, #tpu.memory_space<vmem>>
    tpu.wait_dma2 semaphore(%dma_wait3A_35 : memref<!tpu.dma_semaphore, #tpu.memory_space<semaphore_mem>>) src(%dma_wait3A_39 : memref<64x768xf32, #tpu.memory_space<vmem>>) dst(%dma_wait3A_37 : memref<64x768xf32, #tpu.memory_space<hbm>>)
    %rem3A_40 = arith.constant 3 : i32
    %rem3A_41 = arith.constant 2 : i32
    %rem3A_42 = arith.remsi %rem3A_40, %rem3A_41 : i32
    %mul3A_43 = arith.constant 64 : i32
    %mul3A_44 = arith.muli %rem3A_42, %mul3A_43 : i32
    %mul3A_45 = arith.constant 3 : i32
    %mul3A_46 = arith.constant 64 : i32
    %mul3A_47 = arith.muli %mul3A_45, %mul3A_46 : i32
    %add3A_48 = arith.addi %mul3A_2, %mul3A_47 : i32
    %dma_wait3A_49 = arith.constant 0 : i32
    %dma_wait3A_50 = tpu.memref_slice %arg6[%mul3A_44, %dma_wait3A_49] : memref<128x768xf32, #tpu.memory_space<vmem>> -> memref<64x768xf32, #tpu.memory_space<vmem>>
    %dma_wait3A_51 = arith.constant 0 : i32
    %dma_wait3A_52 = tpu.memref_slice %arg4[%add3A_48, %dma_wait3A_51] : memref<8192x768xf32, #tpu.memory_space<hbm>> -> memref<64x768xf32, #tpu.memory_space<hbm>>
    %dma_wait3A_53 = tpu.memref_slice %arg8[%rem3A_42] : memref<2x!tpu.dma_semaphore, #tpu.memory_space<semaphore_mem>> -> memref<1x!tpu.dma_semaphore, #tpu.memory_space<semaphore_mem>>
    %dma_wait3A_54 = tpu.memref_squeeze %dma_wait3A_53 : memref<1x!tpu.dma_semaphore, #tpu.memory_space<semaphore_mem>> -> memref<!tpu.dma_semaphore, #tpu.memory_space<semaphore_mem>>
    %dma_wait3A_55 = arith.constant 0 : i32
    %dma_wait3A_56 = tpu.memref_slice %arg4[%add3A_48, %dma_wait3A_55] : memref<8192x768xf32, #tpu.memory_space<hbm>> -> memref<64x768xf32, #tpu.memory_space<hbm>>
    %dma_wait3A_57 = arith.constant 0 : i32
    %dma_wait3A_58 = tpu.memref_slice %arg6[%mul3A_44, %dma_wait3A_57] : memref<128x768xf32, #tpu.memory_space<vmem>> -> memref<64x768xf32, #tpu.memory_space<vmem>>
    tpu.wait_dma2 semaphore(%dma_wait3A_54 : memref<!tpu.dma_semaphore, #tpu.memory_space<semaphore_mem>>) src(%dma_wait3A_58 : memref<64x768xf32, #tpu.memory_space<vmem>>) dst(%dma_wait3A_56 : memref<64x768xf32, #tpu.memory_space<hbm>>)
    return
  }
}

#map = affine_map<(d0, d1) -> (0)>
#map1 = affine_map<(d0, d1) -> (0, 0)>
module attributes {stable_mosaic.version = 14 : i64} {
  func.func @gather_k(%arg0: i32, %arg1: i32, %arg2: memref<8192xi32, #tpu.memory_space<hbm>>, %arg3: memref<30522x768xf32, #tpu.memory_space<hbm>>, %arg4: memref<8192x768xf32, #tpu.memory_space<hbm>>, %arg5: memref<256xi32, #tpu.memory_space<vmem>>, %arg6: memref<128x768xf32, #tpu.memory_space<vmem>>, %arg7: memref<2x!tpu.dma_semaphore, #tpu.memory_space<semaphore_mem>>, %arg8: memref<2x!tpu.dma_semaphore, #tpu.memory_space<semaphore_mem>>) attributes {dimension_semantics = [#tpu.dimension_semantics<core_parallel>, #tpu.dimension_semantics<subcore_parallel>], iteration_bounds = array<i64: 2, 16>, scalar_prefetch = 0 : i64, scratch_operands = 4 : i64, tpu.core_type = #tpu.core_type<sc_vector_subcore>, window_params = [{transform_indices = #map}, {transform_indices = #map1}, {transform_indices = #map1}]} {
    %mul3A = arith.constant 2 : i32
    %mul3A_0 = arith.muli %arg1, %mul3A : i32
    %add3A = arith.addi %mul3A_0, %arg0 : i32
    %mul3A_1 = arith.constant 256 : i32
    %mul3A_2 = arith.muli %add3A, %mul3A_1 : i32
    "tpu.region"() ({
      %run_scoped3A = tpu.sem_alloc : memref<!tpu.dma_semaphore, #tpu.memory_space<semaphore_mem>>
      %dma_start3A_59 = tpu.memref_slice %arg2[%mul3A_2] : memref<8192xi32, #tpu.memory_space<hbm>> -> memref<256xi32, #tpu.memory_space<hbm>>
      %dma_start3A_60 = tpu.memref_slice %arg2[%mul3A_2] : memref<8192xi32, #tpu.memory_space<hbm>> -> memref<256xi32, #tpu.memory_space<hbm>>
      tpu.enqueue_dma source(%dma_start3A_60 : memref<256xi32, #tpu.memory_space<hbm>>) target(%arg5 : memref<256xi32, #tpu.memory_space<vmem>>) target_semaphore(%run_scoped3A : memref<!tpu.dma_semaphore, #tpu.memory_space<semaphore_mem>>)
      %dma_wait3A_61 = tpu.memref_slice %arg2[%mul3A_2] : memref<8192xi32, #tpu.memory_space<hbm>> -> memref<256xi32, #tpu.memory_space<hbm>>
      %dma_wait3A_62 = tpu.memref_slice %arg2[%mul3A_2] : memref<8192xi32, #tpu.memory_space<hbm>> -> memref<256xi32, #tpu.memory_space<hbm>>
      tpu.wait_dma2 semaphore(%run_scoped3A : memref<!tpu.dma_semaphore, #tpu.memory_space<semaphore_mem>>) src(%dma_wait3A_62 : memref<256xi32, #tpu.memory_space<hbm>>) dst(%arg5 : memref<256xi32, #tpu.memory_space<vmem>>)
      tpu.yield
    }) : () -> ()
    %rem3A = arith.constant 0 : i32
    %rem3A_3 = arith.constant 2 : i32
    %rem3A_4 = arith.remsi %rem3A, %rem3A_3 : i32
    %mul3A_5 = arith.constant 0 : i32
    %mul3A_6 = arith.constant 64 : i32
    %mul3A_7 = arith.muli %mul3A_5, %mul3A_6 : i32
    %mul3A_8 = arith.constant 64 : i32
    %mul3A_9 = arith.muli %rem3A_4, %mul3A_8 : i32
    %dma_start3A = arith.constant 0 : i32
    %dma_start3A_10 = tpu.memref_slice %arg6[%mul3A_9, %dma_start3A] : memref<128x768xf32, #tpu.memory_space<vmem>> -> memref<64x768xf32, #tpu.memory_space<vmem>>
    %dma_start3A_11 = tpu.memref_slice %arg5[%mul3A_7] : memref<256xi32, #tpu.memory_space<vmem>> -> memref<64xi32, #tpu.memory_space<vmem>>
    %dma_start3A_12 = arith.constant 0 : i32
    %dma_start3A_13 = arith.constant 0 : i32
    %dma_start3A_14 = tpu.memref_slice %arg3[%dma_start3A_12, %dma_start3A_13] : memref<30522x768xf32, #tpu.memory_space<hbm>> -> memref<30522x768xf32, #tpu.memory_space<hbm>>
    %dma_start3A_15 = tpu.memref_slice %arg7[%rem3A_4] : memref<2x!tpu.dma_semaphore, #tpu.memory_space<semaphore_mem>> -> memref<1x!tpu.dma_semaphore, #tpu.memory_space<semaphore_mem>>
    %dma_start3A_16 = tpu.memref_squeeze %dma_start3A_15 : memref<1x!tpu.dma_semaphore, #tpu.memory_space<semaphore_mem>> -> memref<!tpu.dma_semaphore, #tpu.memory_space<semaphore_mem>>
    tpu.enqueue_indirect_dma source(%dma_start3A_14 : memref<30522x768xf32, #tpu.memory_space<hbm>>) target(%dma_start3A_10 : memref<64x768xf32, #tpu.memory_space<vmem>>) offsets(%dma_start3A_11 : memref<64xi32, #tpu.memory_space<vmem>>) semaphore(%dma_start3A_16 : memref<!tpu.dma_semaphore, #tpu.memory_space<semaphore_mem>>)
    %scan3A = arith.constant 0 : i32
    %scan3A_17 = arith.constant 0 : i32
    %scan3A_18 = arith.constant 4 : i32
    %scan3A_19 = arith.addi %scan3A_17, %scan3A_18 : i32
    %scan3A_20 = arith.constant 1 : i32
    scf.for %scan3A_59 = %scan3A_17 to %scan3A_19 step %scan3A_20  : i32 {
      %add3A_60 = arith.constant 1 : i32
      %add3A_61 = arith.addi %scan3A_59, %add3A_60 : i32
      %lt3A = arith.constant 4 : i32
      %lt3A_62 = arith.cmpi slt, %add3A_61, %lt3A : i32
      %convert_element_type3A = arith.extui %lt3A_62 : i1 to i32
      %cond3A = arith.constant 0 : i32
      %cond3A_63 = arith.cmpi ne, %convert_element_type3A, %cond3A : i32
      scf.if %cond3A_63 {
        %ge3A = arith.constant 1 : i32
        %ge3A_95 = arith.cmpi sge, %scan3A_59, %ge3A : i32
        %convert_element_type3A_96 = arith.extui %ge3A_95 : i1 to i32
        %cond3A_97 = arith.constant 0 : i32
        %cond3A_98 = arith.cmpi ne, %convert_element_type3A_96, %cond3A_97 : i32
        scf.if %cond3A_98 {
          %add3A_115 = arith.constant 1 : i32
          %add3A_116 = arith.addi %scan3A_59, %add3A_115 : i32
          %sub3A = arith.constant 2 : i32
          %sub3A_117 = arith.subi %add3A_116, %sub3A : i32
          %rem3A_118 = arith.constant 2 : i32
          %rem3A_119 = arith.remsi %sub3A_117, %rem3A_118 : i32
          %mul3A_120 = arith.constant 64 : i32
          %mul3A_121 = arith.muli %rem3A_119, %mul3A_120 : i32
          %mul3A_122 = arith.constant 64 : i32
          %mul3A_123 = arith.muli %sub3A_117, %mul3A_122 : i32
          %add3A_124 = arith.addi %mul3A_2, %mul3A_123 : i32
          %dma_wait3A_125 = arith.constant 0 : i32
          %dma_wait3A_126 = tpu.memref_slice %arg6[%mul3A_121, %dma_wait3A_125] : memref<128x768xf32, #tpu.memory_space<vmem>> -> memref<64x768xf32, #tpu.memory_space<vmem>>
          %dma_wait3A_127 = arith.constant 0 : i32
          %dma_wait3A_128 = tpu.memref_slice %arg4[%add3A_124, %dma_wait3A_127] : memref<8192x768xf32, #tpu.memory_space<hbm>> -> memref<64x768xf32, #tpu.memory_space<hbm>>
          %dma_wait3A_129 = tpu.memref_slice %arg8[%rem3A_119] : memref<2x!tpu.dma_semaphore, #tpu.memory_space<semaphore_mem>> -> memref<1x!tpu.dma_semaphore, #tpu.memory_space<semaphore_mem>>
          %dma_wait3A_130 = tpu.memref_squeeze %dma_wait3A_129 : memref<1x!tpu.dma_semaphore, #tpu.memory_space<semaphore_mem>> -> memref<!tpu.dma_semaphore, #tpu.memory_space<semaphore_mem>>
          %dma_wait3A_131 = arith.constant 0 : i32
          %dma_wait3A_132 = tpu.memref_slice %arg4[%add3A_124, %dma_wait3A_131] : memref<8192x768xf32, #tpu.memory_space<hbm>> -> memref<64x768xf32, #tpu.memory_space<hbm>>
          %dma_wait3A_133 = arith.constant 0 : i32
          %dma_wait3A_134 = tpu.memref_slice %arg6[%mul3A_121, %dma_wait3A_133] : memref<128x768xf32, #tpu.memory_space<vmem>> -> memref<64x768xf32, #tpu.memory_space<vmem>>
          tpu.wait_dma2 semaphore(%dma_wait3A_130 : memref<!tpu.dma_semaphore, #tpu.memory_space<semaphore_mem>>) src(%dma_wait3A_134 : memref<64x768xf32, #tpu.memory_space<vmem>>) dst(%dma_wait3A_132 : memref<64x768xf32, #tpu.memory_space<hbm>>)
        } else {
        }
        %add3A_99 = arith.constant 1 : i32
        %add3A_100 = arith.addi %scan3A_59, %add3A_99 : i32
        %rem3A_101 = arith.constant 2 : i32
        %rem3A_102 = arith.remsi %add3A_100, %rem3A_101 : i32
        %mul3A_103 = arith.constant 64 : i32
        %mul3A_104 = arith.muli %add3A_100, %mul3A_103 : i32
        %mul3A_105 = arith.constant 64 : i32
        %mul3A_106 = arith.muli %rem3A_102, %mul3A_105 : i32
        %dma_start3A_107 = arith.constant 0 : i32
        %dma_start3A_108 = tpu.memref_slice %arg6[%mul3A_106, %dma_start3A_107] : memref<128x768xf32, #tpu.memory_space<vmem>> -> memref<64x768xf32, #tpu.memory_space<vmem>>
        %dma_start3A_109 = tpu.memref_slice %arg5[%mul3A_104] : memref<256xi32, #tpu.memory_space<vmem>> -> memref<64xi32, #tpu.memory_space<vmem>>
        %dma_start3A_110 = arith.constant 0 : i32
        %dma_start3A_111 = arith.constant 0 : i32
        %dma_start3A_112 = tpu.memref_slice %arg3[%dma_start3A_110, %dma_start3A_111] : memref<30522x768xf32, #tpu.memory_space<hbm>> -> memref<30522x768xf32, #tpu.memory_space<hbm>>
        %dma_start3A_113 = tpu.memref_slice %arg7[%rem3A_102] : memref<2x!tpu.dma_semaphore, #tpu.memory_space<semaphore_mem>> -> memref<1x!tpu.dma_semaphore, #tpu.memory_space<semaphore_mem>>
        %dma_start3A_114 = tpu.memref_squeeze %dma_start3A_113 : memref<1x!tpu.dma_semaphore, #tpu.memory_space<semaphore_mem>> -> memref<!tpu.dma_semaphore, #tpu.memory_space<semaphore_mem>>
        tpu.enqueue_indirect_dma source(%dma_start3A_112 : memref<30522x768xf32, #tpu.memory_space<hbm>>) target(%dma_start3A_108 : memref<64x768xf32, #tpu.memory_space<vmem>>) offsets(%dma_start3A_109 : memref<64xi32, #tpu.memory_space<vmem>>) semaphore(%dma_start3A_114 : memref<!tpu.dma_semaphore, #tpu.memory_space<semaphore_mem>>)
      } else {
      }
      %rem3A_64 = arith.constant 2 : i32
      %rem3A_65 = arith.remsi %scan3A_59, %rem3A_64 : i32
      %mul3A_66 = arith.constant 64 : i32
      %mul3A_67 = arith.muli %scan3A_59, %mul3A_66 : i32
      %mul3A_68 = arith.constant 64 : i32
      %mul3A_69 = arith.muli %rem3A_65, %mul3A_68 : i32
      %dma_wait3A_70 = arith.constant 0 : i32
      %dma_wait3A_71 = tpu.memref_slice %arg6[%mul3A_69, %dma_wait3A_70] : memref<128x768xf32, #tpu.memory_space<vmem>> -> memref<64x768xf32, #tpu.memory_space<vmem>>
      %dma_wait3A_72 = tpu.memref_slice %arg5[%mul3A_67] : memref<256xi32, #tpu.memory_space<vmem>> -> memref<64xi32, #tpu.memory_space<vmem>>
      %dma_wait3A_73 = arith.constant 0 : i32
      %dma_wait3A_74 = arith.constant 0 : i32
      %dma_wait3A_75 = tpu.memref_slice %arg3[%dma_wait3A_73, %dma_wait3A_74] : memref<30522x768xf32, #tpu.memory_space<hbm>> -> memref<30522x768xf32, #tpu.memory_space<hbm>>
      %dma_wait3A_76 = tpu.memref_slice %arg7[%rem3A_65] : memref<2x!tpu.dma_semaphore, #tpu.memory_space<semaphore_mem>> -> memref<1x!tpu.dma_semaphore, #tpu.memory_space<semaphore_mem>>
      %dma_wait3A_77 = tpu.memref_squeeze %dma_wait3A_76 : memref<1x!tpu.dma_semaphore, #tpu.memory_space<semaphore_mem>> -> memref<!tpu.dma_semaphore, #tpu.memory_space<semaphore_mem>>
      tpu.wait_indirect_dma semaphore(%dma_wait3A_77 : memref<!tpu.dma_semaphore, #tpu.memory_space<semaphore_mem>>) src(%dma_wait3A_75 : memref<30522x768xf32, #tpu.memory_space<hbm>>) dst(%dma_wait3A_71 : memref<64x768xf32, #tpu.memory_space<vmem>>)
      %rem3A_78 = arith.constant 2 : i32
      %rem3A_79 = arith.remsi %scan3A_59, %rem3A_78 : i32
      %mul3A_80 = arith.constant 64 : i32
      %mul3A_81 = arith.muli %rem3A_79, %mul3A_80 : i32
      %mul3A_82 = arith.constant 64 : i32
      %mul3A_83 = arith.muli %scan3A_59, %mul3A_82 : i32
      %add3A_84 = arith.addi %mul3A_2, %mul3A_83 : i32
      %dma_start3A_85 = arith.constant 0 : i32
      %dma_start3A_86 = tpu.memref_slice %arg6[%mul3A_81, %dma_start3A_85] : memref<128x768xf32, #tpu.memory_space<vmem>> -> memref<64x768xf32, #tpu.memory_space<vmem>>
      %dma_start3A_87 = arith.constant 0 : i32
      %dma_start3A_88 = tpu.memref_slice %arg4[%add3A_84, %dma_start3A_87] : memref<8192x768xf32, #tpu.memory_space<hbm>> -> memref<64x768xf32, #tpu.memory_space<hbm>>
      %dma_start3A_89 = tpu.memref_slice %arg8[%rem3A_79] : memref<2x!tpu.dma_semaphore, #tpu.memory_space<semaphore_mem>> -> memref<1x!tpu.dma_semaphore, #tpu.memory_space<semaphore_mem>>
      %dma_start3A_90 = tpu.memref_squeeze %dma_start3A_89 : memref<1x!tpu.dma_semaphore, #tpu.memory_space<semaphore_mem>> -> memref<!tpu.dma_semaphore, #tpu.memory_space<semaphore_mem>>
      %dma_start3A_91 = arith.constant 0 : i32
      %dma_start3A_92 = tpu.memref_slice %arg4[%add3A_84, %dma_start3A_91] : memref<8192x768xf32, #tpu.memory_space<hbm>> -> memref<64x768xf32, #tpu.memory_space<hbm>>
      %dma_start3A_93 = arith.constant 0 : i32
      %dma_start3A_94 = tpu.memref_slice %arg6[%mul3A_81, %dma_start3A_93] : memref<128x768xf32, #tpu.memory_space<vmem>> -> memref<64x768xf32, #tpu.memory_space<vmem>>
      tpu.enqueue_dma source(%dma_start3A_94 : memref<64x768xf32, #tpu.memory_space<vmem>>) target(%dma_start3A_92 : memref<64x768xf32, #tpu.memory_space<hbm>>) target_semaphore(%dma_start3A_90 : memref<!tpu.dma_semaphore, #tpu.memory_space<semaphore_mem>>)
    }
    %scan3A_21 = arith.constant 4 : i32
    %rem3A_22 = arith.constant 2 : i32
    %rem3A_23 = arith.constant 2 : i32
    %rem3A_24 = arith.remsi %rem3A_22, %rem3A_23 : i32
    %mul3A_25 = arith.constant 64 : i32
    %mul3A_26 = arith.muli %rem3A_24, %mul3A_25 : i32
    %mul3A_27 = arith.constant 2 : i32
    %mul3A_28 = arith.constant 64 : i32
    %mul3A_29 = arith.muli %mul3A_27, %mul3A_28 : i32
    %add3A_30 = arith.addi %mul3A_2, %mul3A_29 : i32
    %dma_wait3A = arith.constant 0 : i32
    %dma_wait3A_31 = tpu.memref_slice %arg6[%mul3A_26, %dma_wait3A] : memref<128x768xf32, #tpu.memory_space<vmem>> -> memref<64x768xf32, #tpu.memory_space<vmem>>
    %dma_wait3A_32 = arith.constant 0 : i32
    %dma_wait3A_33 = tpu.memref_slice %arg4[%add3A_30, %dma_wait3A_32] : memref<8192x768xf32, #tpu.memory_space<hbm>> -> memref<64x768xf32, #tpu.memory_space<hbm>>
    %dma_wait3A_34 = tpu.memref_slice %arg8[%rem3A_24] : memref<2x!tpu.dma_semaphore, #tpu.memory_space<semaphore_mem>> -> memref<1x!tpu.dma_semaphore, #tpu.memory_space<semaphore_mem>>
    %dma_wait3A_35 = tpu.memref_squeeze %dma_wait3A_34 : memref<1x!tpu.dma_semaphore, #tpu.memory_space<semaphore_mem>> -> memref<!tpu.dma_semaphore, #tpu.memory_space<semaphore_mem>>
    %dma_wait3A_36 = arith.constant 0 : i32
    %dma_wait3A_37 = tpu.memref_slice %arg4[%add3A_30, %dma_wait3A_36] : memref<8192x768xf32, #tpu.memory_space<hbm>> -> memref<64x768xf32, #tpu.memory_space<hbm>>
    %dma_wait3A_38 = arith.constant 0 : i32
    %dma_wait3A_39 = tpu.memref_slice %arg6[%mul3A_26, %dma_wait3A_38] : memref<128x768xf32, #tpu.memory_space<vmem>> -> memref<64x768xf32, #tpu.memory_space<vmem>>
    tpu.wait_dma2 semaphore(%dma_wait3A_35 : memref<!tpu.dma_semaphore, #tpu.memory_space<semaphore_mem>>) src(%dma_wait3A_39 : memref<64x768xf32, #tpu.memory_space<vmem>>) dst(%dma_wait3A_37 : memref<64x768xf32, #tpu.memory_space<hbm>>)
    %rem3A_40 = arith.constant 3 : i32
    %rem3A_41 = arith.constant 2 : i32
    %rem3A_42 = arith.remsi %rem3A_40, %rem3A_41 : i32
    %mul3A_43 = arith.constant 64 : i32
    %mul3A_44 = arith.muli %rem3A_42, %mul3A_43 : i32
    %mul3A_45 = arith.constant 3 : i32
    %mul3A_46 = arith.constant 64 : i32
    %mul3A_47 = arith.muli %mul3A_45, %mul3A_46 : i32
    %add3A_48 = arith.addi %mul3A_2, %mul3A_47 : i32
    %dma_wait3A_49 = arith.constant 0 : i32
    %dma_wait3A_50 = tpu.memref_slice %arg6[%mul3A_44, %dma_wait3A_49] : memref<128x768xf32, #tpu.memory_space<vmem>> -> memref<64x768xf32, #tpu.memory_space<vmem>>
    %dma_wait3A_51 = arith.constant 0 : i32
    %dma_wait3A_52 = tpu.memref_slice %arg4[%add3A_48, %dma_wait3A_51] : memref<8192x768xf32, #tpu.memory_space<hbm>> -> memref<64x768xf32, #tpu.memory_space<hbm>>
    %dma_wait3A_53 = tpu.memref_slice %arg8[%rem3A_42] : memref<2x!tpu.dma_semaphore, #tpu.memory_space<semaphore_mem>> -> memref<1x!tpu.dma_semaphore, #tpu.memory_space<semaphore_mem>>
    %dma_wait3A_54 = tpu.memref_squeeze %dma_wait3A_53 : memref<1x!tpu.dma_semaphore, #tpu.memory_space<semaphore_mem>> -> memref<!tpu.dma_semaphore, #tpu.memory_space<semaphore_mem>>
    %dma_wait3A_55 = arith.constant 0 : i32
    %dma_wait3A_56 = tpu.memref_slice %arg4[%add3A_48, %dma_wait3A_55] : memref<8192x768xf32, #tpu.memory_space<hbm>> -> memref<64x768xf32, #tpu.memory_space<hbm>>
    %dma_wait3A_57 = arith.constant 0 : i32
    %dma_wait3A_58 = tpu.memref_slice %arg6[%mul3A_44, %dma_wait3A_57] : memref<128x768xf32, #tpu.memory_space<vmem>> -> memref<64x768xf32, #tpu.memory_space<vmem>>
    tpu.wait_dma2 semaphore(%dma_wait3A_54 : memref<!tpu.dma_semaphore, #tpu.memory_space<semaphore_mem>>) src(%dma_wait3A_58 : memref<64x768xf32, #tpu.memory_space<vmem>>) dst(%dma_wait3A_56 : memref<64x768xf32, #tpu.memory_space<hbm>>)
    return
  }
}

#map = affine_map<(d0, d1) -> (0)>
#map1 = affine_map<(d0, d1) -> (0, 0)>
module attributes {stable_mosaic.version = 14 : i64} {
  func.func @gather_k(%arg0: i32, %arg1: i32, %arg2: memref<8192xi32, #tpu.memory_space<hbm>>, %arg3: memref<30522x768xf32, #tpu.memory_space<hbm>>, %arg4: memref<8192x768xf32, #tpu.memory_space<hbm>>, %arg5: memref<256xi32, #tpu.memory_space<vmem>>, %arg6: memref<128x768xf32, #tpu.memory_space<vmem>>, %arg7: memref<2x!tpu.dma_semaphore, #tpu.memory_space<semaphore_mem>>, %arg8: memref<2x!tpu.dma_semaphore, #tpu.memory_space<semaphore_mem>>) attributes {dimension_semantics = [#tpu.dimension_semantics<core_parallel>, #tpu.dimension_semantics<subcore_parallel>], iteration_bounds = array<i64: 2, 16>, scalar_prefetch = 0 : i64, scratch_operands = 4 : i64, tpu.core_type = #tpu.core_type<sc_vector_subcore>, window_params = [{transform_indices = #map}, {transform_indices = #map1}, {transform_indices = #map1}]} {
    %mul3A = arith.constant 2 : i32
    %mul3A_0 = arith.muli %arg1, %mul3A : i32
    %add3A = arith.addi %mul3A_0, %arg0 : i32
    %mul3A_1 = arith.constant 256 : i32
    %mul3A_2 = arith.muli %add3A, %mul3A_1 : i32
    "tpu.region"() ({
      %run_scoped3A = tpu.sem_alloc : memref<!tpu.dma_semaphore, #tpu.memory_space<semaphore_mem>>
      %dma_start3A_59 = tpu.memref_slice %arg2[%mul3A_2] : memref<8192xi32, #tpu.memory_space<hbm>> -> memref<256xi32, #tpu.memory_space<hbm>>
      %dma_start3A_60 = tpu.memref_slice %arg2[%mul3A_2] : memref<8192xi32, #tpu.memory_space<hbm>> -> memref<256xi32, #tpu.memory_space<hbm>>
      tpu.enqueue_dma source(%dma_start3A_60 : memref<256xi32, #tpu.memory_space<hbm>>) target(%arg5 : memref<256xi32, #tpu.memory_space<vmem>>) target_semaphore(%run_scoped3A : memref<!tpu.dma_semaphore, #tpu.memory_space<semaphore_mem>>)
      %dma_wait3A_61 = tpu.memref_slice %arg2[%mul3A_2] : memref<8192xi32, #tpu.memory_space<hbm>> -> memref<256xi32, #tpu.memory_space<hbm>>
      %dma_wait3A_62 = tpu.memref_slice %arg2[%mul3A_2] : memref<8192xi32, #tpu.memory_space<hbm>> -> memref<256xi32, #tpu.memory_space<hbm>>
      tpu.wait_dma2 semaphore(%run_scoped3A : memref<!tpu.dma_semaphore, #tpu.memory_space<semaphore_mem>>) src(%dma_wait3A_62 : memref<256xi32, #tpu.memory_space<hbm>>) dst(%arg5 : memref<256xi32, #tpu.memory_space<vmem>>)
      tpu.yield
    }) : () -> ()
    %rem3A = arith.constant 0 : i32
    %rem3A_3 = arith.constant 2 : i32
    %rem3A_4 = arith.remsi %rem3A, %rem3A_3 : i32
    %mul3A_5 = arith.constant 0 : i32
    %mul3A_6 = arith.constant 64 : i32
    %mul3A_7 = arith.muli %mul3A_5, %mul3A_6 : i32
    %mul3A_8 = arith.constant 64 : i32
    %mul3A_9 = arith.muli %rem3A_4, %mul3A_8 : i32
    %dma_start3A = arith.constant 0 : i32
    %dma_start3A_10 = tpu.memref_slice %arg6[%mul3A_9, %dma_start3A] : memref<128x768xf32, #tpu.memory_space<vmem>> -> memref<64x768xf32, #tpu.memory_space<vmem>>
    %dma_start3A_11 = tpu.memref_slice %arg5[%mul3A_7] : memref<256xi32, #tpu.memory_space<vmem>> -> memref<64xi32, #tpu.memory_space<vmem>>
    %dma_start3A_12 = arith.constant 0 : i32
    %dma_start3A_13 = arith.constant 0 : i32
    %dma_start3A_14 = tpu.memref_slice %arg3[%dma_start3A_12, %dma_start3A_13] : memref<30522x768xf32, #tpu.memory_space<hbm>> -> memref<30522x768xf32, #tpu.memory_space<hbm>>
    %dma_start3A_15 = tpu.memref_slice %arg7[%rem3A_4] : memref<2x!tpu.dma_semaphore, #tpu.memory_space<semaphore_mem>> -> memref<1x!tpu.dma_semaphore, #tpu.memory_space<semaphore_mem>>
    %dma_start3A_16 = tpu.memref_squeeze %dma_start3A_15 : memref<1x!tpu.dma_semaphore, #tpu.memory_space<semaphore_mem>> -> memref<!tpu.dma_semaphore, #tpu.memory_space<semaphore_mem>>
    tpu.enqueue_indirect_dma source(%dma_start3A_14 : memref<30522x768xf32, #tpu.memory_space<hbm>>) target(%dma_start3A_10 : memref<64x768xf32, #tpu.memory_space<vmem>>) offsets(%dma_start3A_11 : memref<64xi32, #tpu.memory_space<vmem>>) semaphore(%dma_start3A_16 : memref<!tpu.dma_semaphore, #tpu.memory_space<semaphore_mem>>)
    %scan3A = arith.constant 0 : i32
    %scan3A_17 = arith.constant 0 : i32
    %scan3A_18 = arith.constant 4 : i32
    %scan3A_19 = arith.addi %scan3A_17, %scan3A_18 : i32
    %scan3A_20 = arith.constant 1 : i32
    scf.for %scan3A_59 = %scan3A_17 to %scan3A_19 step %scan3A_20  : i32 {
      %add3A_60 = arith.constant 1 : i32
      %add3A_61 = arith.addi %scan3A_59, %add3A_60 : i32
      %lt3A = arith.constant 4 : i32
      %lt3A_62 = arith.cmpi slt, %add3A_61, %lt3A : i32
      %convert_element_type3A = arith.extui %lt3A_62 : i1 to i32
      %cond3A = arith.constant 0 : i32
      %cond3A_63 = arith.cmpi ne, %convert_element_type3A, %cond3A : i32
      scf.if %cond3A_63 {
        %ge3A = arith.constant 1 : i32
        %ge3A_95 = arith.cmpi sge, %scan3A_59, %ge3A : i32
        %convert_element_type3A_96 = arith.extui %ge3A_95 : i1 to i32
        %cond3A_97 = arith.constant 0 : i32
        %cond3A_98 = arith.cmpi ne, %convert_element_type3A_96, %cond3A_97 : i32
        scf.if %cond3A_98 {
          %add3A_115 = arith.constant 1 : i32
          %add3A_116 = arith.addi %scan3A_59, %add3A_115 : i32
          %sub3A = arith.constant 2 : i32
          %sub3A_117 = arith.subi %add3A_116, %sub3A : i32
          %rem3A_118 = arith.constant 2 : i32
          %rem3A_119 = arith.remsi %sub3A_117, %rem3A_118 : i32
          %mul3A_120 = arith.constant 64 : i32
          %mul3A_121 = arith.muli %rem3A_119, %mul3A_120 : i32
          %mul3A_122 = arith.constant 64 : i32
          %mul3A_123 = arith.muli %sub3A_117, %mul3A_122 : i32
          %add3A_124 = arith.addi %mul3A_2, %mul3A_123 : i32
          %dma_wait3A_125 = arith.constant 0 : i32
          %dma_wait3A_126 = tpu.memref_slice %arg6[%mul3A_121, %dma_wait3A_125] : memref<128x768xf32, #tpu.memory_space<vmem>> -> memref<64x768xf32, #tpu.memory_space<vmem>>
          %dma_wait3A_127 = arith.constant 0 : i32
          %dma_wait3A_128 = tpu.memref_slice %arg4[%add3A_124, %dma_wait3A_127] : memref<8192x768xf32, #tpu.memory_space<hbm>> -> memref<64x768xf32, #tpu.memory_space<hbm>>
          %dma_wait3A_129 = tpu.memref_slice %arg8[%rem3A_119] : memref<2x!tpu.dma_semaphore, #tpu.memory_space<semaphore_mem>> -> memref<1x!tpu.dma_semaphore, #tpu.memory_space<semaphore_mem>>
          %dma_wait3A_130 = tpu.memref_squeeze %dma_wait3A_129 : memref<1x!tpu.dma_semaphore, #tpu.memory_space<semaphore_mem>> -> memref<!tpu.dma_semaphore, #tpu.memory_space<semaphore_mem>>
          %dma_wait3A_131 = arith.constant 0 : i32
          %dma_wait3A_132 = tpu.memref_slice %arg4[%add3A_124, %dma_wait3A_131] : memref<8192x768xf32, #tpu.memory_space<hbm>> -> memref<64x768xf32, #tpu.memory_space<hbm>>
          %dma_wait3A_133 = arith.constant 0 : i32
          %dma_wait3A_134 = tpu.memref_slice %arg6[%mul3A_121, %dma_wait3A_133] : memref<128x768xf32, #tpu.memory_space<vmem>> -> memref<64x768xf32, #tpu.memory_space<vmem>>
          tpu.wait_dma2 semaphore(%dma_wait3A_130 : memref<!tpu.dma_semaphore, #tpu.memory_space<semaphore_mem>>) src(%dma_wait3A_134 : memref<64x768xf32, #tpu.memory_space<vmem>>) dst(%dma_wait3A_132 : memref<64x768xf32, #tpu.memory_space<hbm>>)
        } else {
        }
        %add3A_99 = arith.constant 1 : i32
        %add3A_100 = arith.addi %scan3A_59, %add3A_99 : i32
        %rem3A_101 = arith.constant 2 : i32
        %rem3A_102 = arith.remsi %add3A_100, %rem3A_101 : i32
        %mul3A_103 = arith.constant 64 : i32
        %mul3A_104 = arith.muli %add3A_100, %mul3A_103 : i32
        %mul3A_105 = arith.constant 64 : i32
        %mul3A_106 = arith.muli %rem3A_102, %mul3A_105 : i32
        %dma_start3A_107 = arith.constant 0 : i32
        %dma_start3A_108 = tpu.memref_slice %arg6[%mul3A_106, %dma_start3A_107] : memref<128x768xf32, #tpu.memory_space<vmem>> -> memref<64x768xf32, #tpu.memory_space<vmem>>
        %dma_start3A_109 = tpu.memref_slice %arg5[%mul3A_104] : memref<256xi32, #tpu.memory_space<vmem>> -> memref<64xi32, #tpu.memory_space<vmem>>
        %dma_start3A_110 = arith.constant 0 : i32
        %dma_start3A_111 = arith.constant 0 : i32
        %dma_start3A_112 = tpu.memref_slice %arg3[%dma_start3A_110, %dma_start3A_111] : memref<30522x768xf32, #tpu.memory_space<hbm>> -> memref<30522x768xf32, #tpu.memory_space<hbm>>
        %dma_start3A_113 = tpu.memref_slice %arg7[%rem3A_102] : memref<2x!tpu.dma_semaphore, #tpu.memory_space<semaphore_mem>> -> memref<1x!tpu.dma_semaphore, #tpu.memory_space<semaphore_mem>>
        %dma_start3A_114 = tpu.memref_squeeze %dma_start3A_113 : memref<1x!tpu.dma_semaphore, #tpu.memory_space<semaphore_mem>> -> memref<!tpu.dma_semaphore, #tpu.memory_space<semaphore_mem>>
        tpu.enqueue_indirect_dma source(%dma_start3A_112 : memref<30522x768xf32, #tpu.memory_space<hbm>>) target(%dma_start3A_108 : memref<64x768xf32, #tpu.memory_space<vmem>>) offsets(%dma_start3A_109 : memref<64xi32, #tpu.memory_space<vmem>>) semaphore(%dma_start3A_114 : memref<!tpu.dma_semaphore, #tpu.memory_space<semaphore_mem>>)
      } else {
      }
      %rem3A_64 = arith.constant 2 : i32
      %rem3A_65 = arith.remsi %scan3A_59, %rem3A_64 : i32
      %mul3A_66 = arith.constant 64 : i32
      %mul3A_67 = arith.muli %scan3A_59, %mul3A_66 : i32
      %mul3A_68 = arith.constant 64 : i32
      %mul3A_69 = arith.muli %rem3A_65, %mul3A_68 : i32
      %dma_wait3A_70 = arith.constant 0 : i32
      %dma_wait3A_71 = tpu.memref_slice %arg6[%mul3A_69, %dma_wait3A_70] : memref<128x768xf32, #tpu.memory_space<vmem>> -> memref<64x768xf32, #tpu.memory_space<vmem>>
      %dma_wait3A_72 = tpu.memref_slice %arg5[%mul3A_67] : memref<256xi32, #tpu.memory_space<vmem>> -> memref<64xi32, #tpu.memory_space<vmem>>
      %dma_wait3A_73 = arith.constant 0 : i32
      %dma_wait3A_74 = arith.constant 0 : i32
      %dma_wait3A_75 = tpu.memref_slice %arg3[%dma_wait3A_73, %dma_wait3A_74] : memref<30522x768xf32, #tpu.memory_space<hbm>> -> memref<30522x768xf32, #tpu.memory_space<hbm>>
      %dma_wait3A_76 = tpu.memref_slice %arg7[%rem3A_65] : memref<2x!tpu.dma_semaphore, #tpu.memory_space<semaphore_mem>> -> memref<1x!tpu.dma_semaphore, #tpu.memory_space<semaphore_mem>>
      %dma_wait3A_77 = tpu.memref_squeeze %dma_wait3A_76 : memref<1x!tpu.dma_semaphore, #tpu.memory_space<semaphore_mem>> -> memref<!tpu.dma_semaphore, #tpu.memory_space<semaphore_mem>>
      tpu.wait_indirect_dma semaphore(%dma_wait3A_77 : memref<!tpu.dma_semaphore, #tpu.memory_space<semaphore_mem>>) src(%dma_wait3A_75 : memref<30522x768xf32, #tpu.memory_space<hbm>>) dst(%dma_wait3A_71 : memref<64x768xf32, #tpu.memory_space<vmem>>)
      %rem3A_78 = arith.constant 2 : i32
      %rem3A_79 = arith.remsi %scan3A_59, %rem3A_78 : i32
      %mul3A_80 = arith.constant 64 : i32
      %mul3A_81 = arith.muli %rem3A_79, %mul3A_80 : i32
      %mul3A_82 = arith.constant 64 : i32
      %mul3A_83 = arith.muli %scan3A_59, %mul3A_82 : i32
      %add3A_84 = arith.addi %mul3A_2, %mul3A_83 : i32
      %dma_start3A_85 = arith.constant 0 : i32
      %dma_start3A_86 = tpu.memref_slice %arg6[%mul3A_81, %dma_start3A_85] : memref<128x768xf32, #tpu.memory_space<vmem>> -> memref<64x768xf32, #tpu.memory_space<vmem>>
      %dma_start3A_87 = arith.constant 0 : i32
      %dma_start3A_88 = tpu.memref_slice %arg4[%add3A_84, %dma_start3A_87] : memref<8192x768xf32, #tpu.memory_space<hbm>> -> memref<64x768xf32, #tpu.memory_space<hbm>>
      %dma_start3A_89 = tpu.memref_slice %arg8[%rem3A_79] : memref<2x!tpu.dma_semaphore, #tpu.memory_space<semaphore_mem>> -> memref<1x!tpu.dma_semaphore, #tpu.memory_space<semaphore_mem>>
      %dma_start3A_90 = tpu.memref_squeeze %dma_start3A_89 : memref<1x!tpu.dma_semaphore, #tpu.memory_space<semaphore_mem>> -> memref<!tpu.dma_semaphore, #tpu.memory_space<semaphore_mem>>
      %dma_start3A_91 = arith.constant 0 : i32
      %dma_start3A_92 = tpu.memref_slice %arg4[%add3A_84, %dma_start3A_91] : memref<8192x768xf32, #tpu.memory_space<hbm>> -> memref<64x768xf32, #tpu.memory_space<hbm>>
      %dma_start3A_93 = arith.constant 0 : i32
      %dma_start3A_94 = tpu.memref_slice %arg6[%mul3A_81, %dma_start3A_93] : memref<128x768xf32, #tpu.memory_space<vmem>> -> memref<64x768xf32, #tpu.memory_space<vmem>>
      tpu.enqueue_dma source(%dma_start3A_94 : memref<64x768xf32, #tpu.memory_space<vmem>>) target(%dma_start3A_92 : memref<64x768xf32, #tpu.memory_space<hbm>>) target_semaphore(%dma_start3A_90 : memref<!tpu.dma_semaphore, #tpu.memory_space<semaphore_mem>>)
    }
    %scan3A_21 = arith.constant 4 : i32
    %rem3A_22 = arith.constant 2 : i32
    %rem3A_23 = arith.constant 2 : i32
    %rem3A_24 = arith.remsi %rem3A_22, %rem3A_23 : i32
    %mul3A_25 = arith.constant 64 : i32
    %mul3A_26 = arith.muli %rem3A_24, %mul3A_25 : i32
    %mul3A_27 = arith.constant 2 : i32
    %mul3A_28 = arith.constant 64 : i32
    %mul3A_29 = arith.muli %mul3A_27, %mul3A_28 : i32
    %add3A_30 = arith.addi %mul3A_2, %mul3A_29 : i32
    %dma_wait3A = arith.constant 0 : i32
    %dma_wait3A_31 = tpu.memref_slice %arg6[%mul3A_26, %dma_wait3A] : memref<128x768xf32, #tpu.memory_space<vmem>> -> memref<64x768xf32, #tpu.memory_space<vmem>>
    %dma_wait3A_32 = arith.constant 0 : i32
    %dma_wait3A_33 = tpu.memref_slice %arg4[%add3A_30, %dma_wait3A_32] : memref<8192x768xf32, #tpu.memory_space<hbm>> -> memref<64x768xf32, #tpu.memory_space<hbm>>
    %dma_wait3A_34 = tpu.memref_slice %arg8[%rem3A_24] : memref<2x!tpu.dma_semaphore, #tpu.memory_space<semaphore_mem>> -> memref<1x!tpu.dma_semaphore, #tpu.memory_space<semaphore_mem>>
    %dma_wait3A_35 = tpu.memref_squeeze %dma_wait3A_34 : memref<1x!tpu.dma_semaphore, #tpu.memory_space<semaphore_mem>> -> memref<!tpu.dma_semaphore, #tpu.memory_space<semaphore_mem>>
    %dma_wait3A_36 = arith.constant 0 : i32
    %dma_wait3A_37 = tpu.memref_slice %arg4[%add3A_30, %dma_wait3A_36] : memref<8192x768xf32, #tpu.memory_space<hbm>> -> memref<64x768xf32, #tpu.memory_space<hbm>>
    %dma_wait3A_38 = arith.constant 0 : i32
    %dma_wait3A_39 = tpu.memref_slice %arg6[%mul3A_26, %dma_wait3A_38] : memref<128x768xf32, #tpu.memory_space<vmem>> -> memref<64x768xf32, #tpu.memory_space<vmem>>
    tpu.wait_dma2 semaphore(%dma_wait3A_35 : memref<!tpu.dma_semaphore, #tpu.memory_space<semaphore_mem>>) src(%dma_wait3A_39 : memref<64x768xf32, #tpu.memory_space<vmem>>) dst(%dma_wait3A_37 : memref<64x768xf32, #tpu.memory_space<hbm>>)
    %rem3A_40 = arith.constant 3 : i32
    %rem3A_41 = arith.constant 2 : i32
    %rem3A_42 = arith.remsi %rem3A_40, %rem3A_41 : i32
    %mul3A_43 = arith.constant 64 : i32
    %mul3A_44 = arith.muli %rem3A_42, %mul3A_43 : i32
    %mul3A_45 = arith.constant 3 : i32
    %mul3A_46 = arith.constant 64 : i32
    %mul3A_47 = arith.muli %mul3A_45, %mul3A_46 : i32
    %add3A_48 = arith.addi %mul3A_2, %mul3A_47 : i32
    %dma_wait3A_49 = arith.constant 0 : i32
    %dma_wait3A_50 = tpu.memref_slice %arg6[%mul3A_44, %dma_wait3A_49] : memref<128x768xf32, #tpu.memory_space<vmem>> -> memref<64x768xf32, #tpu.memory_space<vmem>>
    %dma_wait3A_51 = arith.constant 0 : i32
    %dma_wait3A_52 = tpu.memref_slice %arg4[%add3A_48, %dma_wait3A_51] : memref<8192x768xf32, #tpu.memory_space<hbm>> -> memref<64x768xf32, #tpu.memory_space<hbm>>
    %dma_wait3A_53 = tpu.memref_slice %arg8[%rem3A_42] : memref<2x!tpu.dma_semaphore, #tpu.memory_space<semaphore_mem>> -> memref<1x!tpu.dma_semaphore, #tpu.memory_space<semaphore_mem>>
    %dma_wait3A_54 = tpu.memref_squeeze %dma_wait3A_53 : memref<1x!tpu.dma_semaphore, #tpu.memory_space<semaphore_mem>> -> memref<!tpu.dma_semaphore, #tpu.memory_space<semaphore_mem>>
    %dma_wait3A_55 = arith.constant 0 : i32
    %dma_wait3A_56 = tpu.memref_slice %arg4[%add3A_48, %dma_wait3A_55] : memref<8192x768xf32, #tpu.memory_space<hbm>> -> memref<64x768xf32, #tpu.memory_space<hbm>>
    %dma_wait3A_57 = arith.constant 0 : i32
    %dma_wait3A_58 = tpu.memref_slice %arg6[%mul3A_44, %dma_wait3A_57] : memref<128x768xf32, #tpu.memory_space<vmem>> -> memref<64x768xf32, #tpu.memory_space<vmem>>
    tpu.wait_dma2 semaphore(%dma_wait3A_54 : memref<!tpu.dma_semaphore, #tpu.memory_space<semaphore_mem>>) src(%dma_wait3A_58 : memref<64x768xf32, #tpu.memory_space<vmem>>) dst(%dma_wait3A_56 : memref<64x768xf32, #tpu.memory_space<hbm>>)
    return
  }
}

module attributes {stable_mosaic.version = 14 : i64} {
  func.func @body(%arg0: i32, %arg1: memref<32768x768xf32, #tpu.memory_space<any>>, %arg2: memref<512x768xf32, #tpu.memory_space<vmem>>, %arg3: memref<1x1x512xf32, #tpu.memory_space<vmem>>, %arg4: memref<512x768xf32, #tpu.memory_space<vmem>>, %arg5: memref<2x768xf32, #tpu.memory_space<vmem>>, %arg6: memref<1x768xf32, #tpu.memory_space<vmem>>, %arg7: memref<1x768xf32, #tpu.memory_space<vmem>>, %arg8: memref<512x768xf32, #tpu.memory_space<vmem>>) attributes {dimension_semantics = [#tpu.dimension_semantics<arbitrary>], iteration_bounds = array<i64: 16>, scalar_prefetch = 0 : i64, scratch_operands = 0 : i64, tpu.core_type = #tpu.core_type<tc>, window_params = [{}, {transform_indices = @transform_1, window_bounds = array<i64: 512, 768>}, {transform_indices = @transform_2, window_bounds = array<i64: 1, 1, 512>}, {pipeline_mode = #tpu.pipeline_mode<synchronous>, transform_indices = @transform_3, window_bounds = array<i64: 512, 768>}, {pipeline_mode = #tpu.pipeline_mode<synchronous>, transform_indices = @transform_4, window_bounds = array<i64: 2, 768>}, {pipeline_mode = #tpu.pipeline_mode<synchronous>, transform_indices = @transform_5, window_bounds = array<i64: 1, 768>}, {pipeline_mode = #tpu.pipeline_mode<synchronous>, transform_indices = @transform_6, window_bounds = array<i64: 1, 768>}, {transform_indices = @transform_7, window_bounds = array<i64: 512, 768>}]} {
    %get3A = arith.constant 0 : index
    %get3A_0 = arith.constant 0 : index
    %get3A_1 = vector.load %arg2[%get3A, %get3A_0] : memref<512x768xf32, #tpu.memory_space<vmem>>, vector<512x768xf32>
    %get3A_2 = arith.constant 0 : index
    %get3A_3 = arith.constant 0 : index
    %get3A_4 = vector.load %arg4[%get3A_2, %get3A_3] : memref<512x768xf32, #tpu.memory_space<vmem>>, vector<512x768xf32>
    %add3A = arith.addf %get3A_1, %get3A_4 : vector<512x768xf32>
    %get3A_5 = arith.constant 0 : index
    %get3A_6 = arith.constant 0 : index
    %get3A_7 = vector.load %arg5[%get3A_5, %get3A_6] : memref<2x768xf32, #tpu.memory_space<vmem>>, vector<1x768xf32>
    %get3A_8 = vector.shape_cast %get3A_7 : vector<1x768xf32> to vector<768xf32>
    %get3A_9 = arith.constant 1 : index
    %get3A_10 = arith.constant 0 : index
    %get3A_11 = vector.load %arg5[%get3A_9, %get3A_10] : memref<2x768xf32, #tpu.memory_space<vmem>>, vector<1x768xf32>
    %get3A_12 = vector.shape_cast %get3A_11 : vector<1x768xf32> to vector<768xf32>
    %sub3A = arith.subf %get3A_12, %get3A_8 : vector<768xf32>
    %get3A_13 = arith.constant 0 : index
    %get3A_14 = arith.constant 0 : index
    %get3A_15 = arith.constant 0 : index
    %get3A_16 = vector.load %arg3[%get3A_13, %get3A_14, %get3A_15] : memref<1x1x512xf32, #tpu.memory_space<vmem>>, vector<1x1x512xf32>
    %get3A_17 = vector.shape_cast %get3A_16 : vector<1x1x512xf32> to vector<512xf32>
    %broadcast_in_dim3A = vector.shape_cast %get3A_8 : vector<768xf32> to vector<1x768xf32>
    %add3A_18 = vector.broadcast %broadcast_in_dim3A : vector<1x768xf32> to vector<512x768xf32>
    %add3A_19 = arith.addf %add3A, %add3A_18 : vector<512x768xf32>
    %broadcast_in_dim3A_20 = vector.shape_cast %get3A_17 : vector<512xf32> to vector<512x1xf32>
    %broadcast_in_dim3A_21 = vector.shape_cast %sub3A : vector<768xf32> to vector<1x768xf32>
    %mul3A = vector.broadcast %broadcast_in_dim3A_20 : vector<512x1xf32> to vector<512x768xf32>
    %mul3A_22 = vector.broadcast %broadcast_in_dim3A_21 : vector<1x768xf32> to vector<512x768xf32>
    %mul3A_23 = arith.mulf %mul3A, %mul3A_22 : vector<512x768xf32>
    %add3A_24 = arith.addf %add3A_19, %mul3A_23 : vector<512x768xf32>
    %reduce_sum3A = arith.constant dense<0.000000e+00> : vector<512xf32>
    %reduce_sum3A_25 = vector.multi_reduction <add>, %add3A_24, %reduce_sum3A [1] : vector<512x768xf32> to vector<512xf32>
    %broadcast_in_dim3A_26 = vector.shape_cast %reduce_sum3A_25 : vector<512xf32> to vector<512x1xf32>
    %div3A = arith.constant 7.680000e+02 : f32
    %div3A_27 = vector.broadcast %div3A : f32 to vector<512x1xf32>
    %div3A_28 = arith.divf %broadcast_in_dim3A_26, %div3A_27 : vector<512x1xf32>
    %sub3A_29 = vector.broadcast %div3A_28 : vector<512x1xf32> to vector<512x768xf32>
    %sub3A_30 = arith.subf %add3A_24, %sub3A_29 : vector<512x768xf32>
    %mul3A_31 = arith.mulf %sub3A_30, %sub3A_30 : vector<512x768xf32>
    %reduce_sum3A_32 = arith.constant dense<0.000000e+00> : vector<512xf32>
    %reduce_sum3A_33 = vector.multi_reduction <add>, %mul3A_31, %reduce_sum3A_32 [1] : vector<512x768xf32> to vector<512xf32>
    %broadcast_in_dim3A_34 = vector.shape_cast %reduce_sum3A_33 : vector<512xf32> to vector<512x1xf32>
    %div3A_35 = arith.constant 7.680000e+02 : f32
    %div3A_36 = vector.broadcast %div3A_35 : f32 to vector<512x1xf32>
    %div3A_37 = arith.divf %broadcast_in_dim3A_34, %div3A_36 : vector<512x1xf32>
    %add3A_38 = arith.constant 9.99999996E-13 : f32
    %add3A_39 = vector.broadcast %add3A_38 : f32 to vector<512x1xf32>
    %add3A_40 = arith.addf %div3A_37, %add3A_39 : vector<512x1xf32>
    %rsqrt3A = math.rsqrt %add3A_40 : vector<512x1xf32>
    %mul3A_41 = vector.broadcast %rsqrt3A : vector<512x1xf32> to vector<512x768xf32>
    %mul3A_42 = arith.mulf %sub3A_30, %mul3A_41 : vector<512x768xf32>
    %get3A_43 = arith.constant 0 : index
    %get3A_44 = arith.constant 0 : index
    %get3A_45 = vector.load %arg6[%get3A_43, %get3A_44] : memref<1x768xf32, #tpu.memory_space<vmem>>, vector<1x768xf32>
    %mul3A_46 = vector.broadcast %get3A_45 : vector<1x768xf32> to vector<512x768xf32>
    %mul3A_47 = arith.mulf %mul3A_42, %mul3A_46 : vector<512x768xf32>
    %get3A_48 = arith.constant 0 : index
    %get3A_49 = arith.constant 0 : index
    %get3A_50 = vector.load %arg7[%get3A_48, %get3A_49] : memref<1x768xf32, #tpu.memory_space<vmem>>, vector<1x768xf32>
    %add3A_51 = vector.broadcast %get3A_50 : vector<1x768xf32> to vector<512x768xf32>
    %add3A_52 = arith.addf %mul3A_47, %add3A_51 : vector<512x768xf32>
    %swap3A = arith.constant 0 : index
    %swap3A_53 = arith.constant 0 : index
    %swap3A_54 = vector.load %arg8[%swap3A, %swap3A_53] : memref<512x768xf32, #tpu.memory_space<vmem>>, vector<512x768xf32>
    tpu.vector_store %arg8[%swap3A, %swap3A_53], %add3A_52 {strides = array<i32>} : memref<512x768xf32, #tpu.memory_space<vmem>>, vector<512x768xf32>,
    return
  }
  func.func @transform_1(%arg0: i32) -> (i32, i32) {
    %c0_i32 = arith.constant 0 : i32
    %c0_i32_0 = arith.constant 0 : i32
    return %arg0, %c0_i32 : i32, i32
  }
  func.func @transform_2(%arg0: i32) -> (i32, i32, i32) {
    %c0_i32 = arith.constant 0 : i32
    %c0_i32_0 = arith.constant 0 : i32
    %c0_i32_1 = arith.constant 0 : i32
    return %arg0, %c0_i32, %c0_i32_0 : i32, i32, i32
  }
  func.func @transform_3(%arg0: i32) -> (i32, i32) {
    %c0_i32 = arith.constant 0 : i32
    %c0_i32_0 = arith.constant 0 : i32
    %c0_i32_1 = arith.constant 0 : i32
    return %c0_i32, %c0_i32_0 : i32, i32
  }
  func.func @transform_4(%arg0: i32) -> (i32, i32) {
    %c0_i32 = arith.constant 0 : i32
    %c0_i32_0 = arith.constant 0 : i32
    %c0_i32_1 = arith.constant 0 : i32
    return %c0_i32, %c0_i32_0 : i32, i32
  }
  func.func @transform_5(%arg0: i32) -> (i32, i32) {
    %c0_i32 = arith.constant 0 : i32
    %c0_i32_0 = arith.constant 0 : i32
    %c0_i32_1 = arith.constant 0 : i32
    return %c0_i32, %c0_i32_0 : i32, i32
  }
  func.func @transform_6(%arg0: i32) -> (i32, i32) {
    %c0_i32 = arith.constant 0 : i32
    %c0_i32_0 = arith.constant 0 : i32
    %c0_i32_1 = arith.constant 0 : i32
    return %c0_i32, %c0_i32_0 : i32, i32
  }
  func.func @transform_7(%arg0: i32) -> (i32, i32) {
    %add3A = arith.constant 16 : i32
    %add3A_0 = arith.addi %arg0, %add3A : i32
    %c0_i32 = arith.constant 0 : i32
    %c0_i32_1 = arith.constant 0 : i32
    return %add3A_0, %c0_i32 : i32, i32
  }
}

module attributes {stable_mosaic.version = 14 : i64} {
  func.func @body(%arg0: i32, %arg1: memref<512x768xf32, #tpu.memory_space<vmem>>, %arg2: memref<1x1x512xf32, #tpu.memory_space<vmem>>, %arg3: memref<512x768xf32, #tpu.memory_space<vmem>>, %arg4: memref<2x768xf32, #tpu.memory_space<vmem>>, %arg5: memref<1x768xf32, #tpu.memory_space<vmem>>, %arg6: memref<1x768xf32, #tpu.memory_space<vmem>>, %arg7: memref<512x768xf32, #tpu.memory_space<vmem>>) attributes {dimension_semantics = [#tpu.dimension_semantics<arbitrary>], iteration_bounds = array<i64: 16>, scalar_prefetch = 0 : i64, scratch_operands = 0 : i64, tpu.core_type = #tpu.core_type<tc>, window_params = [{transform_indices = @transform_0, window_bounds = array<i64: 512, 768>}, {transform_indices = @transform_1, window_bounds = array<i64: 1, 1, 512>}, {pipeline_mode = #tpu.pipeline_mode<synchronous>, transform_indices = @transform_2, window_bounds = array<i64: 512, 768>}, {pipeline_mode = #tpu.pipeline_mode<synchronous>, transform_indices = @transform_3, window_bounds = array<i64: 2, 768>}, {pipeline_mode = #tpu.pipeline_mode<synchronous>, transform_indices = @transform_4, window_bounds = array<i64: 1, 768>}, {pipeline_mode = #tpu.pipeline_mode<synchronous>, transform_indices = @transform_5, window_bounds = array<i64: 1, 768>}, {transform_indices = @transform_6, window_bounds = array<i64: 512, 768>}]} {
    %get3A = arith.constant 0 : index
    %get3A_0 = arith.constant 0 : index
    %get3A_1 = vector.load %arg1[%get3A, %get3A_0] : memref<512x768xf32, #tpu.memory_space<vmem>>, vector<512x768xf32>
    %get3A_2 = arith.constant 0 : index
    %get3A_3 = arith.constant 0 : index
    %get3A_4 = vector.load %arg3[%get3A_2, %get3A_3] : memref<512x768xf32, #tpu.memory_space<vmem>>, vector<512x768xf32>
    %add3A = arith.addf %get3A_1, %get3A_4 : vector<512x768xf32>
    %get3A_5 = arith.constant 0 : index
    %get3A_6 = arith.constant 0 : index
    %get3A_7 = vector.load %arg4[%get3A_5, %get3A_6] : memref<2x768xf32, #tpu.memory_space<vmem>>, vector<1x768xf32>
    %get3A_8 = vector.shape_cast %get3A_7 : vector<1x768xf32> to vector<768xf32>
    %get3A_9 = arith.constant 1 : index
    %get3A_10 = arith.constant 0 : index
    %get3A_11 = vector.load %arg4[%get3A_9, %get3A_10] : memref<2x768xf32, #tpu.memory_space<vmem>>, vector<1x768xf32>
    %get3A_12 = vector.shape_cast %get3A_11 : vector<1x768xf32> to vector<768xf32>
    %sub3A = arith.subf %get3A_12, %get3A_8 : vector<768xf32>
    %get3A_13 = arith.constant 0 : index
    %get3A_14 = arith.constant 0 : index
    %get3A_15 = arith.constant 0 : index
    %get3A_16 = vector.load %arg2[%get3A_13, %get3A_14, %get3A_15] : memref<1x1x512xf32, #tpu.memory_space<vmem>>, vector<1x1x512xf32>
    %get3A_17 = vector.shape_cast %get3A_16 : vector<1x1x512xf32> to vector<512xf32>
    %broadcast_in_dim3A = vector.shape_cast %get3A_8 : vector<768xf32> to vector<1x768xf32>
    %add3A_18 = vector.broadcast %broadcast_in_dim3A : vector<1x768xf32> to vector<512x768xf32>
    %add3A_19 = arith.addf %add3A, %add3A_18 : vector<512x768xf32>
    %broadcast_in_dim3A_20 = vector.shape_cast %get3A_17 : vector<512xf32> to vector<512x1xf32>
    %broadcast_in_dim3A_21 = vector.shape_cast %sub3A : vector<768xf32> to vector<1x768xf32>
    %mul3A = vector.broadcast %broadcast_in_dim3A_20 : vector<512x1xf32> to vector<512x768xf32>
    %mul3A_22 = vector.broadcast %broadcast_in_dim3A_21 : vector<1x768xf32> to vector<512x768xf32>
    %mul3A_23 = arith.mulf %mul3A, %mul3A_22 : vector<512x768xf32>
    %add3A_24 = arith.addf %add3A_19, %mul3A_23 : vector<512x768xf32>
    %reduce_sum3A = arith.constant dense<0.000000e+00> : vector<512xf32>
    %reduce_sum3A_25 = vector.multi_reduction <add>, %add3A_24, %reduce_sum3A [1] : vector<512x768xf32> to vector<512xf32>
    %broadcast_in_dim3A_26 = vector.shape_cast %reduce_sum3A_25 : vector<512xf32> to vector<512x1xf32>
    %div3A = arith.constant 7.680000e+02 : f32
    %div3A_27 = vector.broadcast %div3A : f32 to vector<512x1xf32>
    %div3A_28 = arith.divf %broadcast_in_dim3A_26, %div3A_27 : vector<512x1xf32>
    %sub3A_29 = vector.broadcast %div3A_28 : vector<512x1xf32> to vector<512x768xf32>
    %sub3A_30 = arith.subf %add3A_24, %sub3A_29 : vector<512x768xf32>
    %mul3A_31 = arith.mulf %sub3A_30, %sub3A_30 : vector<512x768xf32>
    %reduce_sum3A_32 = arith.constant dense<0.000000e+00> : vector<512xf32>
    %reduce_sum3A_33 = vector.multi_reduction <add>, %mul3A_31, %reduce_sum3A_32 [1] : vector<512x768xf32> to vector<512xf32>
    %broadcast_in_dim3A_34 = vector.shape_cast %reduce_sum3A_33 : vector<512xf32> to vector<512x1xf32>
    %div3A_35 = arith.constant 7.680000e+02 : f32
    %div3A_36 = vector.broadcast %div3A_35 : f32 to vector<512x1xf32>
    %div3A_37 = arith.divf %broadcast_in_dim3A_34, %div3A_36 : vector<512x1xf32>
    %add3A_38 = arith.constant 9.99999996E-13 : f32
    %add3A_39 = vector.broadcast %add3A_38 : f32 to vector<512x1xf32>
    %add3A_40 = arith.addf %div3A_37, %add3A_39 : vector<512x1xf32>
    %rsqrt3A = math.rsqrt %add3A_40 : vector<512x1xf32>
    %mul3A_41 = vector.broadcast %rsqrt3A : vector<512x1xf32> to vector<512x768xf32>
    %mul3A_42 = arith.mulf %sub3A_30, %mul3A_41 : vector<512x768xf32>
    %get3A_43 = arith.constant 0 : index
    %get3A_44 = arith.constant 0 : index
    %get3A_45 = vector.load %arg5[%get3A_43, %get3A_44] : memref<1x768xf32, #tpu.memory_space<vmem>>, vector<1x768xf32>
    %mul3A_46 = vector.broadcast %get3A_45 : vector<1x768xf32> to vector<512x768xf32>
    %mul3A_47 = arith.mulf %mul3A_42, %mul3A_46 : vector<512x768xf32>
    %get3A_48 = arith.constant 0 : index
    %get3A_49 = arith.constant 0 : index
    %get3A_50 = vector.load %arg6[%get3A_48, %get3A_49] : memref<1x768xf32, #tpu.memory_space<vmem>>, vector<1x768xf32>
    %add3A_51 = vector.broadcast %get3A_50 : vector<1x768xf32> to vector<512x768xf32>
    %add3A_52 = arith.addf %mul3A_47, %add3A_51 : vector<512x768xf32>
    %swap3A = arith.constant 0 : index
    %swap3A_53 = arith.constant 0 : index
    %swap3A_54 = vector.load %arg7[%swap3A, %swap3A_53] : memref<512x768xf32, #tpu.memory_space<vmem>>, vector<512x768xf32>
    tpu.vector_store %arg7[%swap3A, %swap3A_53], %add3A_52 {strides = array<i32>} : memref<512x768xf32, #tpu.memory_space<vmem>>, vector<512x768xf32>,
    return
  }
  func.func @transform_0(%arg0: i32) -> (i32, i32) {
    %c0_i32 = arith.constant 0 : i32
    %c0_i32_0 = arith.constant 0 : i32
    return %arg0, %c0_i32 : i32, i32
  }
  func.func @transform_1(%arg0: i32) -> (i32, i32, i32) {
    %c0_i32 = arith.constant 0 : i32
    %c0_i32_0 = arith.constant 0 : i32
    %c0_i32_1 = arith.constant 0 : i32
    return %arg0, %c0_i32, %c0_i32_0 : i32, i32, i32
  }
  func.func @transform_2(%arg0: i32) -> (i32, i32) {
    %c0_i32 = arith.constant 0 : i32
    %c0_i32_0 = arith.constant 0 : i32
    %c0_i32_1 = arith.constant 0 : i32
    return %c0_i32, %c0_i32_0 : i32, i32
  }
  func.func @transform_3(%arg0: i32) -> (i32, i32) {
    %c0_i32 = arith.constant 0 : i32
    %c0_i32_0 = arith.constant 0 : i32
    %c0_i32_1 = arith.constant 0 : i32
    return %c0_i32, %c0_i32_0 : i32, i32
  }
  func.func @transform_4(%arg0: i32) -> (i32, i32) {
    %c0_i32 = arith.constant 0 : i32
    %c0_i32_0 = arith.constant 0 : i32
    %c0_i32_1 = arith.constant 0 : i32
    return %c0_i32, %c0_i32_0 : i32, i32
  }
  func.func @transform_5(%arg0: i32) -> (i32, i32) {
    %c0_i32 = arith.constant 0 : i32
    %c0_i32_0 = arith.constant 0 : i32
    %c0_i32_1 = arith.constant 0 : i32
    return %c0_i32, %c0_i32_0 : i32, i32
  }
  func.func @transform_6(%arg0: i32) -> (i32, i32) {
    %add3A = arith.constant 0 : i32
    %add3A_0 = arith.addi %arg0, %add3A : i32
    %c0_i32 = arith.constant 0 : i32
    %c0_i32_1 = arith.constant 0 : i32
    return %add3A_0, %c0_i32 : i32, i32
  }
}

module attributes {stable_mosaic.version = 14 : i64} {
  func.func @body(%arg0: i32, %arg1: memref<32768x768xf32, #tpu.memory_space<any>>, %arg2: memref<512x768xf32, #tpu.memory_space<vmem>>, %arg3: memref<1x1x512xf32, #tpu.memory_space<vmem>>, %arg4: memref<512x768xf32, #tpu.memory_space<vmem>>, %arg5: memref<2x768xf32, #tpu.memory_space<vmem>>, %arg6: memref<1x768xf32, #tpu.memory_space<vmem>>, %arg7: memref<1x768xf32, #tpu.memory_space<vmem>>, %arg8: memref<512x768xf32, #tpu.memory_space<vmem>>) attributes {dimension_semantics = [#tpu.dimension_semantics<arbitrary>], iteration_bounds = array<i64: 16>, scalar_prefetch = 0 : i64, scratch_operands = 0 : i64, tpu.core_type = #tpu.core_type<tc>, window_params = [{}, {transform_indices = @transform_1, window_bounds = array<i64: 512, 768>}, {transform_indices = @transform_2, window_bounds = array<i64: 1, 1, 512>}, {pipeline_mode = #tpu.pipeline_mode<synchronous>, transform_indices = @transform_3, window_bounds = array<i64: 512, 768>}, {pipeline_mode = #tpu.pipeline_mode<synchronous>, transform_indices = @transform_4, window_bounds = array<i64: 2, 768>}, {pipeline_mode = #tpu.pipeline_mode<synchronous>, transform_indices = @transform_5, window_bounds = array<i64: 1, 768>}, {pipeline_mode = #tpu.pipeline_mode<synchronous>, transform_indices = @transform_6, window_bounds = array<i64: 1, 768>}, {transform_indices = @transform_7, window_bounds = array<i64: 512, 768>}]} {
    %get3A = arith.constant 0 : index
    %get3A_0 = arith.constant 0 : index
    %get3A_1 = vector.load %arg2[%get3A, %get3A_0] : memref<512x768xf32, #tpu.memory_space<vmem>>, vector<512x768xf32>
    %get3A_2 = arith.constant 0 : index
    %get3A_3 = arith.constant 0 : index
    %get3A_4 = vector.load %arg4[%get3A_2, %get3A_3] : memref<512x768xf32, #tpu.memory_space<vmem>>, vector<512x768xf32>
    %add3A = arith.addf %get3A_1, %get3A_4 : vector<512x768xf32>
    %get3A_5 = arith.constant 0 : index
    %get3A_6 = arith.constant 0 : index
    %get3A_7 = vector.load %arg5[%get3A_5, %get3A_6] : memref<2x768xf32, #tpu.memory_space<vmem>>, vector<1x768xf32>
    %get3A_8 = vector.shape_cast %get3A_7 : vector<1x768xf32> to vector<768xf32>
    %get3A_9 = arith.constant 1 : index
    %get3A_10 = arith.constant 0 : index
    %get3A_11 = vector.load %arg5[%get3A_9, %get3A_10] : memref<2x768xf32, #tpu.memory_space<vmem>>, vector<1x768xf32>
    %get3A_12 = vector.shape_cast %get3A_11 : vector<1x768xf32> to vector<768xf32>
    %sub3A = arith.subf %get3A_12, %get3A_8 : vector<768xf32>
    %get3A_13 = arith.constant 0 : index
    %get3A_14 = arith.constant 0 : index
    %get3A_15 = arith.constant 0 : index
    %get3A_16 = vector.load %arg3[%get3A_13, %get3A_14, %get3A_15] : memref<1x1x512xf32, #tpu.memory_space<vmem>>, vector<1x1x512xf32>
    %get3A_17 = vector.shape_cast %get3A_16 : vector<1x1x512xf32> to vector<512xf32>
    %broadcast_in_dim3A = vector.shape_cast %get3A_8 : vector<768xf32> to vector<1x768xf32>
    %add3A_18 = vector.broadcast %broadcast_in_dim3A : vector<1x768xf32> to vector<512x768xf32>
    %add3A_19 = arith.addf %add3A, %add3A_18 : vector<512x768xf32>
    %broadcast_in_dim3A_20 = vector.shape_cast %get3A_17 : vector<512xf32> to vector<512x1xf32>
    %broadcast_in_dim3A_21 = vector.shape_cast %sub3A : vector<768xf32> to vector<1x768xf32>
    %mul3A = vector.broadcast %broadcast_in_dim3A_20 : vector<512x1xf32> to vector<512x768xf32>
    %mul3A_22 = vector.broadcast %broadcast_in_dim3A_21 : vector<1x768xf32> to vector<512x768xf32>
    %mul3A_23 = arith.mulf %mul3A, %mul3A_22 : vector<512x768xf32>
    %add3A_24 = arith.addf %add3A_19, %mul3A_23 : vector<512x768xf32>
    %reduce_sum3A = arith.constant dense<0.000000e+00> : vector<512xf32>
    %reduce_sum3A_25 = vector.multi_reduction <add>, %add3A_24, %reduce_sum3A [1] : vector<512x768xf32> to vector<512xf32>
    %broadcast_in_dim3A_26 = vector.shape_cast %reduce_sum3A_25 : vector<512xf32> to vector<512x1xf32>
    %div3A = arith.constant 7.680000e+02 : f32
    %div3A_27 = vector.broadcast %div3A : f32 to vector<512x1xf32>
    %div3A_28 = arith.divf %broadcast_in_dim3A_26, %div3A_27 : vector<512x1xf32>
    %sub3A_29 = vector.broadcast %div3A_28 : vector<512x1xf32> to vector<512x768xf32>
    %sub3A_30 = arith.subf %add3A_24, %sub3A_29 : vector<512x768xf32>
    %mul3A_31 = arith.mulf %sub3A_30, %sub3A_30 : vector<512x768xf32>
    %reduce_sum3A_32 = arith.constant dense<0.000000e+00> : vector<512xf32>
    %reduce_sum3A_33 = vector.multi_reduction <add>, %mul3A_31, %reduce_sum3A_32 [1] : vector<512x768xf32> to vector<512xf32>
    %broadcast_in_dim3A_34 = vector.shape_cast %reduce_sum3A_33 : vector<512xf32> to vector<512x1xf32>
    %div3A_35 = arith.constant 7.680000e+02 : f32
    %div3A_36 = vector.broadcast %div3A_35 : f32 to vector<512x1xf32>
    %div3A_37 = arith.divf %broadcast_in_dim3A_34, %div3A_36 : vector<512x1xf32>
    %add3A_38 = arith.constant 9.99999996E-13 : f32
    %add3A_39 = vector.broadcast %add3A_38 : f32 to vector<512x1xf32>
    %add3A_40 = arith.addf %div3A_37, %add3A_39 : vector<512x1xf32>
    %rsqrt3A = math.rsqrt %add3A_40 : vector<512x1xf32>
    %mul3A_41 = vector.broadcast %rsqrt3A : vector<512x1xf32> to vector<512x768xf32>
    %mul3A_42 = arith.mulf %sub3A_30, %mul3A_41 : vector<512x768xf32>
    %get3A_43 = arith.constant 0 : index
    %get3A_44 = arith.constant 0 : index
    %get3A_45 = vector.load %arg6[%get3A_43, %get3A_44] : memref<1x768xf32, #tpu.memory_space<vmem>>, vector<1x768xf32>
    %mul3A_46 = vector.broadcast %get3A_45 : vector<1x768xf32> to vector<512x768xf32>
    %mul3A_47 = arith.mulf %mul3A_42, %mul3A_46 : vector<512x768xf32>
    %get3A_48 = arith.constant 0 : index
    %get3A_49 = arith.constant 0 : index
    %get3A_50 = vector.load %arg7[%get3A_48, %get3A_49] : memref<1x768xf32, #tpu.memory_space<vmem>>, vector<1x768xf32>
    %add3A_51 = vector.broadcast %get3A_50 : vector<1x768xf32> to vector<512x768xf32>
    %add3A_52 = arith.addf %mul3A_47, %add3A_51 : vector<512x768xf32>
    %swap3A = arith.constant 0 : index
    %swap3A_53 = arith.constant 0 : index
    %swap3A_54 = vector.load %arg8[%swap3A, %swap3A_53] : memref<512x768xf32, #tpu.memory_space<vmem>>, vector<512x768xf32>
    tpu.vector_store %arg8[%swap3A, %swap3A_53], %add3A_52 {strides = array<i32>} : memref<512x768xf32, #tpu.memory_space<vmem>>, vector<512x768xf32>,
    return
  }
  func.func @transform_1(%arg0: i32) -> (i32, i32) {
    %c0_i32 = arith.constant 0 : i32
    %c0_i32_0 = arith.constant 0 : i32
    return %arg0, %c0_i32 : i32, i32
  }
  func.func @transform_2(%arg0: i32) -> (i32, i32, i32) {
    %c0_i32 = arith.constant 0 : i32
    %c0_i32_0 = arith.constant 0 : i32
    %c0_i32_1 = arith.constant 0 : i32
    return %arg0, %c0_i32, %c0_i32_0 : i32, i32, i32
  }
  func.func @transform_3(%arg0: i32) -> (i32, i32) {
    %c0_i32 = arith.constant 0 : i32
    %c0_i32_0 = arith.constant 0 : i32
    %c0_i32_1 = arith.constant 0 : i32
    return %c0_i32, %c0_i32_0 : i32, i32
  }
  func.func @transform_4(%arg0: i32) -> (i32, i32) {
    %c0_i32 = arith.constant 0 : i32
    %c0_i32_0 = arith.constant 0 : i32
    %c0_i32_1 = arith.constant 0 : i32
    return %c0_i32, %c0_i32_0 : i32, i32
  }
  func.func @transform_5(%arg0: i32) -> (i32, i32) {
    %c0_i32 = arith.constant 0 : i32
    %c0_i32_0 = arith.constant 0 : i32
    %c0_i32_1 = arith.constant 0 : i32
    return %c0_i32, %c0_i32_0 : i32, i32
  }
  func.func @transform_6(%arg0: i32) -> (i32, i32) {
    %c0_i32 = arith.constant 0 : i32
    %c0_i32_0 = arith.constant 0 : i32
    %c0_i32_1 = arith.constant 0 : i32
    return %c0_i32, %c0_i32_0 : i32, i32
  }
  func.func @transform_7(%arg0: i32) -> (i32, i32) {
    %add3A = arith.constant 32 : i32
    %add3A_0 = arith.addi %arg0, %add3A : i32
    %c0_i32 = arith.constant 0 : i32
    %c0_i32_1 = arith.constant 0 : i32
    return %add3A_0, %c0_i32 : i32, i32
  }
}

module attributes {stable_mosaic.version = 14 : i64} {
  func.func @body(%arg0: i32, %arg1: memref<32768x768xf32, #tpu.memory_space<any>>, %arg2: memref<512x768xf32, #tpu.memory_space<vmem>>, %arg3: memref<1x1x512xf32, #tpu.memory_space<vmem>>, %arg4: memref<512x768xf32, #tpu.memory_space<vmem>>, %arg5: memref<2x768xf32, #tpu.memory_space<vmem>>, %arg6: memref<1x768xf32, #tpu.memory_space<vmem>>, %arg7: memref<1x768xf32, #tpu.memory_space<vmem>>, %arg8: memref<512x768xf32, #tpu.memory_space<vmem>>) attributes {dimension_semantics = [#tpu.dimension_semantics<arbitrary>], iteration_bounds = array<i64: 16>, scalar_prefetch = 0 : i64, scratch_operands = 0 : i64, tpu.core_type = #tpu.core_type<tc>, window_params = [{}, {transform_indices = @transform_1, window_bounds = array<i64: 512, 768>}, {transform_indices = @transform_2, window_bounds = array<i64: 1, 1, 512>}, {pipeline_mode = #tpu.pipeline_mode<synchronous>, transform_indices = @transform_3, window_bounds = array<i64: 512, 768>}, {pipeline_mode = #tpu.pipeline_mode<synchronous>, transform_indices = @transform_4, window_bounds = array<i64: 2, 768>}, {pipeline_mode = #tpu.pipeline_mode<synchronous>, transform_indices = @transform_5, window_bounds = array<i64: 1, 768>}, {pipeline_mode = #tpu.pipeline_mode<synchronous>, transform_indices = @transform_6, window_bounds = array<i64: 1, 768>}, {transform_indices = @transform_7, window_bounds = array<i64: 512, 768>}]} {
    %get3A = arith.constant 0 : index
    %get3A_0 = arith.constant 0 : index
    %get3A_1 = vector.load %arg2[%get3A, %get3A_0] : memref<512x768xf32, #tpu.memory_space<vmem>>, vector<512x768xf32>
    %get3A_2 = arith.constant 0 : index
    %get3A_3 = arith.constant 0 : index
    %get3A_4 = vector.load %arg4[%get3A_2, %get3A_3] : memref<512x768xf32, #tpu.memory_space<vmem>>, vector<512x768xf32>
    %add3A = arith.addf %get3A_1, %get3A_4 : vector<512x768xf32>
    %get3A_5 = arith.constant 0 : index
    %get3A_6 = arith.constant 0 : index
    %get3A_7 = vector.load %arg5[%get3A_5, %get3A_6] : memref<2x768xf32, #tpu.memory_space<vmem>>, vector<1x768xf32>
    %get3A_8 = vector.shape_cast %get3A_7 : vector<1x768xf32> to vector<768xf32>
    %get3A_9 = arith.constant 1 : index
    %get3A_10 = arith.constant 0 : index
    %get3A_11 = vector.load %arg5[%get3A_9, %get3A_10] : memref<2x768xf32, #tpu.memory_space<vmem>>, vector<1x768xf32>
    %get3A_12 = vector.shape_cast %get3A_11 : vector<1x768xf32> to vector<768xf32>
    %sub3A = arith.subf %get3A_12, %get3A_8 : vector<768xf32>
    %get3A_13 = arith.constant 0 : index
    %get3A_14 = arith.constant 0 : index
    %get3A_15 = arith.constant 0 : index
    %get3A_16 = vector.load %arg3[%get3A_13, %get3A_14, %get3A_15] : memref<1x1x512xf32, #tpu.memory_space<vmem>>, vector<1x1x512xf32>
    %get3A_17 = vector.shape_cast %get3A_16 : vector<1x1x512xf32> to vector<512xf32>
    %broadcast_in_dim3A = vector.shape_cast %get3A_8 : vector<768xf32> to vector<1x768xf32>
    %add3A_18 = vector.broadcast %broadcast_in_dim3A : vector<1x768xf32> to vector<512x768xf32>
    %add3A_19 = arith.addf %add3A, %add3A_18 : vector<512x768xf32>
    %broadcast_in_dim3A_20 = vector.shape_cast %get3A_17 : vector<512xf32> to vector<512x1xf32>
    %broadcast_in_dim3A_21 = vector.shape_cast %sub3A : vector<768xf32> to vector<1x768xf32>
    %mul3A = vector.broadcast %broadcast_in_dim3A_20 : vector<512x1xf32> to vector<512x768xf32>
    %mul3A_22 = vector.broadcast %broadcast_in_dim3A_21 : vector<1x768xf32> to vector<512x768xf32>
    %mul3A_23 = arith.mulf %mul3A, %mul3A_22 : vector<512x768xf32>
    %add3A_24 = arith.addf %add3A_19, %mul3A_23 : vector<512x768xf32>
    %reduce_sum3A = arith.constant dense<0.000000e+00> : vector<512xf32>
    %reduce_sum3A_25 = vector.multi_reduction <add>, %add3A_24, %reduce_sum3A [1] : vector<512x768xf32> to vector<512xf32>
    %broadcast_in_dim3A_26 = vector.shape_cast %reduce_sum3A_25 : vector<512xf32> to vector<512x1xf32>
    %div3A = arith.constant 7.680000e+02 : f32
    %div3A_27 = vector.broadcast %div3A : f32 to vector<512x1xf32>
    %div3A_28 = arith.divf %broadcast_in_dim3A_26, %div3A_27 : vector<512x1xf32>
    %sub3A_29 = vector.broadcast %div3A_28 : vector<512x1xf32> to vector<512x768xf32>
    %sub3A_30 = arith.subf %add3A_24, %sub3A_29 : vector<512x768xf32>
    %mul3A_31 = arith.mulf %sub3A_30, %sub3A_30 : vector<512x768xf32>
    %reduce_sum3A_32 = arith.constant dense<0.000000e+00> : vector<512xf32>
    %reduce_sum3A_33 = vector.multi_reduction <add>, %mul3A_31, %reduce_sum3A_32 [1] : vector<512x768xf32> to vector<512xf32>
    %broadcast_in_dim3A_34 = vector.shape_cast %reduce_sum3A_33 : vector<512xf32> to vector<512x1xf32>
    %div3A_35 = arith.constant 7.680000e+02 : f32
    %div3A_36 = vector.broadcast %div3A_35 : f32 to vector<512x1xf32>
    %div3A_37 = arith.divf %broadcast_in_dim3A_34, %div3A_36 : vector<512x1xf32>
    %add3A_38 = arith.constant 9.99999996E-13 : f32
    %add3A_39 = vector.broadcast %add3A_38 : f32 to vector<512x1xf32>
    %add3A_40 = arith.addf %div3A_37, %add3A_39 : vector<512x1xf32>
    %rsqrt3A = math.rsqrt %add3A_40 : vector<512x1xf32>
    %mul3A_41 = vector.broadcast %rsqrt3A : vector<512x1xf32> to vector<512x768xf32>
    %mul3A_42 = arith.mulf %sub3A_30, %mul3A_41 : vector<512x768xf32>
    %get3A_43 = arith.constant 0 : index
    %get3A_44 = arith.constant 0 : index
    %get3A_45 = vector.load %arg6[%get3A_43, %get3A_44] : memref<1x768xf32, #tpu.memory_space<vmem>>, vector<1x768xf32>
    %mul3A_46 = vector.broadcast %get3A_45 : vector<1x768xf32> to vector<512x768xf32>
    %mul3A_47 = arith.mulf %mul3A_42, %mul3A_46 : vector<512x768xf32>
    %get3A_48 = arith.constant 0 : index
    %get3A_49 = arith.constant 0 : index
    %get3A_50 = vector.load %arg7[%get3A_48, %get3A_49] : memref<1x768xf32, #tpu.memory_space<vmem>>, vector<1x768xf32>
    %add3A_51 = vector.broadcast %get3A_50 : vector<1x768xf32> to vector<512x768xf32>
    %add3A_52 = arith.addf %mul3A_47, %add3A_51 : vector<512x768xf32>
    %swap3A = arith.constant 0 : index
    %swap3A_53 = arith.constant 0 : index
    %swap3A_54 = vector.load %arg8[%swap3A, %swap3A_53] : memref<512x768xf32, #tpu.memory_space<vmem>>, vector<512x768xf32>
    tpu.vector_store %arg8[%swap3A, %swap3A_53], %add3A_52 {strides = array<i32>} : memref<512x768xf32, #tpu.memory_space<vmem>>, vector<512x768xf32>,
    return
  }
  func.func @transform_1(%arg0: i32) -> (i32, i32) {
    %c0_i32 = arith.constant 0 : i32
    %c0_i32_0 = arith.constant 0 : i32
    return %arg0, %c0_i32 : i32, i32
  }
  func.func @transform_2(%arg0: i32) -> (i32, i32, i32) {
    %c0_i32 = arith.constant 0 : i32
    %c0_i32_0 = arith.constant 0 : i32
    %c0_i32_1 = arith.constant 0 : i32
    return %arg0, %c0_i32, %c0_i32_0 : i32, i32, i32
  }
  func.func @transform_3(%arg0: i32) -> (i32, i32) {
    %c0_i32 = arith.constant 0 : i32
    %c0_i32_0 = arith.constant 0 : i32
    %c0_i32_1 = arith.constant 0 : i32
    return %c0_i32, %c0_i32_0 : i32, i32
  }
  func.func @transform_4(%arg0: i32) -> (i32, i32) {
    %c0_i32 = arith.constant 0 : i32
    %c0_i32_0 = arith.constant 0 : i32
    %c0_i32_1 = arith.constant 0 : i32
    return %c0_i32, %c0_i32_0 : i32, i32
  }
  func.func @transform_5(%arg0: i32) -> (i32, i32) {
    %c0_i32 = arith.constant 0 : i32
    %c0_i32_0 = arith.constant 0 : i32
    %c0_i32_1 = arith.constant 0 : i32
    return %c0_i32, %c0_i32_0 : i32, i32
  }
  func.func @transform_6(%arg0: i32) -> (i32, i32) {
    %c0_i32 = arith.constant 0 : i32
    %c0_i32_0 = arith.constant 0 : i32
    %c0_i32_1 = arith.constant 0 : i32
    return %c0_i32, %c0_i32_0 : i32, i32
  }
  func.func @transform_7(%arg0: i32) -> (i32, i32) {
    %add3A = arith.constant 48 : i32
    %add3A_0 = arith.addi %arg0, %add3A : i32
    %c0_i32 = arith.constant 0 : i32
    %c0_i32_1 = arith.constant 0 : i32
    return %add3A_0, %c0_i32 : i32, i32
  }
}

</mosaic_0001>

<sc_bundles>
// kernel: kernel.10.cloned.1.call-start
scs
__scs_entry_jumppad:
0x0: {  	(pc) =	sbr.rel $0x88, $3  }
0x1: {  	(tag) =	ssettag $0x0;
	lr =	simm.s32 $0x1  }
0x2: {  	[smem:$0x3F9A] =	sst lr;
	_ =	strace $0xD0000000  }
0x3: {  	_ = 	snop  }
0x4: {  	_ = 	snop  }
0x5: {  	_ = 	snop  }
0x6: {  	_ = 	snop  }
0x7: {  	_ = 	snop  }
__scs_overlays_trampoline_lowered:
0x8: {  	[smem:$0x3FA9] =	sst s0  }
0x9: {  	[smem:$0x3FAA] =	sst s1  }
0xa: {  	[smem:$0x3FAB] =	sst s2  }
0xb: {  	[smem:$0x3FAC] =	sst s3  }
0xc: {  	[smem:$0x3FAD] =	sst s4  }
0xd: {  	[smem:$0x3FAE] =	sst s5  }
0xe: {  	[smem:$0x3FAF] =	sst s6  }
0xf: {  	[smem:$0x3FB0] =	sst s7  }
0x10: {  	[smem:$0x3FB1] =	sst s8  }
0x11: {  	[smem:$0x3FB2] =	sst s9;
	s0 =	simm.s32 @!p0 $0x0  }
0x12: {  	s1 =	sld [smem:$0x3F98];
	s0 =	simm.s32 @p0 $0x1  }
0x13: {  	[smem:$0x3FB3] =	sst s0;
	s0 =	simm.s32 @!p1 $0x0  }
0x14: {  	s2 =	sld [smem:$0x3F97];
	s0 =	simm.s32 @p1 $0x1  }
0x15: {  	[smem:$0x3FB4] =	sst s0;
	s0 =	simm.s32 @!p2 $0x0  }
0x16: {  	s3 =	sld [smem:$0x3FDB];
	s0 =	simm.s32 @p2 $0x1  }
0x17: {  	s4 =	simm.s32 $0x1BF5;
	[smem:$0x3FB6] =	sst s0  }
0x18: {  	s0 =	sld [smem:$0x3F99];
	_ =	swait.ge [sflag:s4], $0x0  }
0x19: {  	s7 =	sld [smem:$0x3F9A]  }
0x1a: {  	s8 =	sadd.s32 $0xFFFFE003, lr  }
0x1b: {  	s9 =	sadd.s32 $0xFFFFFEF7, lr;
	s5 =	simm.s32 $0xFFFFFFFF;
	p2 =	slt.u32 s8, $0xFFFFF086  }
0x1c: {  	p1 =	slt.u32 s9, $0xF7A;
	s5 =	simm.s32 @!p2 $0x0  }
0x1d: {  	s5 =	simm.s32 @p1 $0x1;
	p0 =	seq.s32 s7, s2  }
0x1e: {  	s7 =	smul.u32 @!p0 $0xF7A, s2;
	p2 =	seq.s32 @!p0 s5, $0x0  }
0x1f: {  	s9 =	smul.u32 $0xF7A, s1;
	s8 =	simm.s32 @!p0 $0x1BF5;
	p2 =	por !p2, p0  }
0x20: {  	[sflag:s8] =	ssyncset.s32 @!p0 $0xFFFFF086;
	s6 =	sadd.s32 @!p0 s3, s7;
	s7 =	simm.s32 @!p0 $0x108  }
0x21: {  	s3 =	sadd.s32 s3, s9;
	s6 =	sadd.s32 @!p0 $0x88, s6;
	s7 =	simm.s32 @p2 $0x1082  }
0x22: {  	[simem:s7], [sflag:s8] =	dma.local @!p0 [hbm:s6], $0xF7A  }
0x23: {  	s9 =	sor.u32 $0xD0000000, s2;
	s6 =	simm.s32 $0x108;
	_ =	swait.ge @!p0 [sflag:s8], $0x0  }
0x24: {  	s3 =	sadd.s32 $0x88, s3;
	s6 =	simm.s32 @!p1 $0x1082;
	[sflag:s4] =	ssyncset.s32 $0xFFFFF086  }
0x25: {  	[simem:s6], [sflag:s4] =	dma.local [hbm:s3], $0xF7A  }
0x26: {  	[smem:$0x3F9A] =	sst s1;
	(tag) =	ssettag s2;
	_ =	strace s9  }
0x27: {  	s1 =	sld [smem:$0x3FAA]  }
0x28: {  	s2 =	sld [smem:$0x3FAB]  }
0x29: {  	s4 =	sld [smem:$0x3FAD]  }
0x2a: {  	p0 =	seq.s32 s5, $0x0;
	s5 =	sld [smem:$0x3FAE]  }
0x2b: {  	s6 =	sld [smem:$0x3FAF]  }
0x2c: {  	s7 =	sld [smem:$0x3FB0]  }
0x2d: {  	s3 =	simm.s32 $0x108;
	s8 =	sld [smem:$0x3FB1]  }
0x2e: {  	s3 =	simm.s32 @!p0 $0x1082;
	s9 =	sld [smem:$0x3FB2]  }
0x2f: {  	lr =	sadd.s32 s0, s3;
	s0 =	sld [smem:$0x3FA9]  }
0x30: {  	s3 =	sld [smem:$0x3FAC]  }
0x31: {  	[smem:$0x3FB5] =	sst s10  }
0x32: {  	s10 =	sld [smem:$0x3FB3];
	_ =	sdelay $0x3  }
0x33: {  	p0 =	seq.s32 s10, $0x1;
	s10 =	sld [smem:$0x3FB5];
	_ =	sdelay $0x3  }
0x34: {  	[smem:$0x3FB5] =	sst s10  }
0x35: {  	s10 =	sld [smem:$0x3FB4];
	_ =	sdelay $0x3  }
0x36: {  	p1 =	seq.s32 s10, $0x1;
	s10 =	sld [smem:$0x3FB5];
	_ =	sdelay $0x3  }
0x37: {  	[smem:$0x3FB5] =	sst s10  }
0x38: {  	s10 =	sld [smem:$0x3FB6]  }
0x39: {  	_ = 	snop;
	(pc) =	sbr.ind lr, $3  }
0x3a: {  	_ = 	snop  }
0x3b: {  	_ = 	snop  }
0x3c: {  	p2 =	seq.s32 s10, $0x1;
	s10 =	sld [smem:$0x3FB5]  }
0x3d: {  	_ =	shalt  }
0x3e: {  	_ =	shalt  }
0x3f: {  	_ =	shalt  }
0x40: {  	_ =	shalt  }
0x41: {  	_ =	shalt  }
0x42: {  	_ =	shalt  }
0x43: {  	_ =	shalt  }
0x44: {  	_ =	shalt  }
0x45: {  	_ =	shalt  }
0x46: {  	_ =	shalt  }
0x47: {  	_ =	shalt  }
0x48: {  	_ =	shalt  }
0x49: {  	_ =	shalt  }
0x4a: {  	_ =	shalt  }
0x4b: {  	_ =	shalt  }
0x4c: {  	_ =	shalt  }
0x4d: {  	_ =	shalt  }
0x4e: {  	_ =	shalt  }
0x4f: {  	_ =	shalt  }
0x50: {  	_ =	shalt  }
0x51: {  	_ =	shalt  }
0x52: {  	_ =	shalt  }
0x53: {  	_ =	shalt  }
0x54: {  	_ =	shalt  }
0x55: {  	_ =	shalt  }
0x56: {  	_ =	shalt  }
0x57: {  	_ =	shalt  }
0x58: {  	_ =	shalt  }
0x59: {  	_ =	shalt  }
0x5a: {  	_ =	shalt  }
0x5b: {  	_ =	shalt  }
0x5c: {  	_ =	shalt  }
0x5d: {  	_ =	shalt  }
0x5e: {  	_ =	shalt  }
0x5f: {  	_ =	shalt  }
0x60: {  	_ =	shalt  }
0x61: {  	_ =	shalt  }
0x62: {  	_ =	shalt  }
0x63: {  	_ =	shalt  }
0x64: {  	_ =	shalt  }
0x65: {  	_ =	shalt  }
0x66: {  	_ =	shalt  }
0x67: {  	_ =	shalt  }
0x68: {  	_ =	shalt  }
0x69: {  	_ =	shalt  }
0x6a: {  	_ =	shalt  }
0x6b: {  	_ =	shalt  }
0x6c: {  	_ =	shalt  }
0x6d: {  	_ =	shalt  }
0x6e: {  	_ =	shalt  }
0x6f: {  	_ =	shalt  }
0x70: {  	_ =	shalt  }
0x71: {  	_ =	shalt  }
0x72: {  	_ =	shalt  }
0x73: {  	_ =	shalt  }
0x74: {  	_ =	shalt  }
0x75: {  	_ =	shalt  }
0x76: {  	_ =	shalt  }
0x77: {  	_ =	shalt  }
0x78: {  	_ =	shalt  }
0x79: {  	_ =	shalt  }
0x7a: {  	_ =	shalt  }
0x7b: {  	_ =	shalt  }
0x7c: {  	_ =	shalt  }
0x7d: {  	_ =	shalt  }
0x7e: {  	_ =	shalt  }
0x7f: {  	_ =	shalt  }
0x80: {  	_ =	shalt  }
0x81: {  	_ =	shalt  }
0x82: {  	_ =	shalt  }
0x83: {  	_ =	shalt  }
0x84: {  	_ =	shalt  }
0x85: {  	_ =	shalt  }
0x86: {  	_ =	shalt  }
0x87: {  	_ =	shalt  }
.Lfunc_end0:
.L_simem_size_0:
called_computation_lowered:
.L_overlay_start_0:
0x88: {  	s2 =	sld [smem:$0x3FD9]  }
0x89: {  	s3 =	sld [smem:$0x3FFE];
	_ =	sdelay $0x1  }
0x8a: {  	s1 =	srdreg.scid  }
0x8b: {  	s0 =	sand.u32 $0x1, s1  }
0x8c: {  	s17 =	sshll.u32 s0, $0xA;
	s2 =	sadd.s32 s3, s2  }
0x8d: {  	s2 =	sadd.s32 s2, s17  }
0x8e: {  	[smem:$0x3FC1] =	sst s2  }
0x8f: {  	_ = 	snop  }
0x90: {  	s2 =	sld [smem:$0x3FC7]  }
0x91: {  	s18 =	sld [smem:$0x3FD0];
	(tm) =	ssettm $0x1  }
0x92: {  	s4 =	sld [smem:$0x3FFB];
	_ =	sdelay $0x3  }
0x93: {  	_ =	strace s4  }
0x94: {  	s4 =	sld [smem:$0x3FFC];
	_ =	sdelay $0x3  }
0x95: {  	_ =	strace s4  }
0x96: {  	s4 =	sld [smem:$0x3FFD];
	_ =	sdelay $0x3  }
0x97: {  	_ =	strace s4  }
0x98: {  	_ =	strace $0x8FFFFFFF  }
0x99: {  	s19 =	sld [smem:$0x3FDB];
	_ =	sdelay $0x1  }
0x9a: {  	s5 =	simm.s32 $_scs_section_size  }
0x9b: {  	s6 =	simm.s32 $_size__tile_overlayer_lowered;
	s7 =	simm.s32 $_tile_overlayer_lowered  }
0x9c: {  	s22 =	simm.s32 $0x1BFF;
	s21 =	sshll.u32 s7, $0x1;
	s4 =	sadd.s32 s5, s19  }
0x9d: {  	s8 =	simm.s32 $0x0;
	s20 =	sshll.u32 s6, $0x1;
	s6 =	sadd.s32 s21, s4  }
0x9e: {  	[timem:s8], [sflag:s22] =	dma.local [hbm:s6], s20  }
0x9f: {  	_ =	swait.ge [sflag:s22], s20  }
0xa0: {  	s5 =	ssub.s32 $0x0, s20;
	[sflag:s22] =	ssyncset.done $0x0  }
0xa1: {  	[sflag:s22] =	ssyncadd.s32 s5;
	_ =	sdelay $0x1  }
0xa2: {  	s23 =	simm.s32 $0x1B8B  }
0xa3: {  	_ =	swait.ge [sflag:s23], $0x1  }
0xa4: {  	[sflag:s23] =	ssyncset.done $0x0  }
0xa5: {  	s25 =	simm.s32 $0x1B8E;
	s24 =	sld [smem:$0x3FFE];
	[sflag:s23] =	ssyncadd.s32 $0xFFFFFFFF  }
0xa6: {  	s26 =	simm.s32 $execute0_lowered;
	[smem:$0x3FD2] =	sst s25  }
0xa7: {  	s6 =	sshll.u32 s26, $0x1;
	_ =	strace $0x80000046;
	[dreg:$0x1] =	wrdreg $0xFFFFFFFF  }
0xa8: {  	s28 =	simm.s32 $_size_execute0_lowered;
	s4 =	sadd.s32 s4, s6;
	[dreg:$0x0] =	wrdreg $0x0  }
0xa9: {  	s6 =	sshll.u32 s28, $0x1;
	[dreg:$0x2] =	wrdreg s4  }
0xaa: {  	[dreg:$0x3] =	wrdreg s6  }
0xab: {  	[dreg:$0x4] =	wrdreg $0xC0  }
0xac: {  	_ =	task [dreg:s8], $0x5FFFF  }
0xad: {  	[dreg:$0x1] =	wrdreg $0xFFFFFFFF  }
0xae: {  	[dreg:$0x0] =	wrdreg $0x60  }
0xaf: {  	[dreg:$0x2] =	wrdreg s18  }
0xb0: {  	[dreg:$0x3] =	wrdreg s2  }
0xb1: {  	[dreg:$0x4] =	wrdreg s24  }
0xb2: {  	[dreg:$0x5] =	wrdreg $0x9  }
0xb3: {  	_ =	task.clear_ibuf [dreg:s8], $0x6FFFF;
	_ =	strace $0x90000046  }
0xb4: {  	s29 =	simm.s32 $0x9;
	_ =	strace $0x80000048  }
0xb5: {  	_ =	swait.ge [sflag:s29], $0x1  }
0xb6: {  	[sflag:s29] =	ssyncadd.s32 $0xFFFFFFFF  }
0xb7: {  	_ =	strace $0x90000048  }
0xb8: {  	_ =	sfence  }
0xb9: {  	s30 =	sld [smem:$0x0];
	_ =	sdelay $0x2  }
0xba: {  	s31 =	sshll.u32 s1, $0xD;
	s1 =	sshrl.u32 s1, $0x2  }
0xbb: {  	s3 =	sand.u32 $0x4000, s31;
	s1 =	sadd.s32 s1, s30  }
0xbc: {  	s0 =	sor.u32 s3, s0;
	s1 =	sshll.u32 s1, $0x11  }
0xbd: {  	s0 =	sor.u32 s1, s0  }
0xbe: {  	s0 =	sadd.s32 $0x8F2B, s0  }
0xbf: {  	[sflag:s0] =	ssyncadd.remote.s32 $0x1  }
0xc0: {  	_ =	sfence.sel $0xFFFF  }
0xc1: {  	[dreg:$0x0] =	wrdreg $0xFFFFFFFF;
	(pc) =	sbr.abs _section_cstart, $3  }
0xc2: {  	[dreg:$0x1] =	wrdreg $0xFFFFFFFF  }
0xc3: {  	_ =	task.clear_ibuf [dreg:s8], $0x2FFFF;
	_ =	strace $0x9FFFFFFF  }
0xc4: {  	(tm) =	ssettm $0x7FFFFFFF  }
0xc5: {  	_ =	shalt  }
tec
execute0_lowered:
.L_overlay_start_1:
0x0: {  	(tag) =	ssettag $0x1  }
0x1: {  	s1 =	rddreg [dreg:$0x0]  }
0x2: {  	s0 =	srdreg.scid;
	s2 =	rddreg [dreg:$0x1]  }
0x3: {  	s3 =	stileid.u32;
	s5 =	rddreg [dreg:$0x2]  }
0x4: {  	s9 =	simm.s32 $0x5;
	s21 =	simm.s32 $0x5900;
	s22 =	simm.s32 $0x6100  }
0x5: {  	s23 =	simm.s32 $0x6900;
	s24 =	simm.s32 $0x7100;
	s25 =	simm.s32 $0x7900  }
0x6: {  	s26 =	simm.s32 $0x8100;
	s28 =	simm.s32 $0x8900;
	s29 =	simm.s32 $0x9100  }
0x7: {  	s30 =	simm.s32 $0x9900;
	s31 =	simm.s32 $0xA100;
	s10 =	simm.s32 $0xB900  }
0x8: {  	s11 =	simm.s32 $0x3;
	s12 =	simm.s32 $0x4;
	s0 =	sand.u32 $0x1, s0  }
0x9: {  	s3 =	sshll.u32 s3, $0x9;
	s4 =	sshll.u32 s0, $0x8;
	s0 =	ssub.s32 $0x2, s0  }
0xa: {  	s13 =	simm.s32 $0x0;
	s3 =	sor.u32 s4, s3;
	s7 =	sshrl.u32 s0, $0x1  }
.Ltmp0:
0xb: {  	s4 =	sshrl.u32 s3, $0x3;
	s3 =	simm.s32 $0x0;
	(pc) =	sbr.rel .LBB2_1-.Ltmp0, $4  }
0xc: {  	s0 =	ssub.s32 s0, s7;
	s6 =	smul.u32 $0x300, s4;
	[smem:$0x7FF] =	sst s3  }
0xd: {  	v2 =	vlaneseq.u32;
	s4 =	sadd.s32 s1, s4;
	s7 =	smax.u32 s0, $0x1;
	s1 =	simm.s32 $0xA900  }
0xe: {  	vm0 =	vmmov $0xffff;
	v1 =	vshrl.u32 v2, $0x3;
	s0 =	simm.s32 $0xB100;
	_ =	strace $0x80000047;
	s8 =	sadd.s32 s6, s5  }
0xf: {  	v0 =	vand.u32 $0x7, v2;
	v2 =	vor.u32 $0x8, v2;
	v1 =	vmul.u32 $0x8, v1;
	s5 =	sadd.s32 $0x100, s2;
	s6 =	sadd.s32 $0x200, s2;
	s15 =	sadd.s32 $0x2200, s8  }
.LBB2_7:
0x10: {  	s13 =	sadd.s32 $0x1, s13  }
0x11: {  	_ =	swait.ge [sflag:s11], $0xC000;
	p0 =	sne.s32 s13, s7  }
.Ltmp1:
0x12: {  	[sflag:s11] =	ssyncset.done $0x0;
	(pc) =	sbr.rel @!p0 .LBB2_8-.Ltmp1, $4  }
0x13: {  	[sflag:s11] =	ssyncadd.s32 $0xFFFF4000  }
0x14: {  	_ =	swait.ge [sflag:s12], $0xC000  }
0x15: {  	[sflag:s12] =	ssyncset.done $0x0  }
0x16: {  	[sflag:s12] =	ssyncadd.s32 $0xFFFF4000  }
.LBB2_1:
0x17: {  	[tilespmem:s3], [sflag:$0x5] =	stream.linear.gather [hbm4b:s4+s3], $0x100, $0x38;
	[tilespmem:$0x18100] =	vst v63  }
0x18: {  	_ =	swait.ge [sflag:s9], $0x100  }
0x19: {  	[sflag:s9] =	ssyncset.done $0x0  }
0x1a: {  	[sflag:s9] =	ssyncadd.s32 $0xFFFFFF00  }
0x1b: {  	v3 =	vld [tilespmem:$0x0];
	_ =	sdelay $0x4  }
0x1c: {  	v4 =	vshrl.u32 v3, $0x3  }
0x1d: {  	v4 =	vmul.u32 $0x30, v4  }
0x1e: {  	v3 =	vand.u32 $0x7, v3  }
0x1f: {  	v3 =	vor.u32 v3, v4  }
0x20: {  	v4 =	vperm.xlane v3, v0;
	_ =	sdelay $0x1  }
0x21: {  	v4 =	vadd.s32 v1, v4;
	_ =	sdelay $0x3  }
0x22: {  	s8 =	simm.s32 $0x100;
	v3 =	vperm.xlane v3, v2  }
0x23: {  	[tilespmem:s8], [sflag:$0x1] =	stream.indirect_vreg.gather [hbm4b:s2+s3], $0x80, v4, vm0, $0xb8;
	[tilespmem:$0x18100] =	vst v63  }
0x24: {  	s17 =	simm.s32 $0x900;
	v3 =	vadd.s32 v1, v3  }
0x25: {  	[tilespmem:s17], [sflag:$0x1] =	stream.indirect_vreg.gather [hbm4b:s5+s3], $0x80, v4, vm0, $0xb8;
	[tilespmem:$0x18100] =	vst v63  }
0x26: {  	s18 =	simm.s32 $0x1100  }
0x27: {  	[tilespmem:s18], [sflag:$0x1] =	stream.indirect_vreg.gather [hbm4b:s6+s3], $0x80, v4, vm0, $0xb8;
	[tilespmem:$0x18100] =	vst v63  }
0x28: {  	s19 =	simm.s32 $0x1900  }
0x29: {  	[tilespmem:s19], [sflag:$0x1] =	stream.indirect_vreg.gather [hbm4b:s2+s3], $0x80, v3, vm0, $0xb8;
	[tilespmem:$0x18100] =	vst v63  }
0x2a: {  	s20 =	simm.s32 $0x2100  }
0x2b: {  	[tilespmem:s20], [sflag:$0x1] =	stream.indirect_vreg.gather [hbm4b:s5+s3], $0x80, v3, vm0, $0xb8;
	[tilespmem:$0x18100] =	vst v63  }
0x2c: {  	s14 =	simm.s32 $0x2900  }
0x2d: {  	[tilespmem:s14], [sflag:$0x1] =	stream.indirect_vreg.gather [hbm4b:s6+s3], $0x80, v3, vm0, $0xb8;
	[tilespmem:$0x18100] =	vst v63  }
0x2e: {  	v3 =	vld [tilespmem:$0x10];
	_ =	sdelay $0x4  }
0x2f: {  	v61 =	vshrl.u32 v3, $0x3  }
0x30: {  	v4 =	vmul.u32 $0x30, v61  }
0x31: {  	v3 =	vand.u32 $0x7, v3  }
0x32: {  	v3 =	vor.u32 v3, v4  }
0x33: {  	v4 =	vperm.xlane v3, v0;
	_ =	sdelay $0x1  }
0x34: {  	v4 =	vadd.s32 v1, v4;
	_ =	sdelay $0x3  }
0x35: {  	s16 =	simm.s32 $0x3100;
	v3 =	vperm.xlane v3, v2  }
0x36: {  	[tilespmem:s16], [sflag:$0x1] =	stream.indirect_vreg.gather [hbm4b:s2+s3], $0x80, v4, vm0, $0xb8;
	[tilespmem:$0x18100] =	vst v63  }
0x37: {  	s17 =	simm.s32 $0x3900;
	v3 =	vadd.s32 v1, v3  }
0x38: {  	[tilespmem:s17], [sflag:$0x1] =	stream.indirect_vreg.gather [hbm4b:s5+s3], $0x80, v4, vm0, $0xb8;
	[tilespmem:$0x18100] =	vst v63  }
0x39: {  	s18 =	simm.s32 $0x4100  }
0x3a: {  	[tilespmem:s18], [sflag:$0x1] =	stream.indirect_vreg.gather [hbm4b:s6+s3], $0x80, v4, vm0, $0xb8;
	[tilespmem:$0x18100] =	vst v63  }
0x3b: {  	s19 =	simm.s32 $0x4900  }
0x3c: {  	[tilespmem:s19], [sflag:$0x1] =	stream.indirect_vreg.gather [hbm4b:s2+s3], $0x80, v3, vm0, $0xb8;
	[tilespmem:$0x18100] =	vst v63  }
0x3d: {  	s20 =	simm.s32 $0x5100  }
0x3e: {  	[tilespmem:s20], [sflag:$0x1] =	stream.indirect_vreg.gather [hbm4b:s5+s3], $0x80, v3, vm0, $0xb8;
	[tilespmem:$0x18100] =	vst v63  }
0x3f: {  	_ = 	snop  }
0x40: {  	[tilespmem:s21], [sflag:$0x1] =	stream.indirect_vreg.gather [hbm4b:s6+s3], $0x80, v3, vm0, $0xb8;
	[tilespmem:$0x18100] =	vst v63  }
0x41: {  	v3 =	vld [tilespmem:$0x20];
	_ =	sdelay $0x4  }
0x42: {  	v62 =	vshrl.u32 v3, $0x3  }
0x43: {  	v4 =	vmul.u32 $0x30, v62  }
0x44: {  	v3 =	vand.u32 $0x7, v3  }
0x45: {  	v3 =	vor.u32 v3, v4  }
0x46: {  	v4 =	vperm.xlane v3, v0;
	_ =	sdelay $0x1  }
0x47: {  	v4 =	vadd.s32 v1, v4;
	_ =	sdelay $0x3  }
0x48: {  	v3 =	vperm.xlane v3, v2  }
0x49: {  	[tilespmem:s22], [sflag:$0x1] =	stream.indirect_vreg.gather [hbm4b:s2+s3], $0x80, v4, vm0, $0xb8;
	[tilespmem:$0x18100] =	vst v63  }
0x4a: {  	v3 =	vadd.s32 v1, v3  }
0x4b: {  	[tilespmem:s23], [sflag:$0x1] =	stream.indirect_vreg.gather [hbm4b:s5+s3], $0x80, v4, vm0, $0xb8;
	[tilespmem:$0x18100] =	vst v63  }
0x4c: {  	_ = 	snop  }
0x4d: {  	[tilespmem:s24], [sflag:$0x1] =	stream.indirect_vreg.gather [hbm4b:s6+s3], $0x80, v4, vm0, $0xb8;
	[tilespmem:$0x18100] =	vst v63  }
0x4e: {  	_ = 	snop  }
0x4f: {  	[tilespmem:s25], [sflag:$0x1] =	stream.indirect_vreg.gather [hbm4b:s2+s3], $0x80, v3, vm0, $0xb8;
	[tilespmem:$0x18100] =	vst v63  }
0x50: {  	_ = 	snop  }
0x51: {  	[tilespmem:s26], [sflag:$0x1] =	stream.indirect_vreg.gather [hbm4b:s5+s3], $0x80, v3, vm0, $0xb8;
	[tilespmem:$0x18100] =	vst v63  }
0x52: {  	_ = 	snop  }
0x53: {  	[tilespmem:s28], [sflag:$0x1] =	stream.indirect_vreg.gather [hbm4b:s6+s3], $0x80, v3, vm0, $0xb8;
	[tilespmem:$0x18100] =	vst v63  }
0x54: {  	v3 =	vld [tilespmem:$0x30];
	_ =	sdelay $0x4  }
0x55: {  	v63 =	vshrl.u32 v3, $0x3  }
0x56: {  	v4 =	vmul.u32 $0x30, v63  }
0x57: {  	v3 =	vand.u32 $0x7, v3  }
0x58: {  	v3 =	vor.u32 v3, v4  }
0x59: {  	v4 =	vperm.xlane v3, v0;
	_ =	sdelay $0x1  }
0x5a: {  	v4 =	vadd.s32 v1, v4;
	_ =	sdelay $0x3  }
0x5b: {  	v3 =	vperm.xlane v3, v2  }
0x5c: {  	[tilespmem:s29], [sflag:$0x1] =	stream.indirect_vreg.gather [hbm4b:s2+s3], $0x80, v4, vm0, $0xb8;
	[tilespmem:$0x18100] =	vst v63  }
0x5d: {  	v3 =	vadd.s32 v1, v3  }
0x5e: {  	[tilespmem:s30], [sflag:$0x1] =	stream.indirect_vreg.gather [hbm4b:s5+s3], $0x80, v4, vm0, $0xb8;
	[tilespmem:$0x18100] =	vst v63  }
0x5f: {  	_ = 	snop  }
0x60: {  	[tilespmem:s31], [sflag:$0x1] =	stream.indirect_vreg.gather [hbm4b:s6+s3], $0x80, v4, vm0, $0xb8;
	[tilespmem:$0x18100] =	vst v63  }
0x61: {  	_ = 	snop  }
0x62: {  	[tilespmem:s1], [sflag:$0x1] =	stream.indirect_vreg.gather [hbm4b:s2+s3], $0x80, v3, vm0, $0xb8;
	[tilespmem:$0x18100] =	vst v63  }
.Ltmp2:
0x63: {  	_ = 	snop;
	(pc) =	sbr.rel .LBB2_2-.Ltmp2, $4  }
0x64: {  	_ = 	snop  }
0x65: {  	[tilespmem:s0], [sflag:$0x1] =	stream.indirect_vreg.gather [hbm4b:s5+s3], $0x80, v3, vm0, $0xb8;
	[tilespmem:$0x18100] =	vst v63  }
0x66: {  	s8 =	smov.u32 s15;
	s14 =	simm.s32 $0x70;
	s16 =	simm.s32 $0x0  }
0x67: {  	[tilespmem:s10], [sflag:$0x1] =	stream.indirect_vreg.gather [hbm4b:s6+s3], $0x80, v3, vm0, $0xb8;
	[tilespmem:$0x18100] =	vst v63  }
.LBB2_5:
0x68: {  	v3 =	vld [tilespmem:s14+$0xFFFFFFD0];
	_ =	sdelay $0x4  }
0x69: {  	v4 =	vshrl.u32 v3, $0x3  }
0x6a: {  	v4 =	vmul.u32 $0x30, v4  }
0x6b: {  	v3 =	vand.u32 $0x7, v3  }
0x6c: {  	v3 =	vor.u32 v3, v4  }
0x6d: {  	v4 =	vperm.xlane v3, v0;
	_ =	sdelay $0x1  }
0x6e: {  	s18 =	sand.u32 $0x1, s17;
	v4 =	vadd.s32 v1, v4  }
0x6f: {  	s19 =	smul.u32 $0x30000, s18;
	_ =	sdelay $0x1  }
0x70: {  	s19 =	sshrl.u32 s19, $0x2  }
0x71: {  	s18 =	sadd.s32 $0x1, s18;
	s20 =	sor.u32 $0x100, s19;
	v3 =	vperm.xlane v3, v2  }
0x72: {  	[tilespmem:s20], [sflag:s18] =	stream.indirect_vreg.gather [hbm4b:s2+s3], $0x80, v4, vm0, $0xb8;
	[tilespmem:$0x18100] =	vst v63  }
0x73: {  	v3 =	vadd.s32 v1, v3;
	s20 =	sor.u32 $0x900, s19  }
0x74: {  	[tilespmem:s20], [sflag:s18] =	stream.indirect_vreg.gather [hbm4b:s5+s3], $0x80, v4, vm0, $0xb8;
	[tilespmem:$0x18100] =	vst v63  }
0x75: {  	s20 =	sor.u32 $0x1100, s19  }
0x76: {  	[tilespmem:s20], [sflag:s18] =	stream.indirect_vreg.gather [hbm4b:s6+s3], $0x80, v4, vm0, $0xb8;
	[tilespmem:$0x18100] =	vst v63  }
0x77: {  	s20 =	sor.u32 $0x1900, s19  }
0x78: {  	[tilespmem:s20], [sflag:s18] =	stream.indirect_vreg.gather [hbm4b:s2+s3], $0x80, v3, vm0, $0xb8;
	[tilespmem:$0x18100] =	vst v63  }
0x79: {  	s20 =	sor.u32 $0x2100, s19  }
0x7a: {  	[tilespmem:s20], [sflag:s18] =	stream.indirect_vreg.gather [hbm4b:s5+s3], $0x80, v3, vm0, $0xb8;
	[tilespmem:$0x18100] =	vst v63  }
0x7b: {  	s20 =	sor.u32 $0x2900, s19  }
0x7c: {  	[tilespmem:s20], [sflag:s18] =	stream.indirect_vreg.gather [hbm4b:s6+s3], $0x80, v3, vm0, $0xb8;
	[tilespmem:$0x18100] =	vst v63  }
0x7d: {  	v3 =	vld [tilespmem:s14+$0xFFFFFFE0];
	_ =	sdelay $0x4  }
0x7e: {  	v61 =	vshrl.u32 v3, $0x3  }
0x7f: {  	v4 =	vmul.u32 $0x30, v61  }
0x80: {  	v3 =	vand.u32 $0x7, v3  }
0x81: {  	v3 =	vor.u32 v3, v4  }
0x82: {  	v4 =	vperm.xlane v3, v0;
	_ =	sdelay $0x1  }
0x83: {  	v4 =	vadd.s32 v1, v4;
	_ =	sdelay $0x3  }
0x84: {  	s20 =	sor.u32 $0x3100, s19;
	v3 =	vperm.xlane v3, v2  }
0x85: {  	[tilespmem:s20], [sflag:s18] =	stream.indirect_vreg.gather [hbm4b:s2+s3], $0x80, v4, vm0, $0xb8;
	[tilespmem:$0x18100] =	vst v63  }
0x86: {  	v3 =	vadd.s32 v1, v3;
	s20 =	sor.u32 $0x3900, s19  }
0x87: {  	[tilespmem:s20], [sflag:s18] =	stream.indirect_vreg.gather [hbm4b:s5+s3], $0x80, v4, vm0, $0xb8;
	[tilespmem:$0x18100] =	vst v63  }
0x88: {  	s20 =	sadd.s32 $0x4100, s19  }
0x89: {  	[tilespmem:s20], [sflag:s18] =	stream.indirect_vreg.gather [hbm4b:s6+s3], $0x80, v4, vm0, $0xb8;
	[tilespmem:$0x18100] =	vst v63  }
0x8a: {  	s20 =	sadd.s32 $0x4900, s19  }
0x8b: {  	[tilespmem:s20], [sflag:s18] =	stream.indirect_vreg.gather [hbm4b:s2+s3], $0x80, v3, vm0, $0xb8;
	[tilespmem:$0x18100] =	vst v63  }
0x8c: {  	s20 =	sadd.s32 $0x5100, s19  }
0x8d: {  	[tilespmem:s20], [sflag:s18] =	stream.indirect_vreg.gather [hbm4b:s5+s3], $0x80, v3, vm0, $0xb8;
	[tilespmem:$0x18100] =	vst v63  }
0x8e: {  	s20 =	sadd.s32 $0x5900, s19  }
0x8f: {  	[tilespmem:s20], [sflag:s18] =	stream.indirect_vreg.gather [hbm4b:s6+s3], $0x80, v3, vm0, $0xb8;
	[tilespmem:$0x18100] =	vst v63  }
0x90: {  	v3 =	vld [tilespmem:s14+$0xFFFFFFF0];
	_ =	sdelay $0x4  }
0x91: {  	v62 =	vshrl.u32 v3, $0x3  }
0x92: {  	v4 =	vmul.u32 $0x30, v62  }
0x93: {  	v3 =	vand.u32 $0x7, v3  }
0x94: {  	v3 =	vor.u32 v3, v4  }
0x95: {  	v4 =	vperm.xlane v3, v0;
	_ =	sdelay $0x1  }
0x96: {  	v4 =	vadd.s32 v1, v4;
	_ =	sdelay $0x3  }
0x97: {  	s20 =	sadd.s32 $0x6100, s19;
	v3 =	vperm.xlane v3, v2  }
0x98: {  	[tilespmem:s20], [sflag:s18] =	stream.indirect_vreg.gather [hbm4b:s2+s3], $0x80, v4, vm0, $0xb8;
	[tilespmem:$0x18100] =	vst v63  }
0x99: {  	v3 =	vadd.s32 v1, v3;
	s20 =	sadd.s32 $0x6900, s19  }
0x9a: {  	[tilespmem:s20], [sflag:s18] =	stream.indirect_vreg.gather [hbm4b:s5+s3], $0x80, v4, vm0, $0xb8;
	[tilespmem:$0x18100] =	vst v63  }
0x9b: {  	s20 =	sadd.s32 $0x7100, s19  }
0x9c: {  	[tilespmem:s20], [sflag:s18] =	stream.indirect_vreg.gather [hbm4b:s6+s3], $0x80, v4, vm0, $0xb8;
	[tilespmem:$0x18100] =	vst v63  }
0x9d: {  	s20 =	sadd.s32 $0x7900, s19  }
0x9e: {  	[tilespmem:s20], [sflag:s18] =	stream.indirect_vreg.gather [hbm4b:s2+s3], $0x80, v3, vm0, $0xb8;
	[tilespmem:$0x18100] =	vst v63  }
0x9f: {  	s20 =	sadd.s32 $0x8100, s19  }
0xa0: {  	[tilespmem:s20], [sflag:s18] =	stream.indirect_vreg.gather [hbm4b:s5+s3], $0x80, v3, vm0, $0xb8;
	[tilespmem:$0x18100] =	vst v63  }
0xa1: {  	s20 =	sadd.s32 $0x8900, s19  }
0xa2: {  	[tilespmem:s20], [sflag:s18] =	stream.indirect_vreg.gather [hbm4b:s6+s3], $0x80, v3, vm0, $0xb8;
	[tilespmem:$0x18100] =	vst v63  }
0xa3: {  	v3 =	vld [tilespmem:s14+$0x0];
	_ =	sdelay $0x4  }
0xa4: {  	v63 =	vshrl.u32 v3, $0x3  }
0xa5: {  	v4 =	vmul.u32 $0x30, v63  }
0xa6: {  	v3 =	vand.u32 $0x7, v3  }
0xa7: {  	v3 =	vor.u32 v3, v4  }
0xa8: {  	v4 =	vperm.xlane v3, v0;
	_ =	sdelay $0x1  }
0xa9: {  	v4 =	vadd.s32 v1, v4;
	_ =	sdelay $0x3  }
0xaa: {  	s20 =	sadd.s32 $0x9100, s19;
	v3 =	vperm.xlane v3, v2  }
0xab: {  	[tilespmem:s20], [sflag:s18] =	stream.indirect_vreg.gather [hbm4b:s2+s3], $0x80, v4, vm0, $0xb8;
	[tilespmem:$0x18100] =	vst v63  }
0xac: {  	v3 =	vadd.s32 v1, v3;
	s20 =	sadd.s32 $0x9900, s19  }
0xad: {  	[tilespmem:s20], [sflag:s18] =	stream.indirect_vreg.gather [hbm4b:s5+s3], $0x80, v4, vm0, $0xb8;
	[tilespmem:$0x18100] =	vst v63  }
0xae: {  	s20 =	sadd.s32 $0xA100, s19  }
0xaf: {  	[tilespmem:s20], [sflag:s18] =	stream.indirect_vreg.gather [hbm4b:s6+s3], $0x80, v4, vm0, $0xb8;
	[tilespmem:$0x18100] =	vst v63  }
0xb0: {  	s20 =	sadd.s32 $0xA900, s19  }
0xb1: {  	[tilespmem:s20], [sflag:s18] =	stream.indirect_vreg.gather [hbm4b:s2+s3], $0x80, v3, vm0, $0xb8;
	[tilespmem:$0x18100] =	vst v63  }
0xb2: {  	s20 =	sadd.s32 $0xB100, s19  }
0xb3: {  	[tilespmem:s20], [sflag:s18] =	stream.indirect_vreg.gather [hbm4b:s5+s3], $0x80, v3, vm0, $0xb8;
	[tilespmem:$0x18100] =	vst v63  }
0xb4: {  	s19 =	sadd.s32 $0xB900, s19  }
0xb5: {  	[tilespmem:s19], [sflag:s18] =	stream.indirect_vreg.gather [hbm4b:s6+s3], $0x80, v3, vm0, $0xb8;
	[tilespmem:$0x18100] =	vst v63  }
.LBB2_6:
0xb6: {  	s16 =	sand.u32 $0x1, s16  }
0xb7: {  	p0 =	sne.s32 s17, $0x4;
	s18 =	sadd.s32 $0x1, s16;
	s19 =	smul.u32 $0x30000, s16  }
.Ltmp3:
0xb8: {  	_ =	swait.ge [sflag:s18], $0xC000;
	(pc) =	sbr.rel @!p0 .LBB2_7-.Ltmp3, $4  }
0xb9: {  	[sflag:s18] =	ssyncset.done $0x0;
	s19 =	sshrl.u32 s19, $0x2  }
0xba: {  	s16 =	sadd.s32 $0x3, s16;
	[sflag:s18] =	ssyncadd.s32 $0xFFFF4000;
	s20 =	sor.u32 $0x100, s19  }
0xbb: {  	[hbm4b:s8+s3] =	stream.linear.scatter [tilespmem:s20], [sflag:s16], $0xC000, $0x38;
	[tilespmem:$0x18100] =	vst v63  }
0xbc: {  	s14 =	sadd.s32 $0x40, s14;
	s8 =	sadd.s32 $0x1800, s8;
	s16 =	smov.u32 s17  }
.LBB2_2:
0xbd: {  	p0 =	seq.s32 s16, $0x0  }
.Ltmp4:
0xbe: {  	_ = 	snop;
	(pc) =	sbr.rel @p0 .LBB2_5-.Ltmp4, $2  }
0xbf: {  	_ =	sdelay $0x2  }
0xc0: {  	s17 =	sadd.s32 $0x1, s16  }
0xc1: {  	p0 =	seq.s32 s16, $0x3  }
.Ltmp5:
0xc2: {  	_ = 	snop;
	(pc) =	sbr.rel @p0 .LBB2_6-.Ltmp5, $1  }
0xc3: {  	_ =	sdelay $0x3  }
0xc4: {  	s18 =	sxor.u32 $0xFFFFFFFF, s16  }
.Ltmp6:
0xc5: {  	s18 =	sand.u32 $0x1, s18;
	(pc) =	sbr.rel .LBB2_5-.Ltmp6, $4  }
0xc6: {  	s18 =	sadd.s32 $0x3, s18  }
0xc7: {  	_ =	swait.ge [sflag:s18], $0xC000  }
0xc8: {  	[sflag:s18] =	ssyncset.done $0x0  }
0xc9: {  	[sflag:s18] =	ssyncadd.s32 $0xFFFF4000  }
.LBB2_8:
0xca: {  	_ =	sfence.sel $0x180000  }
0xcb: {  	[bflag:$0x0] =	sbarrier.arrive $0xFFFF  }
0xcc: {  	_ =	strace $0x90000047  }
0xcd: {  	s0 =	stileid.u32;
	[bflag:$0x2] =	sbarrier.arrive $0xFFFF  }
0xce: {  	p0 =	sne.s32 s0, $0x0;
	s0 =	rddreg [dreg:$0x3]  }
0xcf: {  	s0 =	sadd.s32 @!p0 $0x100000, s0  }
0xd0: {  	[sflag:s0] =	ssyncadd.tile.s32 @!p0 $0x1;
	_ =	shalt  }
.Lfunc_end2:
_tile_overlayer_lowered:
.L_overlay_start_2:
0xd1: {  	(tag) =	ssettag $0x2  }
0xd2: {  	s0 =	rddreg [dreg:$0x0];
	s2 =	stileid.u32  }
0xd3: {  	s1 =	rddreg [dreg:$0x1];
	p0 =	sne.s32 s2, $0x0  }
0xd4: {  	s3 =	rddreg [dreg:$0x2];
	[bflag:$0x3] =	sbarrier.arrive $0xFFFF;
	s2 =	simm.s32 @!p0 $0x1C05  }
0xd5: {  	[timem:s3], [sflag:s2] =	dma.local @!p0 [hbm:s0], s1  }
0xd6: {  	s0 =	simm.s32 @!p0 $0x5  }
0xd7: {  	_ =	swait.ge @!p0 [sflag:s0], s1  }
0xd8: {  	s1 =	ssub.s32 @!p0 $0x0, s1;
	[sflag:s0] =	ssyncset.done @!p0 $0x0  }
0xd9: {  	[sflag:s0] =	ssyncadd.s32 @!p0 s1  }
0xda: {  	[bflag:$0x3] =	sbarrier.arrive $0xFFFF  }
0xdb: {  	_ =	shalt  }

// kernel: kernel.13.cloned.1.call-start
scs
__scs_entry_jumppad:
0x0: {  	(pc) =	sbr.rel $0x88, $3  }
0x1: {  	(tag) =	ssettag $0x0;
	lr =	simm.s32 $0x1  }
0x2: {  	[smem:$0x3F9A] =	sst lr;
	_ =	strace $0xD0000000  }
0x3: {  	_ = 	snop  }
0x4: {  	_ = 	snop  }
0x5: {  	_ = 	snop  }
0x6: {  	_ = 	snop  }
0x7: {  	_ = 	snop  }
__scs_overlays_trampoline_lowered:
0x8: {  	[smem:$0x3FA9] =	sst s0  }
0x9: {  	[smem:$0x3FAA] =	sst s1  }
0xa: {  	[smem:$0x3FAB] =	sst s2  }
0xb: {  	[smem:$0x3FAC] =	sst s3  }
0xc: {  	[smem:$0x3FAD] =	sst s4  }
0xd: {  	[smem:$0x3FAE] =	sst s5  }
0xe: {  	[smem:$0x3FAF] =	sst s6  }
0xf: {  	[smem:$0x3FB0] =	sst s7  }
0x10: {  	[smem:$0x3FB1] =	sst s8  }
0x11: {  	[smem:$0x3FB2] =	sst s9;
	s0 =	simm.s32 @!p0 $0x0  }
0x12: {  	s1 =	sld [smem:$0x3F98];
	s0 =	simm.s32 @p0 $0x1  }
0x13: {  	[smem:$0x3FB3] =	sst s0;
	s0 =	simm.s32 @!p1 $0x0  }
0x14: {  	s2 =	sld [smem:$0x3F97];
	s0 =	simm.s32 @p1 $0x1  }
0x15: {  	[smem:$0x3FB4] =	sst s0;
	s0 =	simm.s32 @!p2 $0x0  }
0x16: {  	s3 =	sld [smem:$0x3FDB];
	s0 =	simm.s32 @p2 $0x1  }
0x17: {  	s4 =	simm.s32 $0x1BF5;
	[smem:$0x3FB6] =	sst s0  }
0x18: {  	s0 =	sld [smem:$0x3F99];
	_ =	swait.ge [sflag:s4], $0x0  }
0x19: {  	s7 =	sld [smem:$0x3F9A]  }
0x1a: {  	s8 =	sadd.s32 $0xFFFFE003, lr  }
0x1b: {  	s9 =	sadd.s32 $0xFFFFFEF7, lr;
	s5 =	simm.s32 $0xFFFFFFFF;
	p2 =	slt.u32 s8, $0xFFFFF086  }
0x1c: {  	p1 =	slt.u32 s9, $0xF7A;
	s5 =	simm.s32 @!p2 $0x0  }
0x1d: {  	s5 =	simm.s32 @p1 $0x1;
	p0 =	seq.s32 s7, s2  }
0x1e: {  	s7 =	smul.u32 @!p0 $0xF7A, s2;
	p2 =	seq.s32 @!p0 s5, $0x0  }
0x1f: {  	s9 =	smul.u32 $0xF7A, s1;
	s8 =	simm.s32 @!p0 $0x1BF5;
	p2 =	por !p2, p0  }
0x20: {  	[sflag:s8] =	ssyncset.s32 @!p0 $0xFFFFF086;
	s6 =	sadd.s32 @!p0 s3, s7;
	s7 =	simm.s32 @!p0 $0x108  }
0x21: {  	s3 =	sadd.s32 s3, s9;
	s6 =	sadd.s32 @!p0 $0x88, s6;
	s7 =	simm.s32 @p2 $0x1082  }
0x22: {  	[simem:s7], [sflag:s8] =	dma.local @!p0 [hbm:s6], $0xF7A  }
0x23: {  	s9 =	sor.u32 $0xD0000000, s2;
	s6 =	simm.s32 $0x108;
	_ =	swait.ge @!p0 [sflag:s8], $0x0  }
0x24: {  	s3 =	sadd.s32 $0x88, s3;
	s6 =	simm.s32 @!p1 $0x1082;
	[sflag:s4] =	ssyncset.s32 $0xFFFFF086  }
0x25: {  	[simem:s6], [sflag:s4] =	dma.local [hbm:s3], $0xF7A  }
0x26: {  	[smem:$0x3F9A] =	sst s1;
	(tag) =	ssettag s2;
	_ =	strace s9  }
0x27: {  	s1 =	sld [smem:$0x3FAA]  }
0x28: {  	s2 =	sld [smem:$0x3FAB]  }
0x29: {  	s4 =	sld [smem:$0x3FAD]  }
0x2a: {  	p0 =	seq.s32 s5, $0x0;
	s5 =	sld [smem:$0x3FAE]  }
0x2b: {  	s6 =	sld [smem:$0x3FAF]  }
0x2c: {  	s7 =	sld [smem:$0x3FB0]  }
0x2d: {  	s3 =	simm.s32 $0x108;
	s8 =	sld [smem:$0x3FB1]  }
0x2e: {  	s3 =	simm.s32 @!p0 $0x1082;
	s9 =	sld [smem:$0x3FB2]  }
0x2f: {  	lr =	sadd.s32 s0, s3;
	s0 =	sld [smem:$0x3FA9]  }
0x30: {  	s3 =	sld [smem:$0x3FAC]  }
0x31: {  	[smem:$0x3FB5] =	sst s10  }
0x32: {  	s10 =	sld [smem:$0x3FB3];
	_ =	sdelay $0x3  }
0x33: {  	p0 =	seq.s32 s10, $0x1;
	s10 =	sld [smem:$0x3FB5];
	_ =	sdelay $0x3  }
0x34: {  	[smem:$0x3FB5] =	sst s10  }
0x35: {  	s10 =	sld [smem:$0x3FB4];
	_ =	sdelay $0x3  }
0x36: {  	p1 =	seq.s32 s10, $0x1;
	s10 =	sld [smem:$0x3FB5];
	_ =	sdelay $0x3  }
0x37: {  	[smem:$0x3FB5] =	sst s10  }
0x38: {  	s10 =	sld [smem:$0x3FB6]  }
0x39: {  	_ = 	snop;
	(pc) =	sbr.ind lr, $3  }
0x3a: {  	_ = 	snop  }
0x3b: {  	_ = 	snop  }
0x3c: {  	p2 =	seq.s32 s10, $0x1;
	s10 =	sld [smem:$0x3FB5]  }
0x3d: {  	_ =	shalt  }
0x3e: {  	_ =	shalt  }
0x3f: {  	_ =	shalt  }
0x40: {  	_ =	shalt  }
0x41: {  	_ =	shalt  }
0x42: {  	_ =	shalt  }
0x43: {  	_ =	shalt  }
0x44: {  	_ =	shalt  }
0x45: {  	_ =	shalt  }
0x46: {  	_ =	shalt  }
0x47: {  	_ =	shalt  }
0x48: {  	_ =	shalt  }
0x49: {  	_ =	shalt  }
0x4a: {  	_ =	shalt  }
0x4b: {  	_ =	shalt  }
0x4c: {  	_ =	shalt  }
0x4d: {  	_ =	shalt  }
0x4e: {  	_ =	shalt  }
0x4f: {  	_ =	shalt  }
0x50: {  	_ =	shalt  }
0x51: {  	_ =	shalt  }
0x52: {  	_ =	shalt  }
0x53: {  	_ =	shalt  }
0x54: {  	_ =	shalt  }
0x55: {  	_ =	shalt  }
0x56: {  	_ =	shalt  }
0x57: {  	_ =	shalt  }
0x58: {  	_ =	shalt  }
0x59: {  	_ =	shalt  }
0x5a: {  	_ =	shalt  }
0x5b: {  	_ =	shalt  }
0x5c: {  	_ =	shalt  }
0x5d: {  	_ =	shalt  }
0x5e: {  	_ =	shalt  }
0x5f: {  	_ =	shalt  }
0x60: {  	_ =	shalt  }
0x61: {  	_ =	shalt  }
0x62: {  	_ =	shalt  }
0x63: {  	_ =	shalt  }
0x64: {  	_ =	shalt  }
0x65: {  	_ =	shalt  }
0x66: {  	_ =	shalt  }
0x67: {  	_ =	shalt  }
0x68: {  	_ =	shalt  }
0x69: {  	_ =	shalt  }
0x6a: {  	_ =	shalt  }
0x6b: {  	_ =	shalt  }
0x6c: {  	_ =	shalt  }
0x6d: {  	_ =	shalt  }
0x6e: {  	_ =	shalt  }
0x6f: {  	_ =	shalt  }
0x70: {  	_ =	shalt  }
0x71: {  	_ =	shalt  }
0x72: {  	_ =	shalt  }
0x73: {  	_ =	shalt  }
0x74: {  	_ =	shalt  }
0x75: {  	_ =	shalt  }
0x76: {  	_ =	shalt  }
0x77: {  	_ =	shalt  }
0x78: {  	_ =	shalt  }
0x79: {  	_ =	shalt  }
0x7a: {  	_ =	shalt  }
0x7b: {  	_ =	shalt  }
0x7c: {  	_ =	shalt  }
0x7d: {  	_ =	shalt  }
0x7e: {  	_ =	shalt  }
0x7f: {  	_ =	shalt  }
0x80: {  	_ =	shalt  }
0x81: {  	_ =	shalt  }
0x82: {  	_ =	shalt  }
0x83: {  	_ =	shalt  }
0x84: {  	_ =	shalt  }
0x85: {  	_ =	shalt  }
0x86: {  	_ =	shalt  }
0x87: {  	_ =	shalt  }
.Lfunc_end0:
.L_simem_size_0:
called_computation.1_lowered:
.L_overlay_start_0:
0x88: {  	s2 =	sld [smem:$0x3FD9]  }
0x89: {  	s3 =	sld [smem:$0x3FFE];
	_ =	sdelay $0x1  }
0x8a: {  	s1 =	srdreg.scid  }
0x8b: {  	s0 =	sand.u32 $0x1, s1  }
0x8c: {  	s17 =	sshll.u32 s0, $0xA;
	s2 =	sadd.s32 s3, s2  }
0x8d: {  	s2 =	sadd.s32 s2, s17  }
0x8e: {  	[smem:$0x3FC1] =	sst s2  }
0x8f: {  	_ = 	snop  }
0x90: {  	s18 =	sld [smem:$0x3FC7];
	(tm) =	ssettm $0x1  }
0x91: {  	s19 =	sld [smem:$0x3FFB];
	_ =	sdelay $0x3  }
0x92: {  	_ =	strace s19  }
0x93: {  	s2 =	sld [smem:$0x3FFC];
	_ =	sdelay $0x3  }
0x94: {  	_ =	strace s2  }
0x95: {  	s2 =	sld [smem:$0x3FFD];
	_ =	sdelay $0x3  }
0x96: {  	_ =	strace s2  }
0x97: {  	_ =	strace $0x8FFFFFFF  }
0x98: {  	s20 =	sld [smem:$0x3FDB];
	_ =	sdelay $0x1  }
0x99: {  	s4 =	simm.s32 $_scs_section_size  }
0x9a: {  	s5 =	simm.s32 $_size__tile_overlayer_lowered;
	s6 =	simm.s32 $_tile_overlayer_lowered  }
0x9b: {  	s7 =	simm.s32 $0x1BFF;
	s21 =	sshll.u32 s6, $0x1;
	s4 =	sadd.s32 s4, s20  }
0x9c: {  	s22 =	simm.s32 $0x0;
	s5 =	sshll.u32 s5, $0x1;
	s6 =	sadd.s32 s21, s4  }
0x9d: {  	[timem:s22], [sflag:s7] =	dma.local [hbm:s6], s5  }
0x9e: {  	_ =	swait.ge [sflag:s7], s5  }
0x9f: {  	s5 =	ssub.s32 $0x0, s5;
	[sflag:s7] =	ssyncset.done $0x0  }
0xa0: {  	[sflag:s7] =	ssyncadd.s32 s5;
	_ =	sdelay $0x1  }
0xa1: {  	s23 =	simm.s32 $0x1B8B  }
0xa2: {  	_ =	swait.ge [sflag:s23], $0x1  }
0xa3: {  	[sflag:s23] =	ssyncset.done $0x0  }
0xa4: {  	[sflag:s23] =	ssyncadd.s32 $0xFFFFFFFF  }
0xa5: {  	s5 =	sld [smem:$0x0]  }
0xa6: {  	s6 =	sand.u32 $0xFFFFFFFE, s1  }
0xa7: {  	p0 =	sne.s32 s1, s6  }
0xa8: {  	s6 =	sshll.u32 @p0 s6, $0xE  }
0xa9: {  	s6 =	sadd.s32 @p0 $0x11B8D, s6;
	s7 =	sshll.u32 @p0 s5, $0x11  }
0xaa: {  	s6 =	sor.u32 @p0 s7, s6  }
0xab: {  	[sflag:s6] =	ssyncadd.remote.s32 @p0 $0x1;
	_ =	sdelay $0x1  }
0xac: {  	s6 =	simm.s32 @p0 $0x1B8D  }
0xad: {  	_ =	swait.eq @p0 [sflag:s6], $0x1  }
0xae: {  	[sflag:s6] =	ssyncadd.s32 @p0 $0xFFFFFFFF  }
0xaf: {  	s7 =	sshll.u32 @!p0 s1, $0xE  }
0xb0: {  	s7 =	sor.u32 @!p0 $0x4000, s7;
	s6 =	simm.s32 @!p0 $0x1B8D  }
0xb1: {  	s5 =	sshll.u32 @!p0 s5, $0x11;
	s7 =	sadd.s32 @!p0 $0x11B8D, s7;
	_ =	swait.eq @!p0 [sflag:s6], $0x1  }
0xb2: {  	s5 =	sor.u32 @!p0 s5, s7;
	[sflag:s6] =	ssyncadd.s32 @!p0 $0xFFFFFFFF  }
0xb3: {  	s25 =	simm.s32 $0x1B8E;
	s24 =	sld [smem:$0x3FFE];
	[sflag:s5] =	ssyncadd.remote.s32 @!p0 $0x1  }
0xb4: {  	s26 =	simm.s32 $execute0_lowered;
	[smem:$0x3FD2] =	sst s25  }
0xb5: {  	s6 =	sshll.u32 s26, $0x1;
	_ =	strace $0x80000049;
	[dreg:$0x1] =	wrdreg $0xFFFFFFFF  }
0xb6: {  	s28 =	simm.s32 $_size_execute0_lowered;
	s4 =	sadd.s32 s4, s6;
	[dreg:$0x0] =	wrdreg $0x0  }
0xb7: {  	s6 =	sshll.u32 s28, $0x1;
	[dreg:$0x2] =	wrdreg s4  }
0xb8: {  	[dreg:$0x3] =	wrdreg s6  }
0xb9: {  	[dreg:$0x4] =	wrdreg $0xC0  }
0xba: {  	_ =	task [dreg:s22], $0x5FFFF  }
0xbb: {  	[dreg:$0x1] =	wrdreg $0xFFFFFFFF  }
0xbc: {  	[dreg:$0x0] =	wrdreg $0x60  }
0xbd: {  	[dreg:$0x2] =	wrdreg s24  }
0xbe: {  	[dreg:$0x3] =	wrdreg s18  }
0xbf: {  	[dreg:$0x4] =	wrdreg $0xA  }
0xc0: {  	_ =	task.clear_ibuf [dreg:s22], $0x5FFFF;
	_ =	strace $0x90000049  }
0xc1: {  	s29 =	simm.s32 $0xA;
	_ =	strace $0x8000004B  }
0xc2: {  	_ =	swait.ge [sflag:s29], $0x1  }
0xc3: {  	[sflag:s29] =	ssyncadd.s32 $0xFFFFFFFF  }
0xc4: {  	_ =	strace $0x9000004B  }
0xc5: {  	_ =	sfence  }
0xc6: {  	s30 =	sld [smem:$0x0];
	_ =	sdelay $0x2  }
0xc7: {  	s31 =	sshll.u32 s1, $0xD;
	s1 =	sshrl.u32 s1, $0x2  }
0xc8: {  	s4 =	sand.u32 $0x4000, s31;
	s1 =	sadd.s32 s1, s30  }
0xc9: {  	s0 =	sor.u32 s4, s0;
	s1 =	sshll.u32 s1, $0x11  }
0xca: {  	s0 =	sor.u32 s1, s0  }
0xcb: {  	s0 =	sadd.s32 $0x8F2B, s0  }
0xcc: {  	[sflag:s0] =	ssyncadd.remote.s32 $0x1  }
0xcd: {  	_ =	sfence.sel $0xFFFF  }
0xce: {  	[dreg:$0x0] =	wrdreg $0xFFFFFFFF;
	(pc) =	sbr.abs _section_cstart, $3  }
0xcf: {  	[dreg:$0x1] =	wrdreg $0xFFFFFFFF  }
0xd0: {  	_ =	task.clear_ibuf [dreg:s22], $0x2FFFF;
	_ =	strace $0x9FFFFFFF  }
0xd1: {  	(tm) =	ssettm $0x7FFFFFFF  }
tec
execute0_lowered:
.L_overlay_start_1:
0x0: {  	(tag) =	ssettag $0x1  }
0x1: {  	s0 =	srdreg.scid;
	s2 =	stileid.u32  }
0x2: {  	s1 =	rddreg [dreg:$0x0];
	s9 =	simm.s32 $0x5;
	s21 =	simm.s32 $0x5900  }
0x3: {  	s22 =	simm.s32 $0x6100;
	s23 =	simm.s32 $0x6900;
	s24 =	simm.s32 $0x7100  }
0x4: {  	s25 =	simm.s32 $0x7900;
	s26 =	simm.s32 $0x8100;
	s28 =	simm.s32 $0x8900  }
0x5: {  	s29 =	simm.s32 $0x9100;
	s30 =	simm.s32 $0x9900;
	s31 =	simm.s32 $0xA100  }
0x6: {  	s10 =	simm.s32 $0xB900;
	s11 =	simm.s32 $0x3;
	s12 =	simm.s32 $0x4  }
0x7: {  	s13 =	simm.s32 $0x0;
	s0 =	sand.u32 $0x1, s0;
	s3 =	sshll.u32 s2, $0x9  }
0x8: {  	s2 =	rddreg [dreg:$0x1];
	s4 =	sshll.u32 s0, $0x8;
	s0 =	ssub.s32 $0x2, s0  }
0x9: {  	s4 =	sor.u32 s4, s3;
	s3 =	simm.s32 $0x0;
	s6 =	sshrl.u32 s0, $0x1  }
.Ltmp0:
0xa: {  	s4 =	sshrl.u32 s4, $0x3;
	[smem:$0x7FF] =	sst s3;
	(pc) =	sbr.rel .LBB2_1-.Ltmp0, $4  }
0xb: {  	s0 =	ssub.s32 s0, s6;
	s6 =	sadd.s32 $0x200, s2;
	s5 =	smul.u32 $0x300, s4  }
0xc: {  	v2 =	vlaneseq.u32;
	_ =	strace $0x8000004A;
	s4 =	sadd.s32 s4, s1;
	s7 =	smax.u32 s0, $0x1  }
0xd: {  	vm0 =	vmmov $0xffff;
	v1 =	vshrl.u32 v2, $0x3;
	s0 =	simm.s32 $0xB100;
	s4 =	sadd.s32 $0xC2200, s4;
	s1 =	sadd.s32 s5, s1  }
0xe: {  	v0 =	vand.u32 $0x7, v2;
	v2 =	vor.u32 $0x8, v2;
	v1 =	vmul.u32 $0x8, v1;
	s5 =	sadd.s32 $0x100, s2;
	s15 =	sadd.s32 $0xC2E00, s1;
	s1 =	simm.s32 $0xA900  }
.LBB2_7:
0xf: {  	s13 =	sadd.s32 $0x1, s13  }
0x10: {  	_ =	swait.ge [sflag:s11], $0xC000;
	p0 =	sne.s32 s13, s7  }
.Ltmp1:
0x11: {  	[sflag:s11] =	ssyncset.done $0x0;
	(pc) =	sbr.rel @!p0 .LBB2_8-.Ltmp1, $4  }
0x12: {  	[sflag:s11] =	ssyncadd.s32 $0xFFFF4000  }
0x13: {  	_ =	swait.ge [sflag:s12], $0xC000  }
0x14: {  	[sflag:s12] =	ssyncset.done $0x0  }
0x15: {  	[sflag:s12] =	ssyncadd.s32 $0xFFFF4000  }
.LBB2_1:
0x16: {  	[tilespmem:s3], [sflag:$0x5] =	stream.linear.gather [hbm4b:s4+s3], $0x100, $0x38;
	[tilespmem:$0x18100] =	vst v63  }
0x17: {  	_ =	swait.ge [sflag:s9], $0x100  }
0x18: {  	[sflag:s9] =	ssyncset.done $0x0  }
0x19: {  	[sflag:s9] =	ssyncadd.s32 $0xFFFFFF00  }
0x1a: {  	v3 =	vld [tilespmem:$0x0];
	_ =	sdelay $0x4  }
0x1b: {  	v4 =	vshrl.u32 v3, $0x3  }
0x1c: {  	v4 =	vmul.u32 $0x30, v4  }
0x1d: {  	v3 =	vand.u32 $0x7, v3  }
0x1e: {  	v3 =	vor.u32 v3, v4  }
0x1f: {  	v4 =	vperm.xlane v3, v0;
	_ =	sdelay $0x1  }
0x20: {  	v4 =	vadd.s32 v1, v4;
	_ =	sdelay $0x3  }
0x21: {  	s8 =	simm.s32 $0x100;
	v3 =	vperm.xlane v3, v2  }
0x22: {  	[tilespmem:s8], [sflag:$0x1] =	stream.indirect_vreg.gather [hbm4b:s2+s3], $0x80, v4, vm0, $0xb8;
	[tilespmem:$0x18100] =	vst v63  }
0x23: {  	s17 =	simm.s32 $0x900;
	v3 =	vadd.s32 v1, v3  }
0x24: {  	[tilespmem:s17], [sflag:$0x1] =	stream.indirect_vreg.gather [hbm4b:s5+s3], $0x80, v4, vm0, $0xb8;
	[tilespmem:$0x18100] =	vst v63  }
0x25: {  	s18 =	simm.s32 $0x1100  }
0x26: {  	[tilespmem:s18], [sflag:$0x1] =	stream.indirect_vreg.gather [hbm4b:s6+s3], $0x80, v4, vm0, $0xb8;
	[tilespmem:$0x18100] =	vst v63  }
0x27: {  	s19 =	simm.s32 $0x1900  }
0x28: {  	[tilespmem:s19], [sflag:$0x1] =	stream.indirect_vreg.gather [hbm4b:s2+s3], $0x80, v3, vm0, $0xb8;
	[tilespmem:$0x18100] =	vst v63  }
0x29: {  	s20 =	simm.s32 $0x2100  }
0x2a: {  	[tilespmem:s20], [sflag:$0x1] =	stream.indirect_vreg.gather [hbm4b:s5+s3], $0x80, v3, vm0, $0xb8;
	[tilespmem:$0x18100] =	vst v63  }
0x2b: {  	s14 =	simm.s32 $0x2900  }
0x2c: {  	[tilespmem:s14], [sflag:$0x1] =	stream.indirect_vreg.gather [hbm4b:s6+s3], $0x80, v3, vm0, $0xb8;
	[tilespmem:$0x18100] =	vst v63  }
0x2d: {  	v3 =	vld [tilespmem:$0x10];
	_ =	sdelay $0x4  }
0x2e: {  	v61 =	vshrl.u32 v3, $0x3  }
0x2f: {  	v4 =	vmul.u32 $0x30, v61  }
0x30: {  	v3 =	vand.u32 $0x7, v3  }
0x31: {  	v3 =	vor.u32 v3, v4  }
0x32: {  	v4 =	vperm.xlane v3, v0;
	_ =	sdelay $0x1  }
0x33: {  	v4 =	vadd.s32 v1, v4;
	_ =	sdelay $0x3  }
0x34: {  	s16 =	simm.s32 $0x3100;
	v3 =	vperm.xlane v3, v2  }
0x35: {  	[tilespmem:s16], [sflag:$0x1] =	stream.indirect_vreg.gather [hbm4b:s2+s3], $0x80, v4, vm0, $0xb8;
	[tilespmem:$0x18100] =	vst v63  }
0x36: {  	s17 =	simm.s32 $0x3900;
	v3 =	vadd.s32 v1, v3  }
0x37: {  	[tilespmem:s17], [sflag:$0x1] =	stream.indirect_vreg.gather [hbm4b:s5+s3], $0x80, v4, vm0, $0xb8;
	[tilespmem:$0x18100] =	vst v63  }
0x38: {  	s18 =	simm.s32 $0x4100  }
0x39: {  	[tilespmem:s18], [sflag:$0x1] =	stream.indirect_vreg.gather [hbm4b:s6+s3], $0x80, v4, vm0, $0xb8;
	[tilespmem:$0x18100] =	vst v63  }
0x3a: {  	s19 =	simm.s32 $0x4900  }
0x3b: {  	[tilespmem:s19], [sflag:$0x1] =	stream.indirect_vreg.gather [hbm4b:s2+s3], $0x80, v3, vm0, $0xb8;
	[tilespmem:$0x18100] =	vst v63  }
0x3c: {  	s20 =	simm.s32 $0x5100  }
0x3d: {  	[tilespmem:s20], [sflag:$0x1] =	stream.indirect_vreg.gather [hbm4b:s5+s3], $0x80, v3, vm0, $0xb8;
	[tilespmem:$0x18100] =	vst v63  }
0x3e: {  	_ = 	snop  }
0x3f: {  	[tilespmem:s21], [sflag:$0x1] =	stream.indirect_vreg.gather [hbm4b:s6+s3], $0x80, v3, vm0, $0xb8;
	[tilespmem:$0x18100] =	vst v63  }
0x40: {  	v3 =	vld [tilespmem:$0x20];
	_ =	sdelay $0x4  }
0x41: {  	v62 =	vshrl.u32 v3, $0x3  }
0x42: {  	v4 =	vmul.u32 $0x30, v62  }
0x43: {  	v3 =	vand.u32 $0x7, v3  }
0x44: {  	v3 =	vor.u32 v3, v4  }
0x45: {  	v4 =	vperm.xlane v3, v0;
	_ =	sdelay $0x1  }
0x46: {  	v4 =	vadd.s32 v1, v4;
	_ =	sdelay $0x3  }
0x47: {  	v3 =	vperm.xlane v3, v2  }
0x48: {  	[tilespmem:s22], [sflag:$0x1] =	stream.indirect_vreg.gather [hbm4b:s2+s3], $0x80, v4, vm0, $0xb8;
	[tilespmem:$0x18100] =	vst v63  }
0x49: {  	v3 =	vadd.s32 v1, v3  }
0x4a: {  	[tilespmem:s23], [sflag:$0x1] =	stream.indirect_vreg.gather [hbm4b:s5+s3], $0x80, v4, vm0, $0xb8;
	[tilespmem:$0x18100] =	vst v63  }
0x4b: {  	_ = 	snop  }
0x4c: {  	[tilespmem:s24], [sflag:$0x1] =	stream.indirect_vreg.gather [hbm4b:s6+s3], $0x80, v4, vm0, $0xb8;
	[tilespmem:$0x18100] =	vst v63  }
0x4d: {  	_ = 	snop  }
0x4e: {  	[tilespmem:s25], [sflag:$0x1] =	stream.indirect_vreg.gather [hbm4b:s2+s3], $0x80, v3, vm0, $0xb8;
	[tilespmem:$0x18100] =	vst v63  }
0x4f: {  	_ = 	snop  }
0x50: {  	[tilespmem:s26], [sflag:$0x1] =	stream.indirect_vreg.gather [hbm4b:s5+s3], $0x80, v3, vm0, $0xb8;
	[tilespmem:$0x18100] =	vst v63  }
0x51: {  	_ = 	snop  }
0x52: {  	[tilespmem:s28], [sflag:$0x1] =	stream.indirect_vreg.gather [hbm4b:s6+s3], $0x80, v3, vm0, $0xb8;
	[tilespmem:$0x18100] =	vst v63  }
0x53: {  	v3 =	vld [tilespmem:$0x30];
	_ =	sdelay $0x4  }
0x54: {  	v63 =	vshrl.u32 v3, $0x3  }
0x55: {  	v4 =	vmul.u32 $0x30, v63  }
0x56: {  	v3 =	vand.u32 $0x7, v3  }
0x57: {  	v3 =	vor.u32 v3, v4  }
0x58: {  	v4 =	vperm.xlane v3, v0;
	_ =	sdelay $0x1  }
0x59: {  	v4 =	vadd.s32 v1, v4;
	_ =	sdelay $0x3  }
0x5a: {  	v3 =	vperm.xlane v3, v2  }
0x5b: {  	[tilespmem:s29], [sflag:$0x1] =	stream.indirect_vreg.gather [hbm4b:s2+s3], $0x80, v4, vm0, $0xb8;
	[tilespmem:$0x18100] =	vst v63  }
0x5c: {  	v3 =	vadd.s32 v1, v3  }
0x5d: {  	[tilespmem:s30], [sflag:$0x1] =	stream.indirect_vreg.gather [hbm4b:s5+s3], $0x80, v4, vm0, $0xb8;
	[tilespmem:$0x18100] =	vst v63  }
0x5e: {  	_ = 	snop  }
0x5f: {  	[tilespmem:s31], [sflag:$0x1] =	stream.indirect_vreg.gather [hbm4b:s6+s3], $0x80, v4, vm0, $0xb8;
	[tilespmem:$0x18100] =	vst v63  }
0x60: {  	_ = 	snop  }
0x61: {  	[tilespmem:s1], [sflag:$0x1] =	stream.indirect_vreg.gather [hbm4b:s2+s3], $0x80, v3, vm0, $0xb8;
	[tilespmem:$0x18100] =	vst v63  }
.Ltmp2:
0x62: {  	_ = 	snop;
	(pc) =	sbr.rel .LBB2_2-.Ltmp2, $4  }
0x63: {  	_ = 	snop  }
0x64: {  	[tilespmem:s0], [sflag:$0x1] =	stream.indirect_vreg.gather [hbm4b:s5+s3], $0x80, v3, vm0, $0xb8;
	[tilespmem:$0x18100] =	vst v63  }
0x65: {  	s8 =	smov.u32 s15;
	s14 =	simm.s32 $0x70;
	s16 =	simm.s32 $0x0  }
0x66: {  	[tilespmem:s10], [sflag:$0x1] =	stream.indirect_vreg.gather [hbm4b:s6+s3], $0x80, v3, vm0, $0xb8;
	[tilespmem:$0x18100] =	vst v63  }
.LBB2_5:
0x67: {  	v3 =	vld [tilespmem:s14+$0xFFFFFFD0];
	_ =	sdelay $0x4  }
0x68: {  	v4 =	vshrl.u32 v3, $0x3  }
0x69: {  	v4 =	vmul.u32 $0x30, v4  }
0x6a: {  	v3 =	vand.u32 $0x7, v3  }
0x6b: {  	v3 =	vor.u32 v3, v4  }
0x6c: {  	v4 =	vperm.xlane v3, v0;
	_ =	sdelay $0x1  }
0x6d: {  	s18 =	sand.u32 $0x1, s17;
	v4 =	vadd.s32 v1, v4  }
0x6e: {  	s19 =	smul.u32 $0x30000, s18;
	_ =	sdelay $0x1  }
0x6f: {  	s19 =	sshrl.u32 s19, $0x2  }
0x70: {  	s18 =	sadd.s32 $0x1, s18;
	s20 =	sor.u32 $0x100, s19;
	v3 =	vperm.xlane v3, v2  }
0x71: {  	[tilespmem:s20], [sflag:s18] =	stream.indirect_vreg.gather [hbm4b:s2+s3], $0x80, v4, vm0, $0xb8;
	[tilespmem:$0x18100] =	vst v63  }
0x72: {  	v3 =	vadd.s32 v1, v3;
	s20 =	sor.u32 $0x900, s19  }
0x73: {  	[tilespmem:s20], [sflag:s18] =	stream.indirect_vreg.gather [hbm4b:s5+s3], $0x80, v4, vm0, $0xb8;
	[tilespmem:$0x18100] =	vst v63  }
0x74: {  	s20 =	sor.u32 $0x1100, s19  }
0x75: {  	[tilespmem:s20], [sflag:s18] =	stream.indirect_vreg.gather [hbm4b:s6+s3], $0x80, v4, vm0, $0xb8;
	[tilespmem:$0x18100] =	vst v63  }
0x76: {  	s20 =	sor.u32 $0x1900, s19  }
0x77: {  	[tilespmem:s20], [sflag:s18] =	stream.indirect_vreg.gather [hbm4b:s2+s3], $0x80, v3, vm0, $0xb8;
	[tilespmem:$0x18100] =	vst v63  }
0x78: {  	s20 =	sor.u32 $0x2100, s19  }
0x79: {  	[tilespmem:s20], [sflag:s18] =	stream.indirect_vreg.gather [hbm4b:s5+s3], $0x80, v3, vm0, $0xb8;
	[tilespmem:$0x18100] =	vst v63  }
0x7a: {  	s20 =	sor.u32 $0x2900, s19  }
0x7b: {  	[tilespmem:s20], [sflag:s18] =	stream.indirect_vreg.gather [hbm4b:s6+s3], $0x80, v3, vm0, $0xb8;
	[tilespmem:$0x18100] =	vst v63  }
0x7c: {  	v3 =	vld [tilespmem:s14+$0xFFFFFFE0];
	_ =	sdelay $0x4  }
0x7d: {  	v61 =	vshrl.u32 v3, $0x3  }
0x7e: {  	v4 =	vmul.u32 $0x30, v61  }
0x7f: {  	v3 =	vand.u32 $0x7, v3  }
0x80: {  	v3 =	vor.u32 v3, v4  }
0x81: {  	v4 =	vperm.xlane v3, v0;
	_ =	sdelay $0x1  }
0x82: {  	v4 =	vadd.s32 v1, v4;
	_ =	sdelay $0x3  }
0x83: {  	s20 =	sor.u32 $0x3100, s19;
	v3 =	vperm.xlane v3, v2  }
0x84: {  	[tilespmem:s20], [sflag:s18] =	stream.indirect_vreg.gather [hbm4b:s2+s3], $0x80, v4, vm0, $0xb8;
	[tilespmem:$0x18100] =	vst v63  }
0x85: {  	v3 =	vadd.s32 v1, v3;
	s20 =	sor.u32 $0x3900, s19  }
0x86: {  	[tilespmem:s20], [sflag:s18] =	stream.indirect_vreg.gather [hbm4b:s5+s3], $0x80, v4, vm0, $0xb8;
	[tilespmem:$0x18100] =	vst v63  }
0x87: {  	s20 =	sadd.s32 $0x4100, s19  }
0x88: {  	[tilespmem:s20], [sflag:s18] =	stream.indirect_vreg.gather [hbm4b:s6+s3], $0x80, v4, vm0, $0xb8;
	[tilespmem:$0x18100] =	vst v63  }
0x89: {  	s20 =	sadd.s32 $0x4900, s19  }
0x8a: {  	[tilespmem:s20], [sflag:s18] =	stream.indirect_vreg.gather [hbm4b:s2+s3], $0x80, v3, vm0, $0xb8;
	[tilespmem:$0x18100] =	vst v63  }
0x8b: {  	s20 =	sadd.s32 $0x5100, s19  }
0x8c: {  	[tilespmem:s20], [sflag:s18] =	stream.indirect_vreg.gather [hbm4b:s5+s3], $0x80, v3, vm0, $0xb8;
	[tilespmem:$0x18100] =	vst v63  }
0x8d: {  	s20 =	sadd.s32 $0x5900, s19  }
0x8e: {  	[tilespmem:s20], [sflag:s18] =	stream.indirect_vreg.gather [hbm4b:s6+s3], $0x80, v3, vm0, $0xb8;
	[tilespmem:$0x18100] =	vst v63  }
0x8f: {  	v3 =	vld [tilespmem:s14+$0xFFFFFFF0];
	_ =	sdelay $0x4  }
0x90: {  	v62 =	vshrl.u32 v3, $0x3  }
0x91: {  	v4 =	vmul.u32 $0x30, v62  }
0x92: {  	v3 =	vand.u32 $0x7, v3  }
0x93: {  	v3 =	vor.u32 v3, v4  }
0x94: {  	v4 =	vperm.xlane v3, v0;
	_ =	sdelay $0x1  }
0x95: {  	v4 =	vadd.s32 v1, v4;
	_ =	sdelay $0x3  }
0x96: {  	s20 =	sadd.s32 $0x6100, s19;
	v3 =	vperm.xlane v3, v2  }
0x97: {  	[tilespmem:s20], [sflag:s18] =	stream.indirect_vreg.gather [hbm4b:s2+s3], $0x80, v4, vm0, $0xb8;
	[tilespmem:$0x18100] =	vst v63  }
0x98: {  	v3 =	vadd.s32 v1, v3;
	s20 =	sadd.s32 $0x6900, s19  }
0x99: {  	[tilespmem:s20], [sflag:s18] =	stream.indirect_vreg.gather [hbm4b:s5+s3], $0x80, v4, vm0, $0xb8;
	[tilespmem:$0x18100] =	vst v63  }
0x9a: {  	s20 =	sadd.s32 $0x7100, s19  }
0x9b: {  	[tilespmem:s20], [sflag:s18] =	stream.indirect_vreg.gather [hbm4b:s6+s3], $0x80, v4, vm0, $0xb8;
	[tilespmem:$0x18100] =	vst v63  }
0x9c: {  	s20 =	sadd.s32 $0x7900, s19  }
0x9d: {  	[tilespmem:s20], [sflag:s18] =	stream.indirect_vreg.gather [hbm4b:s2+s3], $0x80, v3, vm0, $0xb8;
	[tilespmem:$0x18100] =	vst v63  }
0x9e: {  	s20 =	sadd.s32 $0x8100, s19  }
0x9f: {  	[tilespmem:s20], [sflag:s18] =	stream.indirect_vreg.gather [hbm4b:s5+s3], $0x80, v3, vm0, $0xb8;
	[tilespmem:$0x18100] =	vst v63  }
0xa0: {  	s20 =	sadd.s32 $0x8900, s19  }
0xa1: {  	[tilespmem:s20], [sflag:s18] =	stream.indirect_vreg.gather [hbm4b:s6+s3], $0x80, v3, vm0, $0xb8;
	[tilespmem:$0x18100] =	vst v63  }
0xa2: {  	v3 =	vld [tilespmem:s14+$0x0];
	_ =	sdelay $0x4  }
0xa3: {  	v63 =	vshrl.u32 v3, $0x3  }
0xa4: {  	v4 =	vmul.u32 $0x30, v63  }
0xa5: {  	v3 =	vand.u32 $0x7, v3  }
0xa6: {  	v3 =	vor.u32 v3, v4  }
0xa7: {  	v4 =	vperm.xlane v3, v0;
	_ =	sdelay $0x1  }
0xa8: {  	v4 =	vadd.s32 v1, v4;
	_ =	sdelay $0x3  }
0xa9: {  	s20 =	sadd.s32 $0x9100, s19;
	v3 =	vperm.xlane v3, v2  }
0xaa: {  	[tilespmem:s20], [sflag:s18] =	stream.indirect_vreg.gather [hbm4b:s2+s3], $0x80, v4, vm0, $0xb8;
	[tilespmem:$0x18100] =	vst v63  }
0xab: {  	v3 =	vadd.s32 v1, v3;
	s20 =	sadd.s32 $0x9900, s19  }
0xac: {  	[tilespmem:s20], [sflag:s18] =	stream.indirect_vreg.gather [hbm4b:s5+s3], $0x80, v4, vm0, $0xb8;
	[tilespmem:$0x18100] =	vst v63  }
0xad: {  	s20 =	sadd.s32 $0xA100, s19  }
0xae: {  	[tilespmem:s20], [sflag:s18] =	stream.indirect_vreg.gather [hbm4b:s6+s3], $0x80, v4, vm0, $0xb8;
	[tilespmem:$0x18100] =	vst v63  }
0xaf: {  	s20 =	sadd.s32 $0xA900, s19  }
0xb0: {  	[tilespmem:s20], [sflag:s18] =	stream.indirect_vreg.gather [hbm4b:s2+s3], $0x80, v3, vm0, $0xb8;
	[tilespmem:$0x18100] =	vst v63  }
0xb1: {  	s20 =	sadd.s32 $0xB100, s19  }
0xb2: {  	[tilespmem:s20], [sflag:s18] =	stream.indirect_vreg.gather [hbm4b:s5+s3], $0x80, v3, vm0, $0xb8;
	[tilespmem:$0x18100] =	vst v63  }
0xb3: {  	s19 =	sadd.s32 $0xB900, s19  }
0xb4: {  	[tilespmem:s19], [sflag:s18] =	stream.indirect_vreg.gather [hbm4b:s6+s3], $0x80, v3, vm0, $0xb8;
	[tilespmem:$0x18100] =	vst v63  }
.LBB2_6:
0xb5: {  	s16 =	sand.u32 $0x1, s16  }
0xb6: {  	p0 =	sne.s32 s17, $0x4;
	s18 =	sadd.s32 $0x1, s16;
	s19 =	smul.u32 $0x30000, s16  }
.Ltmp3:
0xb7: {  	_ =	swait.ge [sflag:s18], $0xC000;
	(pc) =	sbr.rel @!p0 .LBB2_7-.Ltmp3, $4  }
0xb8: {  	[sflag:s18] =	ssyncset.done $0x0;
	s19 =	sshrl.u32 s19, $0x2  }
0xb9: {  	s16 =	sadd.s32 $0x3, s16;
	[sflag:s18] =	ssyncadd.s32 $0xFFFF4000;
	s20 =	sor.u32 $0x100, s19  }
0xba: {  	[hbm4b:s8+s3] =	stream.linear.scatter [tilespmem:s20], [sflag:s16], $0xC000, $0x38;
	[tilespmem:$0x18100] =	vst v63  }
0xbb: {  	s14 =	sadd.s32 $0x40, s14;
	s8 =	sadd.s32 $0x1800, s8;
	s16 =	smov.u32 s17  }
.LBB2_2:
0xbc: {  	p0 =	seq.s32 s16, $0x0  }
.Ltmp4:
0xbd: {  	_ = 	snop;
	(pc) =	sbr.rel @p0 .LBB2_5-.Ltmp4, $2  }
0xbe: {  	_ =	sdelay $0x2  }
0xbf: {  	s17 =	sadd.s32 $0x1, s16  }
0xc0: {  	p0 =	seq.s32 s16, $0x3  }
.Ltmp5:
0xc1: {  	_ = 	snop;
	(pc) =	sbr.rel @p0 .LBB2_6-.Ltmp5, $1  }
0xc2: {  	_ =	sdelay $0x3  }
0xc3: {  	s18 =	sxor.u32 $0xFFFFFFFF, s16  }
.Ltmp6:
0xc4: {  	s18 =	sand.u32 $0x1, s18;
	(pc) =	sbr.rel .LBB2_5-.Ltmp6, $4  }
0xc5: {  	s18 =	sadd.s32 $0x3, s18  }
0xc6: {  	_ =	swait.ge [sflag:s18], $0xC000  }
0xc7: {  	[sflag:s18] =	ssyncset.done $0x0  }
0xc8: {  	[sflag:s18] =	ssyncadd.s32 $0xFFFF4000  }
.LBB2_8:
0xc9: {  	_ =	sfence.sel $0x180000  }
0xca: {  	[bflag:$0x0] =	sbarrier.arrive $0xFFFF  }
0xcb: {  	_ =	strace $0x9000004A  }
0xcc: {  	s0 =	stileid.u32;
	[bflag:$0x2] =	sbarrier.arrive $0xFFFF  }
0xcd: {  	p0 =	sne.s32 s0, $0x0;
	s0 =	rddreg [dreg:$0x2]  }
0xce: {  	s0 =	sadd.s32 @!p0 $0x100000, s0  }
0xcf: {  	[sflag:s0] =	ssyncadd.tile.s32 @!p0 $0x1;
	_ =	shalt  }
.Lfunc_end2:
_tile_overlayer_lowered:
.L_overlay_start_2:
0xd0: {  	(tag) =	ssettag $0x2  }
0xd1: {  	s0 =	rddreg [dreg:$0x0];
	s2 =	stileid.u32  }
0xd2: {  	s1 =	rddreg [dreg:$0x1];
	p0 =	sne.s32 s2, $0x0  }
0xd3: {  	s3 =	rddreg [dreg:$0x2];
	[bflag:$0x3] =	sbarrier.arrive $0xFFFF;
	s2 =	simm.s32 @!p0 $0x1C05  }
0xd4: {  	[timem:s3], [sflag:s2] =	dma.local @!p0 [hbm:s0], s1  }
0xd5: {  	s0 =	simm.s32 @!p0 $0x5  }
0xd6: {  	_ =	swait.ge @!p0 [sflag:s0], s1  }
0xd7: {  	s1 =	ssub.s32 @!p0 $0x0, s1;
	[sflag:s0] =	ssyncset.done @!p0 $0x0  }
0xd8: {  	[sflag:s0] =	ssyncadd.s32 @!p0 s1  }
0xd9: {  	[bflag:$0x3] =	sbarrier.arrive $0xFFFF  }
0xda: {  	_ =	shalt  }

// kernel: kernel.16.cloned.1.call-start
scs
__scs_entry_jumppad:
0x0: {  	(pc) =	sbr.rel $0x88, $3  }
0x1: {  	(tag) =	ssettag $0x0;
	lr =	simm.s32 $0x1  }
0x2: {  	[smem:$0x3F9A] =	sst lr;
	_ =	strace $0xD0000000  }
0x3: {  	_ = 	snop  }
0x4: {  	_ = 	snop  }
0x5: {  	_ = 	snop  }
0x6: {  	_ = 	snop  }
0x7: {  	_ = 	snop  }
__scs_overlays_trampoline_lowered:
0x8: {  	[smem:$0x3FA9] =	sst s0  }
0x9: {  	[smem:$0x3FAA] =	sst s1  }
0xa: {  	[smem:$0x3FAB] =	sst s2  }
0xb: {  	[smem:$0x3FAC] =	sst s3  }
0xc: {  	[smem:$0x3FAD] =	sst s4  }
0xd: {  	[smem:$0x3FAE] =	sst s5  }
0xe: {  	[smem:$0x3FAF] =	sst s6  }
0xf: {  	[smem:$0x3FB0] =	sst s7  }
0x10: {  	[smem:$0x3FB1] =	sst s8  }
0x11: {  	[smem:$0x3FB2] =	sst s9;
	s0 =	simm.s32 @!p0 $0x0  }
0x12: {  	s1 =	sld [smem:$0x3F98];
	s0 =	simm.s32 @p0 $0x1  }
0x13: {  	[smem:$0x3FB3] =	sst s0;
	s0 =	simm.s32 @!p1 $0x0  }
0x14: {  	s2 =	sld [smem:$0x3F97];
	s0 =	simm.s32 @p1 $0x1  }
0x15: {  	[smem:$0x3FB4] =	sst s0;
	s0 =	simm.s32 @!p2 $0x0  }
0x16: {  	s3 =	sld [smem:$0x3FDB];
	s0 =	simm.s32 @p2 $0x1  }
0x17: {  	s4 =	simm.s32 $0x1BF5;
	[smem:$0x3FB6] =	sst s0  }
0x18: {  	s0 =	sld [smem:$0x3F99];
	_ =	swait.ge [sflag:s4], $0x0  }
0x19: {  	s7 =	sld [smem:$0x3F9A]  }
0x1a: {  	s8 =	sadd.s32 $0xFFFFE003, lr  }
0x1b: {  	s9 =	sadd.s32 $0xFFFFFEF7, lr;
	s5 =	simm.s32 $0xFFFFFFFF;
	p2 =	slt.u32 s8, $0xFFFFF086  }
0x1c: {  	p1 =	slt.u32 s9, $0xF7A;
	s5 =	simm.s32 @!p2 $0x0  }
0x1d: {  	s5 =	simm.s32 @p1 $0x1;
	p0 =	seq.s32 s7, s2  }
0x1e: {  	s7 =	smul.u32 @!p0 $0xF7A, s2;
	p2 =	seq.s32 @!p0 s5, $0x0  }
0x1f: {  	s9 =	smul.u32 $0xF7A, s1;
	s8 =	simm.s32 @!p0 $0x1BF5;
	p2 =	por !p2, p0  }
0x20: {  	[sflag:s8] =	ssyncset.s32 @!p0 $0xFFFFF086;
	s6 =	sadd.s32 @!p0 s3, s7;
	s7 =	simm.s32 @!p0 $0x108  }
0x21: {  	s3 =	sadd.s32 s3, s9;
	s6 =	sadd.s32 @!p0 $0x88, s6;
	s7 =	simm.s32 @p2 $0x1082  }
0x22: {  	[simem:s7], [sflag:s8] =	dma.local @!p0 [hbm:s6], $0xF7A  }
0x23: {  	s9 =	sor.u32 $0xD0000000, s2;
	s6 =	simm.s32 $0x108;
	_ =	swait.ge @!p0 [sflag:s8], $0x0  }
0x24: {  	s3 =	sadd.s32 $0x88, s3;
	s6 =	simm.s32 @!p1 $0x1082;
	[sflag:s4] =	ssyncset.s32 $0xFFFFF086  }
0x25: {  	[simem:s6], [sflag:s4] =	dma.local [hbm:s3], $0xF7A  }
0x26: {  	[smem:$0x3F9A] =	sst s1;
	(tag) =	ssettag s2;
	_ =	strace s9  }
0x27: {  	s1 =	sld [smem:$0x3FAA]  }
0x28: {  	s2 =	sld [smem:$0x3FAB]  }
0x29: {  	s4 =	sld [smem:$0x3FAD]  }
0x2a: {  	p0 =	seq.s32 s5, $0x0;
	s5 =	sld [smem:$0x3FAE]  }
0x2b: {  	s6 =	sld [smem:$0x3FAF]  }
0x2c: {  	s7 =	sld [smem:$0x3FB0]  }
0x2d: {  	s3 =	simm.s32 $0x108;
	s8 =	sld [smem:$0x3FB1]  }
0x2e: {  	s3 =	simm.s32 @!p0 $0x1082;
	s9 =	sld [smem:$0x3FB2]  }
0x2f: {  	lr =	sadd.s32 s0, s3;
	s0 =	sld [smem:$0x3FA9]  }
0x30: {  	s3 =	sld [smem:$0x3FAC]  }
0x31: {  	[smem:$0x3FB5] =	sst s10  }
0x32: {  	s10 =	sld [smem:$0x3FB3];
	_ =	sdelay $0x3  }
0x33: {  	p0 =	seq.s32 s10, $0x1;
	s10 =	sld [smem:$0x3FB5];
	_ =	sdelay $0x3  }
0x34: {  	[smem:$0x3FB5] =	sst s10  }
0x35: {  	s10 =	sld [smem:$0x3FB4];
	_ =	sdelay $0x3  }
0x36: {  	p1 =	seq.s32 s10, $0x1;
	s10 =	sld [smem:$0x3FB5];
	_ =	sdelay $0x3  }
0x37: {  	[smem:$0x3FB5] =	sst s10  }
0x38: {  	s10 =	sld [smem:$0x3FB6]  }
0x39: {  	_ = 	snop;
	(pc) =	sbr.ind lr, $3  }
0x3a: {  	_ = 	snop  }
0x3b: {  	_ = 	snop  }
0x3c: {  	p2 =	seq.s32 s10, $0x1;
	s10 =	sld [smem:$0x3FB5]  }
0x3d: {  	_ =	shalt  }
0x3e: {  	_ =	shalt  }
0x3f: {  	_ =	shalt  }
0x40: {  	_ =	shalt  }
0x41: {  	_ =	shalt  }
0x42: {  	_ =	shalt  }
0x43: {  	_ =	shalt  }
0x44: {  	_ =	shalt  }
0x45: {  	_ =	shalt  }
0x46: {  	_ =	shalt  }
0x47: {  	_ =	shalt  }
0x48: {  	_ =	shalt  }
0x49: {  	_ =	shalt  }
0x4a: {  	_ =	shalt  }
0x4b: {  	_ =	shalt  }
0x4c: {  	_ =	shalt  }
0x4d: {  	_ =	shalt  }
0x4e: {  	_ =	shalt  }
0x4f: {  	_ =	shalt  }
0x50: {  	_ =	shalt  }
0x51: {  	_ =	shalt  }
0x52: {  	_ =	shalt  }
0x53: {  	_ =	shalt  }
0x54: {  	_ =	shalt  }
0x55: {  	_ =	shalt  }
0x56: {  	_ =	shalt  }
0x57: {  	_ =	shalt  }
0x58: {  	_ =	shalt  }
0x59: {  	_ =	shalt  }
0x5a: {  	_ =	shalt  }
0x5b: {  	_ =	shalt  }
0x5c: {  	_ =	shalt  }
0x5d: {  	_ =	shalt  }
0x5e: {  	_ =	shalt  }
0x5f: {  	_ =	shalt  }
0x60: {  	_ =	shalt  }
0x61: {  	_ =	shalt  }
0x62: {  	_ =	shalt  }
0x63: {  	_ =	shalt  }
0x64: {  	_ =	shalt  }
0x65: {  	_ =	shalt  }
0x66: {  	_ =	shalt  }
0x67: {  	_ =	shalt  }
0x68: {  	_ =	shalt  }
0x69: {  	_ =	shalt  }
0x6a: {  	_ =	shalt  }
0x6b: {  	_ =	shalt  }
0x6c: {  	_ =	shalt  }
0x6d: {  	_ =	shalt  }
0x6e: {  	_ =	shalt  }
0x6f: {  	_ =	shalt  }
0x70: {  	_ =	shalt  }
0x71: {  	_ =	shalt  }
0x72: {  	_ =	shalt  }
0x73: {  	_ =	shalt  }
0x74: {  	_ =	shalt  }
0x75: {  	_ =	shalt  }
0x76: {  	_ =	shalt  }
0x77: {  	_ =	shalt  }
0x78: {  	_ =	shalt  }
0x79: {  	_ =	shalt  }
0x7a: {  	_ =	shalt  }
0x7b: {  	_ =	shalt  }
0x7c: {  	_ =	shalt  }
0x7d: {  	_ =	shalt  }
0x7e: {  	_ =	shalt  }
0x7f: {  	_ =	shalt  }
0x80: {  	_ =	shalt  }
0x81: {  	_ =	shalt  }
0x82: {  	_ =	shalt  }
0x83: {  	_ =	shalt  }
0x84: {  	_ =	shalt  }
0x85: {  	_ =	shalt  }
0x86: {  	_ =	shalt  }
0x87: {  	_ =	shalt  }
.Lfunc_end0:
.L_simem_size_0:
called_computation.2_lowered:
.L_overlay_start_0:
0x88: {  	s2 =	sld [smem:$0x3FD9]  }
0x89: {  	s3 =	sld [smem:$0x3FFE];
	_ =	sdelay $0x1  }
0x8a: {  	s1 =	srdreg.scid  }
0x8b: {  	s0 =	sand.u32 $0x1, s1  }
0x8c: {  	s17 =	sshll.u32 s0, $0xA;
	s2 =	sadd.s32 s3, s2  }
0x8d: {  	s2 =	sadd.s32 s2, s17  }
0x8e: {  	[smem:$0x3FC1] =	sst s2  }
0x8f: {  	_ = 	snop  }
0x90: {  	s18 =	sld [smem:$0x3FC7];
	(tm) =	ssettm $0x1  }
0x91: {  	s19 =	sld [smem:$0x3FFB];
	_ =	sdelay $0x3  }
0x92: {  	_ =	strace s19  }
0x93: {  	s2 =	sld [smem:$0x3FFC];
	_ =	sdelay $0x3  }
0x94: {  	_ =	strace s2  }
0x95: {  	s2 =	sld [smem:$0x3FFD];
	_ =	sdelay $0x3  }
0x96: {  	_ =	strace s2  }
0x97: {  	_ =	strace $0x8FFFFFFF  }
0x98: {  	s20 =	sld [smem:$0x3FDB];
	_ =	sdelay $0x1  }
0x99: {  	s4 =	simm.s32 $_scs_section_size  }
0x9a: {  	s5 =	simm.s32 $_size__tile_overlayer_lowered;
	s6 =	simm.s32 $_tile_overlayer_lowered  }
0x9b: {  	s7 =	simm.s32 $0x1BFF;
	s21 =	sshll.u32 s6, $0x1;
	s4 =	sadd.s32 s4, s20  }
0x9c: {  	s22 =	simm.s32 $0x0;
	s5 =	sshll.u32 s5, $0x1;
	s6 =	sadd.s32 s21, s4  }
0x9d: {  	[timem:s22], [sflag:s7] =	dma.local [hbm:s6], s5  }
0x9e: {  	_ =	swait.ge [sflag:s7], s5  }
0x9f: {  	s5 =	ssub.s32 $0x0, s5;
	[sflag:s7] =	ssyncset.done $0x0  }
0xa0: {  	[sflag:s7] =	ssyncadd.s32 s5;
	_ =	sdelay $0x1  }
0xa1: {  	s23 =	simm.s32 $0x1B8B  }
0xa2: {  	_ =	swait.ge [sflag:s23], $0x1  }
0xa3: {  	[sflag:s23] =	ssyncset.done $0x0  }
0xa4: {  	[sflag:s23] =	ssyncadd.s32 $0xFFFFFFFF  }
0xa5: {  	s5 =	sld [smem:$0x0]  }
0xa6: {  	s6 =	sand.u32 $0xFFFFFFFE, s1  }
0xa7: {  	p0 =	sne.s32 s1, s6  }
0xa8: {  	s6 =	sshll.u32 @p0 s6, $0xE  }
0xa9: {  	s6 =	sadd.s32 @p0 $0x11B8D, s6;
	s7 =	sshll.u32 @p0 s5, $0x11  }
0xaa: {  	s6 =	sor.u32 @p0 s7, s6  }
0xab: {  	[sflag:s6] =	ssyncadd.remote.s32 @p0 $0x1;
	_ =	sdelay $0x1  }
0xac: {  	s6 =	simm.s32 @p0 $0x1B8D  }
0xad: {  	_ =	swait.eq @p0 [sflag:s6], $0x1  }
0xae: {  	[sflag:s6] =	ssyncadd.s32 @p0 $0xFFFFFFFF  }
0xaf: {  	s7 =	sshll.u32 @!p0 s1, $0xE  }
0xb0: {  	s7 =	sor.u32 @!p0 $0x4000, s7;
	s6 =	simm.s32 @!p0 $0x1B8D  }
0xb1: {  	s5 =	sshll.u32 @!p0 s5, $0x11;
	s7 =	sadd.s32 @!p0 $0x11B8D, s7;
	_ =	swait.eq @!p0 [sflag:s6], $0x1  }
0xb2: {  	s5 =	sor.u32 @!p0 s5, s7;
	[sflag:s6] =	ssyncadd.s32 @!p0 $0xFFFFFFFF  }
0xb3: {  	s25 =	simm.s32 $0x1B8E;
	s24 =	sld [smem:$0x3FFE];
	[sflag:s5] =	ssyncadd.remote.s32 @!p0 $0x1  }
0xb4: {  	s26 =	simm.s32 $execute0_lowered;
	[smem:$0x3FD2] =	sst s25  }
0xb5: {  	s6 =	sshll.u32 s26, $0x1;
	_ =	strace $0x8000004C;
	[dreg:$0x1] =	wrdreg $0xFFFFFFFF  }
0xb6: {  	s28 =	simm.s32 $_size_execute0_lowered;
	s4 =	sadd.s32 s4, s6;
	[dreg:$0x0] =	wrdreg $0x0  }
0xb7: {  	s6 =	sshll.u32 s28, $0x1;
	[dreg:$0x2] =	wrdreg s4  }
0xb8: {  	[dreg:$0x3] =	wrdreg s6  }
0xb9: {  	[dreg:$0x4] =	wrdreg $0xC0  }
0xba: {  	_ =	task [dreg:s22], $0x5FFFF  }
0xbb: {  	[dreg:$0x1] =	wrdreg $0xFFFFFFFF  }
0xbc: {  	[dreg:$0x0] =	wrdreg $0x60  }
0xbd: {  	[dreg:$0x2] =	wrdreg s24  }
0xbe: {  	[dreg:$0x3] =	wrdreg s18  }
0xbf: {  	[dreg:$0x4] =	wrdreg $0xB  }
0xc0: {  	_ =	task.clear_ibuf [dreg:s22], $0x5FFFF;
	_ =	strace $0x9000004C  }
0xc1: {  	s29 =	simm.s32 $0xB;
	_ =	strace $0x8000004E  }
0xc2: {  	_ =	swait.ge [sflag:s29], $0x1  }
0xc3: {  	[sflag:s29] =	ssyncadd.s32 $0xFFFFFFFF  }
0xc4: {  	_ =	strace $0x9000004E  }
0xc5: {  	_ =	sfence  }
0xc6: {  	s30 =	sld [smem:$0x0];
	_ =	sdelay $0x2  }
0xc7: {  	s31 =	sshll.u32 s1, $0xD;
	s1 =	sshrl.u32 s1, $0x2  }
0xc8: {  	s4 =	sand.u32 $0x4000, s31;
	s1 =	sadd.s32 s1, s30  }
0xc9: {  	s0 =	sor.u32 s4, s0;
	s1 =	sshll.u32 s1, $0x11  }
0xca: {  	s0 =	sor.u32 s1, s0  }
0xcb: {  	s0 =	sadd.s32 $0x8F2B, s0  }
0xcc: {  	[sflag:s0] =	ssyncadd.remote.s32 $0x1  }
0xcd: {  	_ =	sfence.sel $0xFFFF  }
0xce: {  	[dreg:$0x0] =	wrdreg $0xFFFFFFFF;
	(pc) =	sbr.abs _section_cstart, $3  }
0xcf: {  	[dreg:$0x1] =	wrdreg $0xFFFFFFFF  }
0xd0: {  	_ =	task.clear_ibuf [dreg:s22], $0x2FFFF;
	_ =	strace $0x9FFFFFFF  }
0xd1: {  	(tm) =	ssettm $0x7FFFFFFF  }
tec
execute0_lowered:
.L_overlay_start_1:
0x0: {  	(tag) =	ssettag $0x1  }
0x1: {  	s0 =	srdreg.scid;
	s2 =	stileid.u32  }
0x2: {  	s1 =	rddreg [dreg:$0x0];
	s9 =	simm.s32 $0x5;
	s21 =	simm.s32 $0x5900  }
0x3: {  	s22 =	simm.s32 $0x6100;
	s23 =	simm.s32 $0x6900;
	s24 =	simm.s32 $0x7100  }
0x4: {  	s25 =	simm.s32 $0x7900;
	s26 =	simm.s32 $0x8100;
	s28 =	simm.s32 $0x8900  }
0x5: {  	s29 =	simm.s32 $0x9100;
	s30 =	simm.s32 $0x9900;
	s31 =	simm.s32 $0xA100  }
0x6: {  	s10 =	simm.s32 $0xB900;
	s11 =	simm.s32 $0x3;
	s12 =	simm.s32 $0x4  }
0x7: {  	s13 =	simm.s32 $0x0;
	s0 =	sand.u32 $0x1, s0;
	s3 =	sshll.u32 s2, $0x9  }
0x8: {  	s2 =	rddreg [dreg:$0x1];
	s4 =	sshll.u32 s0, $0x8;
	s0 =	ssub.s32 $0x2, s0  }
0x9: {  	s4 =	sor.u32 s4, s3;
	s3 =	simm.s32 $0x0;
	s6 =	sshrl.u32 s0, $0x1  }
.Ltmp0:
0xa: {  	s4 =	sshrl.u32 s4, $0x3;
	[smem:$0x7FF] =	sst s3;
	(pc) =	sbr.rel .LBB2_1-.Ltmp0, $4  }
0xb: {  	s0 =	ssub.s32 s0, s6;
	s6 =	sadd.s32 $0x200, s2;
	s5 =	smul.u32 $0x300, s4  }
0xc: {  	v2 =	vlaneseq.u32;
	_ =	strace $0x8000004D;
	s4 =	sadd.s32 s4, s1;
	s7 =	smax.u32 s0, $0x1  }
0xd: {  	vm0 =	vmmov $0xffff;
	v1 =	vshrl.u32 v2, $0x3;
	s0 =	simm.s32 $0xB100;
	s4 =	sadd.s32 $0xC2600, s4;
	s1 =	sadd.s32 s5, s1  }
0xe: {  	v0 =	vand.u32 $0x7, v2;
	v2 =	vor.u32 $0x8, v2;
	v1 =	vmul.u32 $0x8, v1;
	s5 =	sadd.s32 $0x100, s2;
	s15 =	sadd.s32 $0x182E00, s1;
	s1 =	simm.s32 $0xA900  }
.LBB2_7:
0xf: {  	s13 =	sadd.s32 $0x1, s13  }
0x10: {  	_ =	swait.ge [sflag:s11], $0xC000;
	p0 =	sne.s32 s13, s7  }
.Ltmp1:
0x11: {  	[sflag:s11] =	ssyncset.done $0x0;
	(pc) =	sbr.rel @!p0 .LBB2_8-.Ltmp1, $4  }
0x12: {  	[sflag:s11] =	ssyncadd.s32 $0xFFFF4000  }
0x13: {  	_ =	swait.ge [sflag:s12], $0xC000  }
0x14: {  	[sflag:s12] =	ssyncset.done $0x0  }
0x15: {  	[sflag:s12] =	ssyncadd.s32 $0xFFFF4000  }
.LBB2_1:
0x16: {  	[tilespmem:s3], [sflag:$0x5] =	stream.linear.gather [hbm4b:s4+s3], $0x100, $0x38;
	[tilespmem:$0x18100] =	vst v63  }
0x17: {  	_ =	swait.ge [sflag:s9], $0x100  }
0x18: {  	[sflag:s9] =	ssyncset.done $0x0  }
0x19: {  	[sflag:s9] =	ssyncadd.s32 $0xFFFFFF00  }
0x1a: {  	v3 =	vld [tilespmem:$0x0];
	_ =	sdelay $0x4  }
0x1b: {  	v4 =	vshrl.u32 v3, $0x3  }
0x1c: {  	v4 =	vmul.u32 $0x30, v4  }
0x1d: {  	v3 =	vand.u32 $0x7, v3  }
0x1e: {  	v3 =	vor.u32 v3, v4  }
0x1f: {  	v4 =	vperm.xlane v3, v0;
	_ =	sdelay $0x1  }
0x20: {  	v4 =	vadd.s32 v1, v4;
	_ =	sdelay $0x3  }
0x21: {  	s8 =	simm.s32 $0x100;
	v3 =	vperm.xlane v3, v2  }
0x22: {  	[tilespmem:s8], [sflag:$0x1] =	stream.indirect_vreg.gather [hbm4b:s2+s3], $0x80, v4, vm0, $0xb8;
	[tilespmem:$0x18100] =	vst v63  }
0x23: {  	s17 =	simm.s32 $0x900;
	v3 =	vadd.s32 v1, v3  }
0x24: {  	[tilespmem:s17], [sflag:$0x1] =	stream.indirect_vreg.gather [hbm4b:s5+s3], $0x80, v4, vm0, $0xb8;
	[tilespmem:$0x18100] =	vst v63  }
0x25: {  	s18 =	simm.s32 $0x1100  }
0x26: {  	[tilespmem:s18], [sflag:$0x1] =	stream.indirect_vreg.gather [hbm4b:s6+s3], $0x80, v4, vm0, $0xb8;
	[tilespmem:$0x18100] =	vst v63  }
0x27: {  	s19 =	simm.s32 $0x1900  }
0x28: {  	[tilespmem:s19], [sflag:$0x1] =	stream.indirect_vreg.gather [hbm4b:s2+s3], $0x80, v3, vm0, $0xb8;
	[tilespmem:$0x18100] =	vst v63  }
0x29: {  	s20 =	simm.s32 $0x2100  }
0x2a: {  	[tilespmem:s20], [sflag:$0x1] =	stream.indirect_vreg.gather [hbm4b:s5+s3], $0x80, v3, vm0, $0xb8;
	[tilespmem:$0x18100] =	vst v63  }
0x2b: {  	s14 =	simm.s32 $0x2900  }
0x2c: {  	[tilespmem:s14], [sflag:$0x1] =	stream.indirect_vreg.gather [hbm4b:s6+s3], $0x80, v3, vm0, $0xb8;
	[tilespmem:$0x18100] =	vst v63  }
0x2d: {  	v3 =	vld [tilespmem:$0x10];
	_ =	sdelay $0x4  }
0x2e: {  	v61 =	vshrl.u32 v3, $0x3  }
0x2f: {  	v4 =	vmul.u32 $0x30, v61  }
0x30: {  	v3 =	vand.u32 $0x7, v3  }
0x31: {  	v3 =	vor.u32 v3, v4  }
0x32: {  	v4 =	vperm.xlane v3, v0;
	_ =	sdelay $0x1  }
0x33: {  	v4 =	vadd.s32 v1, v4;
	_ =	sdelay $0x3  }
0x34: {  	s16 =	simm.s32 $0x3100;
	v3 =	vperm.xlane v3, v2  }
0x35: {  	[tilespmem:s16], [sflag:$0x1] =	stream.indirect_vreg.gather [hbm4b:s2+s3], $0x80, v4, vm0, $0xb8;
	[tilespmem:$0x18100] =	vst v63  }
0x36: {  	s17 =	simm.s32 $0x3900;
	v3 =	vadd.s32 v1, v3  }
0x37: {  	[tilespmem:s17], [sflag:$0x1] =	stream.indirect_vreg.gather [hbm4b:s5+s3], $0x80, v4, vm0, $0xb8;
	[tilespmem:$0x18100] =	vst v63  }
0x38: {  	s18 =	simm.s32 $0x4100  }
0x39: {  	[tilespmem:s18], [sflag:$0x1] =	stream.indirect_vreg.gather [hbm4b:s6+s3], $0x80, v4, vm0, $0xb8;
	[tilespmem:$0x18100] =	vst v63  }
0x3a: {  	s19 =	simm.s32 $0x4900  }
0x3b: {  	[tilespmem:s19], [sflag:$0x1] =	stream.indirect_vreg.gather [hbm4b:s2+s3], $0x80, v3, vm0, $0xb8;
	[tilespmem:$0x18100] =	vst v63  }
0x3c: {  	s20 =	simm.s32 $0x5100  }
0x3d: {  	[tilespmem:s20], [sflag:$0x1] =	stream.indirect_vreg.gather [hbm4b:s5+s3], $0x80, v3, vm0, $0xb8;
	[tilespmem:$0x18100] =	vst v63  }
0x3e: {  	_ = 	snop  }
0x3f: {  	[tilespmem:s21], [sflag:$0x1] =	stream.indirect_vreg.gather [hbm4b:s6+s3], $0x80, v3, vm0, $0xb8;
	[tilespmem:$0x18100] =	vst v63  }
0x40: {  	v3 =	vld [tilespmem:$0x20];
	_ =	sdelay $0x4  }
0x41: {  	v62 =	vshrl.u32 v3, $0x3  }
0x42: {  	v4 =	vmul.u32 $0x30, v62  }
0x43: {  	v3 =	vand.u32 $0x7, v3  }
0x44: {  	v3 =	vor.u32 v3, v4  }
0x45: {  	v4 =	vperm.xlane v3, v0;
	_ =	sdelay $0x1  }
0x46: {  	v4 =	vadd.s32 v1, v4;
	_ =	sdelay $0x3  }
0x47: {  	v3 =	vperm.xlane v3, v2  }
0x48: {  	[tilespmem:s22], [sflag:$0x1] =	stream.indirect_vreg.gather [hbm4b:s2+s3], $0x80, v4, vm0, $0xb8;
	[tilespmem:$0x18100] =	vst v63  }
0x49: {  	v3 =	vadd.s32 v1, v3  }
0x4a: {  	[tilespmem:s23], [sflag:$0x1] =	stream.indirect_vreg.gather [hbm4b:s5+s3], $0x80, v4, vm0, $0xb8;
	[tilespmem:$0x18100] =	vst v63  }
0x4b: {  	_ = 	snop  }
0x4c: {  	[tilespmem:s24], [sflag:$0x1] =	stream.indirect_vreg.gather [hbm4b:s6+s3], $0x80, v4, vm0, $0xb8;
	[tilespmem:$0x18100] =	vst v63  }
0x4d: {  	_ = 	snop  }
0x4e: {  	[tilespmem:s25], [sflag:$0x1] =	stream.indirect_vreg.gather [hbm4b:s2+s3], $0x80, v3, vm0, $0xb8;
	[tilespmem:$0x18100] =	vst v63  }
0x4f: {  	_ = 	snop  }
0x50: {  	[tilespmem:s26], [sflag:$0x1] =	stream.indirect_vreg.gather [hbm4b:s5+s3], $0x80, v3, vm0, $0xb8;
	[tilespmem:$0x18100] =	vst v63  }
0x51: {  	_ = 	snop  }
0x52: {  	[tilespmem:s28], [sflag:$0x1] =	stream.indirect_vreg.gather [hbm4b:s6+s3], $0x80, v3, vm0, $0xb8;
	[tilespmem:$0x18100] =	vst v63  }
0x53: {  	v3 =	vld [tilespmem:$0x30];
	_ =	sdelay $0x4  }
0x54: {  	v63 =	vshrl.u32 v3, $0x3  }
0x55: {  	v4 =	vmul.u32 $0x30, v63  }
0x56: {  	v3 =	vand.u32 $0x7, v3  }
0x57: {  	v3 =	vor.u32 v3, v4  }
0x58: {  	v4 =	vperm.xlane v3, v0;
	_ =	sdelay $0x1  }
0x59: {  	v4 =	vadd.s32 v1, v4;
	_ =	sdelay $0x3  }
0x5a: {  	v3 =	vperm.xlane v3, v2  }
0x5b: {  	[tilespmem:s29], [sflag:$0x1] =	stream.indirect_vreg.gather [hbm4b:s2+s3], $0x80, v4, vm0, $0xb8;
	[tilespmem:$0x18100] =	vst v63  }
0x5c: {  	v3 =	vadd.s32 v1, v3  }
0x5d: {  	[tilespmem:s30], [sflag:$0x1] =	stream.indirect_vreg.gather [hbm4b:s5+s3], $0x80, v4, vm0, $0xb8;
	[tilespmem:$0x18100] =	vst v63  }
0x5e: {  	_ = 	snop  }
0x5f: {  	[tilespmem:s31], [sflag:$0x1] =	stream.indirect_vreg.gather [hbm4b:s6+s3], $0x80, v4, vm0, $0xb8;
	[tilespmem:$0x18100] =	vst v63  }
0x60: {  	_ = 	snop  }
0x61: {  	[tilespmem:s1], [sflag:$0x1] =	stream.indirect_vreg.gather [hbm4b:s2+s3], $0x80, v3, vm0, $0xb8;
	[tilespmem:$0x18100] =	vst v63  }
.Ltmp2:
0x62: {  	_ = 	snop;
	(pc) =	sbr.rel .LBB2_2-.Ltmp2, $4  }
0x63: {  	_ = 	snop  }
0x64: {  	[tilespmem:s0], [sflag:$0x1] =	stream.indirect_vreg.gather [hbm4b:s5+s3], $0x80, v3, vm0, $0xb8;
	[tilespmem:$0x18100] =	vst v63  }
0x65: {  	s8 =	smov.u32 s15;
	s14 =	simm.s32 $0x70;
	s16 =	simm.s32 $0x0  }
0x66: {  	[tilespmem:s10], [sflag:$0x1] =	stream.indirect_vreg.gather [hbm4b:s6+s3], $0x80, v3, vm0, $0xb8;
	[tilespmem:$0x18100] =	vst v63  }
.LBB2_5:
0x67: {  	v3 =	vld [tilespmem:s14+$0xFFFFFFD0];
	_ =	sdelay $0x4  }
0x68: {  	v4 =	vshrl.u32 v3, $0x3  }
0x69: {  	v4 =	vmul.u32 $0x30, v4  }
0x6a: {  	v3 =	vand.u32 $0x7, v3  }
0x6b: {  	v3 =	vor.u32 v3, v4  }
0x6c: {  	v4 =	vperm.xlane v3, v0;
	_ =	sdelay $0x1  }
0x6d: {  	s18 =	sand.u32 $0x1, s17;
	v4 =	vadd.s32 v1, v4  }
0x6e: {  	s19 =	smul.u32 $0x30000, s18;
	_ =	sdelay $0x1  }
0x6f: {  	s19 =	sshrl.u32 s19, $0x2  }
0x70: {  	s18 =	sadd.s32 $0x1, s18;
	s20 =	sor.u32 $0x100, s19;
	v3 =	vperm.xlane v3, v2  }
0x71: {  	[tilespmem:s20], [sflag:s18] =	stream.indirect_vreg.gather [hbm4b:s2+s3], $0x80, v4, vm0, $0xb8;
	[tilespmem:$0x18100] =	vst v63  }
0x72: {  	v3 =	vadd.s32 v1, v3;
	s20 =	sor.u32 $0x900, s19  }
0x73: {  	[tilespmem:s20], [sflag:s18] =	stream.indirect_vreg.gather [hbm4b:s5+s3], $0x80, v4, vm0, $0xb8;
	[tilespmem:$0x18100] =	vst v63  }
0x74: {  	s20 =	sor.u32 $0x1100, s19  }
0x75: {  	[tilespmem:s20], [sflag:s18] =	stream.indirect_vreg.gather [hbm4b:s6+s3], $0x80, v4, vm0, $0xb8;
	[tilespmem:$0x18100] =	vst v63  }
0x76: {  	s20 =	sor.u32 $0x1900, s19  }
0x77: {  	[tilespmem:s20], [sflag:s18] =	stream.indirect_vreg.gather [hbm4b:s2+s3], $0x80, v3, vm0, $0xb8;
	[tilespmem:$0x18100] =	vst v63  }
0x78: {  	s20 =	sor.u32 $0x2100, s19  }
0x79: {  	[tilespmem:s20], [sflag:s18] =	stream.indirect_vreg.gather [hbm4b:s5+s3], $0x80, v3, vm0, $0xb8;
	[tilespmem:$0x18100] =	vst v63  }
0x7a: {  	s20 =	sor.u32 $0x2900, s19  }
0x7b: {  	[tilespmem:s20], [sflag:s18] =	stream.indirect_vreg.gather [hbm4b:s6+s3], $0x80, v3, vm0, $0xb8;
	[tilespmem:$0x18100] =	vst v63  }
0x7c: {  	v3 =	vld [tilespmem:s14+$0xFFFFFFE0];
	_ =	sdelay $0x4  }
0x7d: {  	v61 =	vshrl.u32 v3, $0x3  }
0x7e: {  	v4 =	vmul.u32 $0x30, v61  }
0x7f: {  	v3 =	vand.u32 $0x7, v3  }
0x80: {  	v3 =	vor.u32 v3, v4  }
0x81: {  	v4 =	vperm.xlane v3, v0;
	_ =	sdelay $0x1  }
0x82: {  	v4 =	vadd.s32 v1, v4;
	_ =	sdelay $0x3  }
0x83: {  	s20 =	sor.u32 $0x3100, s19;
	v3 =	vperm.xlane v3, v2  }
0x84: {  	[tilespmem:s20], [sflag:s18] =	stream.indirect_vreg.gather [hbm4b:s2+s3], $0x80, v4, vm0, $0xb8;
	[tilespmem:$0x18100] =	vst v63  }
0x85: {  	v3 =	vadd.s32 v1, v3;
	s20 =	sor.u32 $0x3900, s19  }
0x86: {  	[tilespmem:s20], [sflag:s18] =	stream.indirect_vreg.gather [hbm4b:s5+s3], $0x80, v4, vm0, $0xb8;
	[tilespmem:$0x18100] =	vst v63  }
0x87: {  	s20 =	sadd.s32 $0x4100, s19  }
0x88: {  	[tilespmem:s20], [sflag:s18] =	stream.indirect_vreg.gather [hbm4b:s6+s3], $0x80, v4, vm0, $0xb8;
	[tilespmem:$0x18100] =	vst v63  }
0x89: {  	s20 =	sadd.s32 $0x4900, s19  }
0x8a: {  	[tilespmem:s20], [sflag:s18] =	stream.indirect_vreg.gather [hbm4b:s2+s3], $0x80, v3, vm0, $0xb8;
	[tilespmem:$0x18100] =	vst v63  }
0x8b: {  	s20 =	sadd.s32 $0x5100, s19  }
0x8c: {  	[tilespmem:s20], [sflag:s18] =	stream.indirect_vreg.gather [hbm4b:s5+s3], $0x80, v3, vm0, $0xb8;
	[tilespmem:$0x18100] =	vst v63  }
0x8d: {  	s20 =	sadd.s32 $0x5900, s19  }
0x8e: {  	[tilespmem:s20], [sflag:s18] =	stream.indirect_vreg.gather [hbm4b:s6+s3], $0x80, v3, vm0, $0xb8;
	[tilespmem:$0x18100] =	vst v63  }
0x8f: {  	v3 =	vld [tilespmem:s14+$0xFFFFFFF0];
	_ =	sdelay $0x4  }
0x90: {  	v62 =	vshrl.u32 v3, $0x3  }
0x91: {  	v4 =	vmul.u32 $0x30, v62  }
0x92: {  	v3 =	vand.u32 $0x7, v3  }
0x93: {  	v3 =	vor.u32 v3, v4  }
0x94: {  	v4 =	vperm.xlane v3, v0;
	_ =	sdelay $0x1  }
0x95: {  	v4 =	vadd.s32 v1, v4;
	_ =	sdelay $0x3  }
0x96: {  	s20 =	sadd.s32 $0x6100, s19;
	v3 =	vperm.xlane v3, v2  }
0x97: {  	[tilespmem:s20], [sflag:s18] =	stream.indirect_vreg.gather [hbm4b:s2+s3], $0x80, v4, vm0, $0xb8;
	[tilespmem:$0x18100] =	vst v63  }
0x98: {  	v3 =	vadd.s32 v1, v3;
	s20 =	sadd.s32 $0x6900, s19  }
0x99: {  	[tilespmem:s20], [sflag:s18] =	stream.indirect_vreg.gather [hbm4b:s5+s3], $0x80, v4, vm0, $0xb8;
	[tilespmem:$0x18100] =	vst v63  }
0x9a: {  	s20 =	sadd.s32 $0x7100, s19  }
0x9b: {  	[tilespmem:s20], [sflag:s18] =	stream.indirect_vreg.gather [hbm4b:s6+s3], $0x80, v4, vm0, $0xb8;
	[tilespmem:$0x18100] =	vst v63  }
0x9c: {  	s20 =	sadd.s32 $0x7900, s19  }
0x9d: {  	[tilespmem:s20], [sflag:s18] =	stream.indirect_vreg.gather [hbm4b:s2+s3], $0x80, v3, vm0, $0xb8;
	[tilespmem:$0x18100] =	vst v63  }
0x9e: {  	s20 =	sadd.s32 $0x8100, s19  }
0x9f: {  	[tilespmem:s20], [sflag:s18] =	stream.indirect_vreg.gather [hbm4b:s5+s3], $0x80, v3, vm0, $0xb8;
	[tilespmem:$0x18100] =	vst v63  }
0xa0: {  	s20 =	sadd.s32 $0x8900, s19  }
0xa1: {  	[tilespmem:s20], [sflag:s18] =	stream.indirect_vreg.gather [hbm4b:s6+s3], $0x80, v3, vm0, $0xb8;
	[tilespmem:$0x18100] =	vst v63  }
0xa2: {  	v3 =	vld [tilespmem:s14+$0x0];
	_ =	sdelay $0x4  }
0xa3: {  	v63 =	vshrl.u32 v3, $0x3  }
0xa4: {  	v4 =	vmul.u32 $0x30, v63  }
0xa5: {  	v3 =	vand.u32 $0x7, v3  }
0xa6: {  	v3 =	vor.u32 v3, v4  }
0xa7: {  	v4 =	vperm.xlane v3, v0;
	_ =	sdelay $0x1  }
0xa8: {  	v4 =	vadd.s32 v1, v4;
	_ =	sdelay $0x3  }
0xa9: {  	s20 =	sadd.s32 $0x9100, s19;
	v3 =	vperm.xlane v3, v2  }
0xaa: {  	[tilespmem:s20], [sflag:s18] =	stream.indirect_vreg.gather [hbm4b:s2+s3], $0x80, v4, vm0, $0xb8;
	[tilespmem:$0x18100] =	vst v63  }
0xab: {  	v3 =	vadd.s32 v1, v3;
	s20 =	sadd.s32 $0x9900, s19  }
0xac: {  	[tilespmem:s20], [sflag:s18] =	stream.indirect_vreg.gather [hbm4b:s5+s3], $0x80, v4, vm0, $0xb8;
	[tilespmem:$0x18100] =	vst v63  }
0xad: {  	s20 =	sadd.s32 $0xA100, s19  }
0xae: {  	[tilespmem:s20], [sflag:s18] =	stream.indirect_vreg.gather [hbm4b:s6+s3], $0x80, v4, vm0, $0xb8;
	[tilespmem:$0x18100] =	vst v63  }
0xaf: {  	s20 =	sadd.s32 $0xA900, s19  }
0xb0: {  	[tilespmem:s20], [sflag:s18] =	stream.indirect_vreg.gather [hbm4b:s2+s3], $0x80, v3, vm0, $0xb8;
	[tilespmem:$0x18100] =	vst v63  }
0xb1: {  	s20 =	sadd.s32 $0xB100, s19  }
0xb2: {  	[tilespmem:s20], [sflag:s18] =	stream.indirect_vreg.gather [hbm4b:s5+s3], $0x80, v3, vm0, $0xb8;
	[tilespmem:$0x18100] =	vst v63  }
0xb3: {  	s19 =	sadd.s32 $0xB900, s19  }
0xb4: {  	[tilespmem:s19], [sflag:s18] =	stream.indirect_vreg.gather [hbm4b:s6+s3], $0x80, v3, vm0, $0xb8;
	[tilespmem:$0x18100] =	vst v63  }
.LBB2_6:
0xb5: {  	s16 =	sand.u32 $0x1, s16  }
0xb6: {  	p0 =	sne.s32 s17, $0x4;
	s18 =	sadd.s32 $0x1, s16;
	s19 =	smul.u32 $0x30000, s16  }
.Ltmp3:
0xb7: {  	_ =	swait.ge [sflag:s18], $0xC000;
	(pc) =	sbr.rel @!p0 .LBB2_7-.Ltmp3, $4  }
0xb8: {  	[sflag:s18] =	ssyncset.done $0x0;
	s19 =	sshrl.u32 s19, $0x2  }
0xb9: {  	s16 =	sadd.s32 $0x3, s16;
	[sflag:s18] =	ssyncadd.s32 $0xFFFF4000;
	s20 =	sor.u32 $0x100, s19  }
0xba: {  	[hbm4b:s8+s3] =	stream.linear.scatter [tilespmem:s20], [sflag:s16], $0xC000, $0x38;
	[tilespmem:$0x18100] =	vst v63  }
0xbb: {  	s14 =	sadd.s32 $0x40, s14;
	s8 =	sadd.s32 $0x1800, s8;
	s16 =	smov.u32 s17  }
.LBB2_2:
0xbc: {  	p0 =	seq.s32 s16, $0x0  }
.Ltmp4:
0xbd: {  	_ = 	snop;
	(pc) =	sbr.rel @p0 .LBB2_5-.Ltmp4, $2  }
0xbe: {  	_ =	sdelay $0x2  }
0xbf: {  	s17 =	sadd.s32 $0x1, s16  }
0xc0: {  	p0 =	seq.s32 s16, $0x3  }
.Ltmp5:
0xc1: {  	_ = 	snop;
	(pc) =	sbr.rel @p0 .LBB2_6-.Ltmp5, $1  }
0xc2: {  	_ =	sdelay $0x3  }
0xc3: {  	s18 =	sxor.u32 $0xFFFFFFFF, s16  }
.Ltmp6:
0xc4: {  	s18 =	sand.u32 $0x1, s18;
	(pc) =	sbr.rel .LBB2_5-.Ltmp6, $4  }
0xc5: {  	s18 =	sadd.s32 $0x3, s18  }
0xc6: {  	_ =	swait.ge [sflag:s18], $0xC000  }
0xc7: {  	[sflag:s18] =	ssyncset.done $0x0  }
0xc8: {  	[sflag:s18] =	ssyncadd.s32 $0xFFFF4000  }
.LBB2_8:
0xc9: {  	_ =	sfence.sel $0x180000  }
0xca: {  	[bflag:$0x0] =	sbarrier.arrive $0xFFFF  }
0xcb: {  	_ =	strace $0x9000004D  }
0xcc: {  	s0 =	stileid.u32;
	[bflag:$0x2] =	sbarrier.arrive $0xFFFF  }
0xcd: {  	p0 =	sne.s32 s0, $0x0;
	s0 =	rddreg [dreg:$0x2]  }
0xce: {  	s0 =	sadd.s32 @!p0 $0x100000, s0  }
0xcf: {  	[sflag:s0] =	ssyncadd.tile.s32 @!p0 $0x1;
	_ =	shalt  }
.Lfunc_end2:
_tile_overlayer_lowered:
.L_overlay_start_2:
0xd0: {  	(tag) =	ssettag $0x2  }
0xd1: {  	s0 =	rddreg [dreg:$0x0];
	s2 =	stileid.u32  }
0xd2: {  	s1 =	rddreg [dreg:$0x1];
	p0 =	sne.s32 s2, $0x0  }
0xd3: {  	s3 =	rddreg [dreg:$0x2];
	[bflag:$0x3] =	sbarrier.arrive $0xFFFF;
	s2 =	simm.s32 @!p0 $0x1C05  }
0xd4: {  	[timem:s3], [sflag:s2] =	dma.local @!p0 [hbm:s0], s1  }
0xd5: {  	s0 =	simm.s32 @!p0 $0x5  }
0xd6: {  	_ =	swait.ge @!p0 [sflag:s0], s1  }
0xd7: {  	s1 =	ssub.s32 @!p0 $0x0, s1;
	[sflag:s0] =	ssyncset.done @!p0 $0x0  }
0xd8: {  	[sflag:s0] =	ssyncadd.s32 @!p0 s1  }
0xd9: {  	[bflag:$0x3] =	sbarrier.arrive $0xFFFF  }
0xda: {  	_ =	shalt  }

// kernel: kernel.19.cloned.1.call-start
scs
__scs_entry_jumppad:
0x0: {  	(pc) =	sbr.rel $0x88, $3  }
0x1: {  	(tag) =	ssettag $0x0;
	lr =	simm.s32 $0x1  }
0x2: {  	[smem:$0x3F9A] =	sst lr;
	_ =	strace $0xD0000000  }
0x3: {  	_ = 	snop  }
0x4: {  	_ = 	snop  }
0x5: {  	_ = 	snop  }
0x6: {  	_ = 	snop  }
0x7: {  	_ = 	snop  }
__scs_overlays_trampoline_lowered:
0x8: {  	[smem:$0x3FA9] =	sst s0  }
0x9: {  	[smem:$0x3FAA] =	sst s1  }
0xa: {  	[smem:$0x3FAB] =	sst s2  }
0xb: {  	[smem:$0x3FAC] =	sst s3  }
0xc: {  	[smem:$0x3FAD] =	sst s4  }
0xd: {  	[smem:$0x3FAE] =	sst s5  }
0xe: {  	[smem:$0x3FAF] =	sst s6  }
0xf: {  	[smem:$0x3FB0] =	sst s7  }
0x10: {  	[smem:$0x3FB1] =	sst s8  }
0x11: {  	[smem:$0x3FB2] =	sst s9;
	s0 =	simm.s32 @!p0 $0x0  }
0x12: {  	s1 =	sld [smem:$0x3F98];
	s0 =	simm.s32 @p0 $0x1  }
0x13: {  	[smem:$0x3FB3] =	sst s0;
	s0 =	simm.s32 @!p1 $0x0  }
0x14: {  	s2 =	sld [smem:$0x3F97];
	s0 =	simm.s32 @p1 $0x1  }
0x15: {  	[smem:$0x3FB4] =	sst s0;
	s0 =	simm.s32 @!p2 $0x0  }
0x16: {  	s3 =	sld [smem:$0x3FDB];
	s0 =	simm.s32 @p2 $0x1  }
0x17: {  	s4 =	simm.s32 $0x1BF5;
	[smem:$0x3FB6] =	sst s0  }
0x18: {  	s0 =	sld [smem:$0x3F99];
	_ =	swait.ge [sflag:s4], $0x0  }
0x19: {  	s7 =	sld [smem:$0x3F9A]  }
0x1a: {  	s8 =	sadd.s32 $0xFFFFE003, lr  }
0x1b: {  	s9 =	sadd.s32 $0xFFFFFEF7, lr;
	s5 =	simm.s32 $0xFFFFFFFF;
	p2 =	slt.u32 s8, $0xFFFFF086  }
0x1c: {  	p1 =	slt.u32 s9, $0xF7A;
	s5 =	simm.s32 @!p2 $0x0  }
0x1d: {  	s5 =	simm.s32 @p1 $0x1;
	p0 =	seq.s32 s7, s2  }
0x1e: {  	s7 =	smul.u32 @!p0 $0xF7A, s2;
	p2 =	seq.s32 @!p0 s5, $0x0  }
0x1f: {  	s9 =	smul.u32 $0xF7A, s1;
	s8 =	simm.s32 @!p0 $0x1BF5;
	p2 =	por !p2, p0  }
0x20: {  	[sflag:s8] =	ssyncset.s32 @!p0 $0xFFFFF086;
	s6 =	sadd.s32 @!p0 s3, s7;
	s7 =	simm.s32 @!p0 $0x108  }
0x21: {  	s3 =	sadd.s32 s3, s9;
	s6 =	sadd.s32 @!p0 $0x88, s6;
	s7 =	simm.s32 @p2 $0x1082  }
0x22: {  	[simem:s7], [sflag:s8] =	dma.local @!p0 [hbm:s6], $0xF7A  }
0x23: {  	s9 =	sor.u32 $0xD0000000, s2;
	s6 =	simm.s32 $0x108;
	_ =	swait.ge @!p0 [sflag:s8], $0x0  }
0x24: {  	s3 =	sadd.s32 $0x88, s3;
	s6 =	simm.s32 @!p1 $0x1082;
	[sflag:s4] =	ssyncset.s32 $0xFFFFF086  }
0x25: {  	[simem:s6], [sflag:s4] =	dma.local [hbm:s3], $0xF7A  }
0x26: {  	[smem:$0x3F9A] =	sst s1;
	(tag) =	ssettag s2;
	_ =	strace s9  }
0x27: {  	s1 =	sld [smem:$0x3FAA]  }
0x28: {  	s2 =	sld [smem:$0x3FAB]  }
0x29: {  	s4 =	sld [smem:$0x3FAD]  }
0x2a: {  	p0 =	seq.s32 s5, $0x0;
	s5 =	sld [smem:$0x3FAE]  }
0x2b: {  	s6 =	sld [smem:$0x3FAF]  }
0x2c: {  	s7 =	sld [smem:$0x3FB0]  }
0x2d: {  	s3 =	simm.s32 $0x108;
	s8 =	sld [smem:$0x3FB1]  }
0x2e: {  	s3 =	simm.s32 @!p0 $0x1082;
	s9 =	sld [smem:$0x3FB2]  }
0x2f: {  	lr =	sadd.s32 s0, s3;
	s0 =	sld [smem:$0x3FA9]  }
0x30: {  	s3 =	sld [smem:$0x3FAC]  }
0x31: {  	[smem:$0x3FB5] =	sst s10  }
0x32: {  	s10 =	sld [smem:$0x3FB3];
	_ =	sdelay $0x3  }
0x33: {  	p0 =	seq.s32 s10, $0x1;
	s10 =	sld [smem:$0x3FB5];
	_ =	sdelay $0x3  }
0x34: {  	[smem:$0x3FB5] =	sst s10  }
0x35: {  	s10 =	sld [smem:$0x3FB4];
	_ =	sdelay $0x3  }
0x36: {  	p1 =	seq.s32 s10, $0x1;
	s10 =	sld [smem:$0x3FB5];
	_ =	sdelay $0x3  }
0x37: {  	[smem:$0x3FB5] =	sst s10  }
0x38: {  	s10 =	sld [smem:$0x3FB6]  }
0x39: {  	_ = 	snop;
	(pc) =	sbr.ind lr, $3  }
0x3a: {  	_ = 	snop  }
0x3b: {  	_ = 	snop  }
0x3c: {  	p2 =	seq.s32 s10, $0x1;
	s10 =	sld [smem:$0x3FB5]  }
0x3d: {  	_ =	shalt  }
0x3e: {  	_ =	shalt  }
0x3f: {  	_ =	shalt  }
0x40: {  	_ =	shalt  }
0x41: {  	_ =	shalt  }
0x42: {  	_ =	shalt  }
0x43: {  	_ =	shalt  }
0x44: {  	_ =	shalt  }
0x45: {  	_ =	shalt  }
0x46: {  	_ =	shalt  }
0x47: {  	_ =	shalt  }
0x48: {  	_ =	shalt  }
0x49: {  	_ =	shalt  }
0x4a: {  	_ =	shalt  }
0x4b: {  	_ =	shalt  }
0x4c: {  	_ =	shalt  }
0x4d: {  	_ =	shalt  }
0x4e: {  	_ =	shalt  }
0x4f: {  	_ =	shalt  }
0x50: {  	_ =	shalt  }
0x51: {  	_ =	shalt  }
0x52: {  	_ =	shalt  }
0x53: {  	_ =	shalt  }
0x54: {  	_ =	shalt  }
0x55: {  	_ =	shalt  }
0x56: {  	_ =	shalt  }
0x57: {  	_ =	shalt  }
0x58: {  	_ =	shalt  }
0x59: {  	_ =	shalt  }
0x5a: {  	_ =	shalt  }
0x5b: {  	_ =	shalt  }
0x5c: {  	_ =	shalt  }
0x5d: {  	_ =	shalt  }
0x5e: {  	_ =	shalt  }
0x5f: {  	_ =	shalt  }
0x60: {  	_ =	shalt  }
0x61: {  	_ =	shalt  }
0x62: {  	_ =	shalt  }
0x63: {  	_ =	shalt  }
0x64: {  	_ =	shalt  }
0x65: {  	_ =	shalt  }
0x66: {  	_ =	shalt  }
0x67: {  	_ =	shalt  }
0x68: {  	_ =	shalt  }
0x69: {  	_ =	shalt  }
0x6a: {  	_ =	shalt  }
0x6b: {  	_ =	shalt  }
0x6c: {  	_ =	shalt  }
0x6d: {  	_ =	shalt  }
0x6e: {  	_ =	shalt  }
0x6f: {  	_ =	shalt  }
0x70: {  	_ =	shalt  }
0x71: {  	_ =	shalt  }
0x72: {  	_ =	shalt  }
0x73: {  	_ =	shalt  }
0x74: {  	_ =	shalt  }
0x75: {  	_ =	shalt  }
0x76: {  	_ =	shalt  }
0x77: {  	_ =	shalt  }
0x78: {  	_ =	shalt  }
0x79: {  	_ =	shalt  }
0x7a: {  	_ =	shalt  }
0x7b: {  	_ =	shalt  }
0x7c: {  	_ =	shalt  }
0x7d: {  	_ =	shalt  }
0x7e: {  	_ =	shalt  }
0x7f: {  	_ =	shalt  }
0x80: {  	_ =	shalt  }
0x81: {  	_ =	shalt  }
0x82: {  	_ =	shalt  }
0x83: {  	_ =	shalt  }
0x84: {  	_ =	shalt  }
0x85: {  	_ =	shalt  }
0x86: {  	_ =	shalt  }
0x87: {  	_ =	shalt  }
.Lfunc_end0:
.L_simem_size_0:
called_computation.3_lowered:
.L_overlay_start_0:
0x88: {  	s2 =	sld [smem:$0x3FD9]  }
0x89: {  	s3 =	sld [smem:$0x3FFE];
	_ =	sdelay $0x1  }
0x8a: {  	s1 =	srdreg.scid  }
0x8b: {  	s0 =	sand.u32 $0x1, s1  }
0x8c: {  	s17 =	sshll.u32 s0, $0xA;
	s2 =	sadd.s32 s3, s2  }
0x8d: {  	s2 =	sadd.s32 s2, s17  }
0x8e: {  	[smem:$0x3FC1] =	sst s2  }
0x8f: {  	_ = 	snop  }
0x90: {  	s18 =	sld [smem:$0x3FC7];
	(tm) =	ssettm $0x1  }
0x91: {  	s19 =	sld [smem:$0x3FFB];
	_ =	sdelay $0x3  }
0x92: {  	_ =	strace s19  }
0x93: {  	s2 =	sld [smem:$0x3FFC];
	_ =	sdelay $0x3  }
0x94: {  	_ =	strace s2  }
0x95: {  	s2 =	sld [smem:$0x3FFD];
	_ =	sdelay $0x3  }
0x96: {  	_ =	strace s2  }
0x97: {  	_ =	strace $0x8FFFFFFF  }
0x98: {  	s20 =	sld [smem:$0x3FDB];
	_ =	sdelay $0x1  }
0x99: {  	s4 =	simm.s32 $_scs_section_size  }
0x9a: {  	s5 =	simm.s32 $_size__tile_overlayer_lowered;
	s6 =	simm.s32 $_tile_overlayer_lowered  }
0x9b: {  	s7 =	simm.s32 $0x1BFF;
	s21 =	sshll.u32 s6, $0x1;
	s4 =	sadd.s32 s4, s20  }
0x9c: {  	s22 =	simm.s32 $0x0;
	s5 =	sshll.u32 s5, $0x1;
	s6 =	sadd.s32 s21, s4  }
0x9d: {  	[timem:s22], [sflag:s7] =	dma.local [hbm:s6], s5  }
0x9e: {  	_ =	swait.ge [sflag:s7], s5  }
0x9f: {  	s5 =	ssub.s32 $0x0, s5;
	[sflag:s7] =	ssyncset.done $0x0  }
0xa0: {  	[sflag:s7] =	ssyncadd.s32 s5;
	_ =	sdelay $0x1  }
0xa1: {  	s23 =	simm.s32 $0x1B8B  }
0xa2: {  	_ =	swait.ge [sflag:s23], $0x1  }
0xa3: {  	[sflag:s23] =	ssyncset.done $0x0  }
0xa4: {  	[sflag:s23] =	ssyncadd.s32 $0xFFFFFFFF  }
0xa5: {  	s5 =	sld [smem:$0x0]  }
0xa6: {  	s6 =	sand.u32 $0xFFFFFFFE, s1  }
0xa7: {  	p0 =	sne.s32 s1, s6  }
0xa8: {  	s6 =	sshll.u32 @p0 s6, $0xE  }
0xa9: {  	s6 =	sadd.s32 @p0 $0x11B8D, s6;
	s7 =	sshll.u32 @p0 s5, $0x11  }
0xaa: {  	s6 =	sor.u32 @p0 s7, s6  }
0xab: {  	[sflag:s6] =	ssyncadd.remote.s32 @p0 $0x1;
	_ =	sdelay $0x1  }
0xac: {  	s6 =	simm.s32 @p0 $0x1B8D  }
0xad: {  	_ =	swait.eq @p0 [sflag:s6], $0x1  }
0xae: {  	[sflag:s6] =	ssyncadd.s32 @p0 $0xFFFFFFFF  }
0xaf: {  	s7 =	sshll.u32 @!p0 s1, $0xE  }
0xb0: {  	s7 =	sor.u32 @!p0 $0x4000, s7;
	s6 =	simm.s32 @!p0 $0x1B8D  }
0xb1: {  	s5 =	sshll.u32 @!p0 s5, $0x11;
	s7 =	sadd.s32 @!p0 $0x11B8D, s7;
	_ =	swait.eq @!p0 [sflag:s6], $0x1  }
0xb2: {  	s5 =	sor.u32 @!p0 s5, s7;
	[sflag:s6] =	ssyncadd.s32 @!p0 $0xFFFFFFFF  }
0xb3: {  	s25 =	simm.s32 $0x1B8E;
	s24 =	sld [smem:$0x3FFE];
	[sflag:s5] =	ssyncadd.remote.s32 @!p0 $0x1  }
0xb4: {  	s26 =	simm.s32 $execute0_lowered;
	[smem:$0x3FD2] =	sst s25  }
0xb5: {  	s6 =	sshll.u32 s26, $0x1;
	_ =	strace $0x8000004F;
	[dreg:$0x1] =	wrdreg $0xFFFFFFFF  }
0xb6: {  	s28 =	simm.s32 $_size_execute0_lowered;
	s4 =	sadd.s32 s4, s6;
	[dreg:$0x0] =	wrdreg $0x0  }
0xb7: {  	s6 =	sshll.u32 s28, $0x1;
	[dreg:$0x2] =	wrdreg s4  }
0xb8: {  	[dreg:$0x3] =	wrdreg s6  }
0xb9: {  	[dreg:$0x4] =	wrdreg $0xC0  }
0xba: {  	_ =	task [dreg:s22], $0x5FFFF  }
0xbb: {  	[dreg:$0x1] =	wrdreg $0xFFFFFFFF  }
0xbc: {  	[dreg:$0x0] =	wrdreg $0x60  }
0xbd: {  	[dreg:$0x2] =	wrdreg s24  }
0xbe: {  	[dreg:$0x3] =	wrdreg s18  }
0xbf: {  	[dreg:$0x4] =	wrdreg $0xC  }
0xc0: {  	_ =	task.clear_ibuf [dreg:s22], $0x5FFFF;
	_ =	strace $0x9000004F  }
0xc1: {  	s29 =	simm.s32 $0xC;
	_ =	strace $0x80000051  }
0xc2: {  	_ =	swait.ge [sflag:s29], $0x1  }
0xc3: {  	[sflag:s29] =	ssyncadd.s32 $0xFFFFFFFF  }
0xc4: {  	_ =	strace $0x90000051  }
0xc5: {  	_ =	sfence  }
0xc6: {  	s30 =	sld [smem:$0x0];
	_ =	sdelay $0x2  }
0xc7: {  	s31 =	sshll.u32 s1, $0xD;
	s1 =	sshrl.u32 s1, $0x2  }
0xc8: {  	s4 =	sand.u32 $0x4000, s31;
	s1 =	sadd.s32 s1, s30  }
0xc9: {  	s0 =	sor.u32 s4, s0;
	s1 =	sshll.u32 s1, $0x11  }
0xca: {  	s0 =	sor.u32 s1, s0  }
0xcb: {  	s0 =	sadd.s32 $0x8F2B, s0  }
0xcc: {  	[sflag:s0] =	ssyncadd.remote.s32 $0x1  }
0xcd: {  	_ =	sfence.sel $0xFFFF  }
0xce: {  	[dreg:$0x0] =	wrdreg $0xFFFFFFFF;
	(pc) =	sbr.abs _section_cstart, $3  }
0xcf: {  	[dreg:$0x1] =	wrdreg $0xFFFFFFFF  }
0xd0: {  	_ =	task.clear_ibuf [dreg:s22], $0x2FFFF;
	_ =	strace $0x9FFFFFFF  }
0xd1: {  	(tm) =	ssettm $0x7FFFFFFF  }
tec
execute0_lowered:
.L_overlay_start_1:
0x0: {  	(tag) =	ssettag $0x1  }
0x1: {  	s0 =	srdreg.scid;
	s2 =	stileid.u32  }
0x2: {  	s1 =	rddreg [dreg:$0x0];
	s9 =	simm.s32 $0x5;
	s21 =	simm.s32 $0x5900  }
0x3: {  	s22 =	simm.s32 $0x6100;
	s23 =	simm.s32 $0x6900;
	s24 =	simm.s32 $0x7100  }
0x4: {  	s25 =	simm.s32 $0x7900;
	s26 =	simm.s32 $0x8100;
	s28 =	simm.s32 $0x8900  }
0x5: {  	s29 =	simm.s32 $0x9100;
	s30 =	simm.s32 $0x9900;
	s31 =	simm.s32 $0xA100  }
0x6: {  	s10 =	simm.s32 $0xB900;
	s11 =	simm.s32 $0x3;
	s12 =	simm.s32 $0x4  }
0x7: {  	s13 =	simm.s32 $0x0;
	s0 =	sand.u32 $0x1, s0;
	s3 =	sshll.u32 s2, $0x9  }
0x8: {  	s2 =	rddreg [dreg:$0x1];
	s4 =	sshll.u32 s0, $0x8;
	s0 =	ssub.s32 $0x2, s0  }
0x9: {  	s4 =	sor.u32 s4, s3;
	s3 =	simm.s32 $0x0;
	s6 =	sshrl.u32 s0, $0x1  }
.Ltmp0:
0xa: {  	s4 =	sshrl.u32 s4, $0x3;
	[smem:$0x7FF] =	sst s3;
	(pc) =	sbr.rel .LBB2_1-.Ltmp0, $4  }
0xb: {  	s0 =	ssub.s32 s0, s6;
	s6 =	sadd.s32 $0x200, s2;
	s5 =	smul.u32 $0x300, s4  }
0xc: {  	v2 =	vlaneseq.u32;
	_ =	strace $0x80000050;
	s4 =	sadd.s32 s4, s1;
	s7 =	smax.u32 s0, $0x1  }
0xd: {  	vm0 =	vmmov $0xffff;
	v1 =	vshrl.u32 v2, $0x3;
	s0 =	simm.s32 $0xB100;
	s4 =	sadd.s32 $0xC2A00, s4;
	s1 =	sadd.s32 s5, s1  }
0xe: {  	v0 =	vand.u32 $0x7, v2;
	v2 =	vor.u32 $0x8, v2;
	v1 =	vmul.u32 $0x8, v1;
	s5 =	sadd.s32 $0x100, s2;
	s15 =	sadd.s32 $0x242E00, s1;
	s1 =	simm.s32 $0xA900  }
.LBB2_7:
0xf: {  	s13 =	sadd.s32 $0x1, s13  }
0x10: {  	_ =	swait.ge [sflag:s11], $0xC000;
	p0 =	sne.s32 s13, s7  }
.Ltmp1:
0x11: {  	[sflag:s11] =	ssyncset.done $0x0;
	(pc) =	sbr.rel @!p0 .LBB2_8-.Ltmp1, $4  }
0x12: {  	[sflag:s11] =	ssyncadd.s32 $0xFFFF4000  }
0x13: {  	_ =	swait.ge [sflag:s12], $0xC000  }
0x14: {  	[sflag:s12] =	ssyncset.done $0x0  }
0x15: {  	[sflag:s12] =	ssyncadd.s32 $0xFFFF4000  }
.LBB2_1:
0x16: {  	[tilespmem:s3], [sflag:$0x5] =	stream.linear.gather [hbm4b:s4+s3], $0x100, $0x38;
	[tilespmem:$0x18100] =	vst v63  }
0x17: {  	_ =	swait.ge [sflag:s9], $0x100  }
0x18: {  	[sflag:s9] =	ssyncset.done $0x0  }
0x19: {  	[sflag:s9] =	ssyncadd.s32 $0xFFFFFF00  }
0x1a: {  	v3 =	vld [tilespmem:$0x0];
	_ =	sdelay $0x4  }
0x1b: {  	v4 =	vshrl.u32 v3, $0x3  }
0x1c: {  	v4 =	vmul.u32 $0x30, v4  }
0x1d: {  	v3 =	vand.u32 $0x7, v3  }
0x1e: {  	v3 =	vor.u32 v3, v4  }
0x1f: {  	v4 =	vperm.xlane v3, v0;
	_ =	sdelay $0x1  }
0x20: {  	v4 =	vadd.s32 v1, v4;
	_ =	sdelay $0x3  }
0x21: {  	s8 =	simm.s32 $0x100;
	v3 =	vperm.xlane v3, v2  }
0x22: {  	[tilespmem:s8], [sflag:$0x1] =	stream.indirect_vreg.gather [hbm4b:s2+s3], $0x80, v4, vm0, $0xb8;
	[tilespmem:$0x18100] =	vst v63  }
0x23: {  	s17 =	simm.s32 $0x900;
	v3 =	vadd.s32 v1, v3  }
0x24: {  	[tilespmem:s17], [sflag:$0x1] =	stream.indirect_vreg.gather [hbm4b:s5+s3], $0x80, v4, vm0, $0xb8;
	[tilespmem:$0x18100] =	vst v63  }
0x25: {  	s18 =	simm.s32 $0x1100  }
0x26: {  	[tilespmem:s18], [sflag:$0x1] =	stream.indirect_vreg.gather [hbm4b:s6+s3], $0x80, v4, vm0, $0xb8;
	[tilespmem:$0x18100] =	vst v63  }
0x27: {  	s19 =	simm.s32 $0x1900  }
0x28: {  	[tilespmem:s19], [sflag:$0x1] =	stream.indirect_vreg.gather [hbm4b:s2+s3], $0x80, v3, vm0, $0xb8;
	[tilespmem:$0x18100] =	vst v63  }
0x29: {  	s20 =	simm.s32 $0x2100  }
0x2a: {  	[tilespmem:s20], [sflag:$0x1] =	stream.indirect_vreg.gather [hbm4b:s5+s3], $0x80, v3, vm0, $0xb8;
	[tilespmem:$0x18100] =	vst v63  }
0x2b: {  	s14 =	simm.s32 $0x2900  }
0x2c: {  	[tilespmem:s14], [sflag:$0x1] =	stream.indirect_vreg.gather [hbm4b:s6+s3], $0x80, v3, vm0, $0xb8;
	[tilespmem:$0x18100] =	vst v63  }
0x2d: {  	v3 =	vld [tilespmem:$0x10];
	_ =	sdelay $0x4  }
0x2e: {  	v61 =	vshrl.u32 v3, $0x3  }
0x2f: {  	v4 =	vmul.u32 $0x30, v61  }
0x30: {  	v3 =	vand.u32 $0x7, v3  }
0x31: {  	v3 =	vor.u32 v3, v4  }
0x32: {  	v4 =	vperm.xlane v3, v0;
	_ =	sdelay $0x1  }
0x33: {  	v4 =	vadd.s32 v1, v4;
	_ =	sdelay $0x3  }
0x34: {  	s16 =	simm.s32 $0x3100;
	v3 =	vperm.xlane v3, v2  }
0x35: {  	[tilespmem:s16], [sflag:$0x1] =	stream.indirect_vreg.gather [hbm4b:s2+s3], $0x80, v4, vm0, $0xb8;
	[tilespmem:$0x18100] =	vst v63  }
0x36: {  	s17 =	simm.s32 $0x3900;
	v3 =	vadd.s32 v1, v3  }
0x37: {  	[tilespmem:s17], [sflag:$0x1] =	stream.indirect_vreg.gather [hbm4b:s5+s3], $0x80, v4, vm0, $0xb8;
	[tilespmem:$0x18100] =	vst v63  }
0x38: {  	s18 =	simm.s32 $0x4100  }
0x39: {  	[tilespmem:s18], [sflag:$0x1] =	stream.indirect_vreg.gather [hbm4b:s6+s3], $0x80, v4, vm0, $0xb8;
	[tilespmem:$0x18100] =	vst v63  }
0x3a: {  	s19 =	simm.s32 $0x4900  }
0x3b: {  	[tilespmem:s19], [sflag:$0x1] =	stream.indirect_vreg.gather [hbm4b:s2+s3], $0x80, v3, vm0, $0xb8;
	[tilespmem:$0x18100] =	vst v63  }
0x3c: {  	s20 =	simm.s32 $0x5100  }
0x3d: {  	[tilespmem:s20], [sflag:$0x1] =	stream.indirect_vreg.gather [hbm4b:s5+s3], $0x80, v3, vm0, $0xb8;
	[tilespmem:$0x18100] =	vst v63  }
0x3e: {  	_ = 	snop  }
0x3f: {  	[tilespmem:s21], [sflag:$0x1] =	stream.indirect_vreg.gather [hbm4b:s6+s3], $0x80, v3, vm0, $0xb8;
	[tilespmem:$0x18100] =	vst v63  }
0x40: {  	v3 =	vld [tilespmem:$0x20];
	_ =	sdelay $0x4  }
0x41: {  	v62 =	vshrl.u32 v3, $0x3  }
0x42: {  	v4 =	vmul.u32 $0x30, v62  }
0x43: {  	v3 =	vand.u32 $0x7, v3  }
0x44: {  	v3 =	vor.u32 v3, v4  }
0x45: {  	v4 =	vperm.xlane v3, v0;
	_ =	sdelay $0x1  }
0x46: {  	v4 =	vadd.s32 v1, v4;
	_ =	sdelay $0x3  }
0x47: {  	v3 =	vperm.xlane v3, v2  }
0x48: {  	[tilespmem:s22], [sflag:$0x1] =	stream.indirect_vreg.gather [hbm4b:s2+s3], $0x80, v4, vm0, $0xb8;
	[tilespmem:$0x18100] =	vst v63  }
0x49: {  	v3 =	vadd.s32 v1, v3  }
0x4a: {  	[tilespmem:s23], [sflag:$0x1] =	stream.indirect_vreg.gather [hbm4b:s5+s3], $0x80, v4, vm0, $0xb8;
	[tilespmem:$0x18100] =	vst v63  }
0x4b: {  	_ = 	snop  }
0x4c: {  	[tilespmem:s24], [sflag:$0x1] =	stream.indirect_vreg.gather [hbm4b:s6+s3], $0x80, v4, vm0, $0xb8;
	[tilespmem:$0x18100] =	vst v63  }
0x4d: {  	_ = 	snop  }
0x4e: {  	[tilespmem:s25], [sflag:$0x1] =	stream.indirect_vreg.gather [hbm4b:s2+s3], $0x80, v3, vm0, $0xb8;
	[tilespmem:$0x18100] =	vst v63  }
0x4f: {  	_ = 	snop  }
0x50: {  	[tilespmem:s26], [sflag:$0x1] =	stream.indirect_vreg.gather [hbm4b:s5+s3], $0x80, v3, vm0, $0xb8;
	[tilespmem:$0x18100] =	vst v63  }
0x51: {  	_ = 	snop  }
0x52: {  	[tilespmem:s28], [sflag:$0x1] =	stream.indirect_vreg.gather [hbm4b:s6+s3], $0x80, v3, vm0, $0xb8;
	[tilespmem:$0x18100] =	vst v63  }
0x53: {  	v3 =	vld [tilespmem:$0x30];
	_ =	sdelay $0x4  }
0x54: {  	v63 =	vshrl.u32 v3, $0x3  }
0x55: {  	v4 =	vmul.u32 $0x30, v63  }
0x56: {  	v3 =	vand.u32 $0x7, v3  }
0x57: {  	v3 =	vor.u32 v3, v4  }
0x58: {  	v4 =	vperm.xlane v3, v0;
	_ =	sdelay $0x1  }
0x59: {  	v4 =	vadd.s32 v1, v4;
	_ =	sdelay $0x3  }
0x5a: {  	v3 =	vperm.xlane v3, v2  }
0x5b: {  	[tilespmem:s29], [sflag:$0x1] =	stream.indirect_vreg.gather [hbm4b:s2+s3], $0x80, v4, vm0, $0xb8;
	[tilespmem:$0x18100] =	vst v63  }
0x5c: {  	v3 =	vadd.s32 v1, v3  }
0x5d: {  	[tilespmem:s30], [sflag:$0x1] =	stream.indirect_vreg.gather [hbm4b:s5+s3], $0x80, v4, vm0, $0xb8;
	[tilespmem:$0x18100] =	vst v63  }
0x5e: {  	_ = 	snop  }
0x5f: {  	[tilespmem:s31], [sflag:$0x1] =	stream.indirect_vreg.gather [hbm4b:s6+s3], $0x80, v4, vm0, $0xb8;
	[tilespmem:$0x18100] =	vst v63  }
0x60: {  	_ = 	snop  }
0x61: {  	[tilespmem:s1], [sflag:$0x1] =	stream.indirect_vreg.gather [hbm4b:s2+s3], $0x80, v3, vm0, $0xb8;
	[tilespmem:$0x18100] =	vst v63  }
.Ltmp2:
0x62: {  	_ = 	snop;
	(pc) =	sbr.rel .LBB2_2-.Ltmp2, $4  }
0x63: {  	_ = 	snop  }
0x64: {  	[tilespmem:s0], [sflag:$0x1] =	stream.indirect_vreg.gather [hbm4b:s5+s3], $0x80, v3, vm0, $0xb8;
	[tilespmem:$0x18100] =	vst v63  }
0x65: {  	s8 =	smov.u32 s15;
	s14 =	simm.s32 $0x70;
	s16 =	simm.s32 $0x0  }
0x66: {  	[tilespmem:s10], [sflag:$0x1] =	stream.indirect_vreg.gather [hbm4b:s6+s3], $0x80, v3, vm0, $0xb8;
	[tilespmem:$0x18100] =	vst v63  }
.LBB2_5:
0x67: {  	v3 =	vld [tilespmem:s14+$0xFFFFFFD0];
	_ =	sdelay $0x4  }
0x68: {  	v4 =	vshrl.u32 v3, $0x3  }
0x69: {  	v4 =	vmul.u32 $0x30, v4  }
0x6a: {  	v3 =	vand.u32 $0x7, v3  }
0x6b: {  	v3 =	vor.u32 v3, v4  }
0x6c: {  	v4 =	vperm.xlane v3, v0;
	_ =	sdelay $0x1  }
0x6d: {  	s18 =	sand.u32 $0x1, s17;
	v4 =	vadd.s32 v1, v4  }
0x6e: {  	s19 =	smul.u32 $0x30000, s18;
	_ =	sdelay $0x1  }
0x6f: {  	s19 =	sshrl.u32 s19, $0x2  }
0x70: {  	s18 =	sadd.s32 $0x1, s18;
	s20 =	sor.u32 $0x100, s19;
	v3 =	vperm.xlane v3, v2  }
0x71: {  	[tilespmem:s20], [sflag:s18] =	stream.indirect_vreg.gather [hbm4b:s2+s3], $0x80, v4, vm0, $0xb8;
	[tilespmem:$0x18100] =	vst v63  }
0x72: {  	v3 =	vadd.s32 v1, v3;
	s20 =	sor.u32 $0x900, s19  }
0x73: {  	[tilespmem:s20], [sflag:s18] =	stream.indirect_vreg.gather [hbm4b:s5+s3], $0x80, v4, vm0, $0xb8;
	[tilespmem:$0x18100] =	vst v63  }
0x74: {  	s20 =	sor.u32 $0x1100, s19  }
0x75: {  	[tilespmem:s20], [sflag:s18] =	stream.indirect_vreg.gather [hbm4b:s6+s3], $0x80, v4, vm0, $0xb8;
	[tilespmem:$0x18100] =	vst v63  }
0x76: {  	s20 =	sor.u32 $0x1900, s19  }
0x77: {  	[tilespmem:s20], [sflag:s18] =	stream.indirect_vreg.gather [hbm4b:s2+s3], $0x80, v3, vm0, $0xb8;
	[tilespmem:$0x18100] =	vst v63  }
0x78: {  	s20 =	sor.u32 $0x2100, s19  }
0x79: {  	[tilespmem:s20], [sflag:s18] =	stream.indirect_vreg.gather [hbm4b:s5+s3], $0x80, v3, vm0, $0xb8;
	[tilespmem:$0x18100] =	vst v63  }
0x7a: {  	s20 =	sor.u32 $0x2900, s19  }
0x7b: {  	[tilespmem:s20], [sflag:s18] =	stream.indirect_vreg.gather [hbm4b:s6+s3], $0x80, v3, vm0, $0xb8;
	[tilespmem:$0x18100] =	vst v63  }
0x7c: {  	v3 =	vld [tilespmem:s14+$0xFFFFFFE0];
	_ =	sdelay $0x4  }
0x7d: {  	v61 =	vshrl.u32 v3, $0x3  }
0x7e: {  	v4 =	vmul.u32 $0x30, v61  }
0x7f: {  	v3 =	vand.u32 $0x7, v3  }
0x80: {  	v3 =	vor.u32 v3, v4  }
0x81: {  	v4 =	vperm.xlane v3, v0;
	_ =	sdelay $0x1  }
0x82: {  	v4 =	vadd.s32 v1, v4;
	_ =	sdelay $0x3  }
0x83: {  	s20 =	sor.u32 $0x3100, s19;
	v3 =	vperm.xlane v3, v2  }
0x84: {  	[tilespmem:s20], [sflag:s18] =	stream.indirect_vreg.gather [hbm4b:s2+s3], $0x80, v4, vm0, $0xb8;
	[tilespmem:$0x18100] =	vst v63  }
0x85: {  	v3 =	vadd.s32 v1, v3;
	s20 =	sor.u32 $0x3900, s19  }
0x86: {  	[tilespmem:s20], [sflag:s18] =	stream.indirect_vreg.gather [hbm4b:s5+s3], $0x80, v4, vm0, $0xb8;
	[tilespmem:$0x18100] =	vst v63  }
0x87: {  	s20 =	sadd.s32 $0x4100, s19  }
0x88: {  	[tilespmem:s20], [sflag:s18] =	stream.indirect_vreg.gather [hbm4b:s6+s3], $0x80, v4, vm0, $0xb8;
	[tilespmem:$0x18100] =	vst v63  }
0x89: {  	s20 =	sadd.s32 $0x4900, s19  }
0x8a: {  	[tilespmem:s20], [sflag:s18] =	stream.indirect_vreg.gather [hbm4b:s2+s3], $0x80, v3, vm0, $0xb8;
	[tilespmem:$0x18100] =	vst v63  }
0x8b: {  	s20 =	sadd.s32 $0x5100, s19  }
0x8c: {  	[tilespmem:s20], [sflag:s18] =	stream.indirect_vreg.gather [hbm4b:s5+s3], $0x80, v3, vm0, $0xb8;
	[tilespmem:$0x18100] =	vst v63  }
0x8d: {  	s20 =	sadd.s32 $0x5900, s19  }
0x8e: {  	[tilespmem:s20], [sflag:s18] =	stream.indirect_vreg.gather [hbm4b:s6+s3], $0x80, v3, vm0, $0xb8;
	[tilespmem:$0x18100] =	vst v63  }
0x8f: {  	v3 =	vld [tilespmem:s14+$0xFFFFFFF0];
	_ =	sdelay $0x4  }
0x90: {  	v62 =	vshrl.u32 v3, $0x3  }
0x91: {  	v4 =	vmul.u32 $0x30, v62  }
0x92: {  	v3 =	vand.u32 $0x7, v3  }
0x93: {  	v3 =	vor.u32 v3, v4  }
0x94: {  	v4 =	vperm.xlane v3, v0;
	_ =	sdelay $0x1  }
0x95: {  	v4 =	vadd.s32 v1, v4;
	_ =	sdelay $0x3  }
0x96: {  	s20 =	sadd.s32 $0x6100, s19;
	v3 =	vperm.xlane v3, v2  }
0x97: {  	[tilespmem:s20], [sflag:s18] =	stream.indirect_vreg.gather [hbm4b:s2+s3], $0x80, v4, vm0, $0xb8;
	[tilespmem:$0x18100] =	vst v63  }
0x98: {  	v3 =	vadd.s32 v1, v3;
	s20 =	sadd.s32 $0x6900, s19  }
0x99: {  	[tilespmem:s20], [sflag:s18] =	stream.indirect_vreg.gather [hbm4b:s5+s3], $0x80, v4, vm0, $0xb8;
	[tilespmem:$0x18100] =	vst v63  }
0x9a: {  	s20 =	sadd.s32 $0x7100, s19  }
0x9b: {  	[tilespmem:s20], [sflag:s18] =	stream.indirect_vreg.gather [hbm4b:s6+s3], $0x80, v4, vm0, $0xb8;
	[tilespmem:$0x18100] =	vst v63  }
0x9c: {  	s20 =	sadd.s32 $0x7900, s19  }
0x9d: {  	[tilespmem:s20], [sflag:s18] =	stream.indirect_vreg.gather [hbm4b:s2+s3], $0x80, v3, vm0, $0xb8;
	[tilespmem:$0x18100] =	vst v63  }
0x9e: {  	s20 =	sadd.s32 $0x8100, s19  }
0x9f: {  	[tilespmem:s20], [sflag:s18] =	stream.indirect_vreg.gather [hbm4b:s5+s3], $0x80, v3, vm0, $0xb8;
	[tilespmem:$0x18100] =	vst v63  }
0xa0: {  	s20 =	sadd.s32 $0x8900, s19  }
0xa1: {  	[tilespmem:s20], [sflag:s18] =	stream.indirect_vreg.gather [hbm4b:s6+s3], $0x80, v3, vm0, $0xb8;
	[tilespmem:$0x18100] =	vst v63  }
0xa2: {  	v3 =	vld [tilespmem:s14+$0x0];
	_ =	sdelay $0x4  }
0xa3: {  	v63 =	vshrl.u32 v3, $0x3  }
0xa4: {  	v4 =	vmul.u32 $0x30, v63  }
0xa5: {  	v3 =	vand.u32 $0x7, v3  }
0xa6: {  	v3 =	vor.u32 v3, v4  }
0xa7: {  	v4 =	vperm.xlane v3, v0;
	_ =	sdelay $0x1  }
0xa8: {  	v4 =	vadd.s32 v1, v4;
	_ =	sdelay $0x3  }
0xa9: {  	s20 =	sadd.s32 $0x9100, s19;
	v3 =	vperm.xlane v3, v2  }
0xaa: {  	[tilespmem:s20], [sflag:s18] =	stream.indirect_vreg.gather [hbm4b:s2+s3], $0x80, v4, vm0, $0xb8;
	[tilespmem:$0x18100] =	vst v63  }
0xab: {  	v3 =	vadd.s32 v1, v3;
	s20 =	sadd.s32 $0x9900, s19  }
0xac: {  	[tilespmem:s20], [sflag:s18] =	stream.indirect_vreg.gather [hbm4b:s5+s3], $0x80, v4, vm0, $0xb8;
	[tilespmem:$0x18100] =	vst v63  }
0xad: {  	s20 =	sadd.s32 $0xA100, s19  }
0xae: {  	[tilespmem:s20], [sflag:s18] =	stream.indirect_vreg.gather [hbm4b:s6+s3], $0x80, v4, vm0, $0xb8;
	[tilespmem:$0x18100] =	vst v63  }
0xaf: {  	s20 =	sadd.s32 $0xA900, s19  }
0xb0: {  	[tilespmem:s20], [sflag:s18] =	stream.indirect_vreg.gather [hbm4b:s2+s3], $0x80, v3, vm0, $0xb8;
	[tilespmem:$0x18100] =	vst v63  }
0xb1: {  	s20 =	sadd.s32 $0xB100, s19  }
0xb2: {  	[tilespmem:s20], [sflag:s18] =	stream.indirect_vreg.gather [hbm4b:s5+s3], $0x80, v3, vm0, $0xb8;
	[tilespmem:$0x18100] =	vst v63  }
0xb3: {  	s19 =	sadd.s32 $0xB900, s19  }
0xb4: {  	[tilespmem:s19], [sflag:s18] =	stream.indirect_vreg.gather [hbm4b:s6+s3], $0x80, v3, vm0, $0xb8;
	[tilespmem:$0x18100] =	vst v63  }
.LBB2_6:
0xb5: {  	s16 =	sand.u32 $0x1, s16  }
0xb6: {  	p0 =	sne.s32 s17, $0x4;
	s18 =	sadd.s32 $0x1, s16;
	s19 =	smul.u32 $0x30000, s16  }
.Ltmp3:
0xb7: {  	_ =	swait.ge [sflag:s18], $0xC000;
	(pc) =	sbr.rel @!p0 .LBB2_7-.Ltmp3, $4  }
0xb8: {  	[sflag:s18] =	ssyncset.done $0x0;
	s19 =	sshrl.u32 s19, $0x2  }
0xb9: {  	s16 =	sadd.s32 $0x3, s16;
	[sflag:s18] =	ssyncadd.s32 $0xFFFF4000;
	s20 =	sor.u32 $0x100, s19  }
0xba: {  	[hbm4b:s8+s3] =	stream.linear.scatter [tilespmem:s20], [sflag:s16], $0xC000, $0x38;
	[tilespmem:$0x18100] =	vst v63  }
0xbb: {  	s14 =	sadd.s32 $0x40, s14;
	s8 =	sadd.s32 $0x1800, s8;
	s16 =	smov.u32 s17  }
.LBB2_2:
0xbc: {  	p0 =	seq.s32 s16, $0x0  }
.Ltmp4:
0xbd: {  	_ = 	snop;
	(pc) =	sbr.rel @p0 .LBB2_5-.Ltmp4, $2  }
0xbe: {  	_ =	sdelay $0x2  }
0xbf: {  	s17 =	sadd.s32 $0x1, s16  }
0xc0: {  	p0 =	seq.s32 s16, $0x3  }
.Ltmp5:
0xc1: {  	_ = 	snop;
	(pc) =	sbr.rel @p0 .LBB2_6-.Ltmp5, $1  }
0xc2: {  	_ =	sdelay $0x3  }
0xc3: {  	s18 =	sxor.u32 $0xFFFFFFFF, s16  }
.Ltmp6:
0xc4: {  	s18 =	sand.u32 $0x1, s18;
	(pc) =	sbr.rel .LBB2_5-.Ltmp6, $4  }
0xc5: {  	s18 =	sadd.s32 $0x3, s18  }
0xc6: {  	_ =	swait.ge [sflag:s18], $0xC000  }
0xc7: {  	[sflag:s18] =	ssyncset.done $0x0  }
0xc8: {  	[sflag:s18] =	ssyncadd.s32 $0xFFFF4000  }
.LBB2_8:
0xc9: {  	_ =	sfence.sel $0x180000  }
0xca: {  	[bflag:$0x0] =	sbarrier.arrive $0xFFFF  }
0xcb: {  	_ =	strace $0x90000050  }
0xcc: {  	s0 =	stileid.u32;
	[bflag:$0x2] =	sbarrier.arrive $0xFFFF  }
0xcd: {  	p0 =	sne.s32 s0, $0x0;
	s0 =	rddreg [dreg:$0x2]  }
0xce: {  	s0 =	sadd.s32 @!p0 $0x100000, s0  }
0xcf: {  	[sflag:s0] =	ssyncadd.tile.s32 @!p0 $0x1;
	_ =	shalt  }
.Lfunc_end2:
_tile_overlayer_lowered:
.L_overlay_start_2:
0xd0: {  	(tag) =	ssettag $0x2  }
0xd1: {  	s0 =	rddreg [dreg:$0x0];
	s2 =	stileid.u32  }
0xd2: {  	s1 =	rddreg [dreg:$0x1];
	p0 =	sne.s32 s2, $0x0  }
0xd3: {  	s3 =	rddreg [dreg:$0x2];
	[bflag:$0x3] =	sbarrier.arrive $0xFFFF;
	s2 =	simm.s32 @!p0 $0x1C05  }
0xd4: {  	[timem:s3], [sflag:s2] =	dma.local @!p0 [hbm:s0], s1  }
0xd5: {  	s0 =	simm.s32 @!p0 $0x5  }
0xd6: {  	_ =	swait.ge @!p0 [sflag:s0], s1  }
0xd7: {  	s1 =	ssub.s32 @!p0 $0x0, s1;
	[sflag:s0] =	ssyncset.done @!p0 $0x0  }
0xd8: {  	[sflag:s0] =	ssyncadd.s32 @!p0 s1  }
0xd9: {  	[bflag:$0x3] =	sbarrier.arrive $0xFFFF  }
0xda: {  	_ =	shalt  }

</sc_bundles>
